<compile_context>
chip_gen: v7x
topology: tpu7x:2x2x1
jax: 0.10.2.dev20260603
libtpu: 0.0.44.dev20260713+nightly
codegen_flags: <defaults>
</compile_context>

<pallas_src>
import functools

import jax
import jax.numpy as jnp
from jax import lax
from jax.experimental import pallas as pl
from jax.experimental.pallas import tpu as pltpu
from jax.experimental.pallas import tpu_sc as plsc

PS = 2.0
XMIN = -60.0
YMIN = -60.0
GW = 60
GH = 60
NPIL = GW * GH
EPS = 1e-5

B = 4
N = 131072
PT = 2048
NT = N // PT
NTOT = float(B * N)
G64 = 64
CH = 128


def _pillar_onehots(pts):
    x = pts[0:1, :]
    y = pts[1:2, :]
    pxi = ((x - XMIN) / PS).astype(jnp.int32)
    pyi = ((y - YMIN) / PS).astype(jnp.int32)
    valid = ((pxi >= 0) & (pxi < GW) & (pyi >= 0) & (pyi < GH))
    pxi = jnp.clip(pxi, 0, GW - 1)
    pyi = jnp.clip(pyi, 0, GH - 1)
    giota = lax.broadcasted_iota(jnp.int32, (G64, 1), 0)
    oxT = (giota == pxi).astype(jnp.float32)
    oyT = (giota == pyi).astype(jnp.float32)
    return oxT, oyT, valid.astype(jnp.float32), pxi, pyi


def _stage_a_body(pts_ref, psum_ref, pidx_ref):
    t = pl.program_id(1)
    pts = pts_ref[0]
    oxT, oyT, valid, pxi, pyi = _pillar_onehots(pts)
    pidx_ref[0, 0] = (pyi * GW + pxi).astype(jnp.int32)

    oxv = oxT * valid
    dn = (((1,), (1,)), ((), ()))

    @pl.when(t == 0)
    def _():
        psum_ref[...] = jnp.zeros_like(psum_ref)

    for c in range(4):
        v = pts[c:c + 1, :] if c < 3 else jnp.ones_like(valid)
        contrib = lax.dot_general(oyT, oxv * v, dn,
                                  preferred_element_type=jnp.float32)
        psum_ref[0, c] += contrib


def _stage_b_body(pts_ref, psum_ref, aug_ref, m_ref):
    bi = pl.program_id(0)
    t = pl.program_id(1)
    pts = pts_ref[0]
    oxT, oyT, valid, pxi, pyi = _pillar_onehots(pts)

    cnt = psum_ref[0, 3]
    inv = 1.0 / jnp.maximum(cnt, 1.0)
    dn0 = (((0,), (0,)), ((), ()))
    gm = []
    for c in range(3):
        pm = psum_ref[0, c] * inv
        u = lax.dot_general(pm, oyT, dn0,
                            preferred_element_type=jnp.float32)
        gm.append(jnp.sum(oxT * u, axis=0, keepdims=True))

    cx = XMIN + (pxi.astype(jnp.float32) + 0.5) * PS
    cy = YMIN + (pyi.astype(jnp.float32) + 0.5) * PS
    om = pts[0:3, :] - jnp.concatenate(gm, axis=0)
    oc = pts[0:2, :] - jnp.concatenate([cx, cy], axis=0)
    z2 = jnp.zeros((2, pts.shape[1]), jnp.float32)
    augh = jnp.concatenate([pts, om, oc, valid, z2], axis=0) * valid
    aug_ref[0] = augh

    dn1 = (((1,), (1,)), ((), ()))
    m = lax.dot_general(augh, augh, dn1, preferred_element_type=jnp.float32)

    @pl.when((bi == 0) & (t == 0))
    def _():
        m_ref[...] = jnp.zeros_like(m_ref)

    m_ref[...] += m


def _stage_c_body(aug_ref, m_ref, w_ref, p_ref, feat_ref):
    mm = m_ref[...] * (1.0 / NTOT)
    w = w_ref[...]
    bb = p_ref[0:1, :]
    gg = p_ref[1:2, :]
    be = p_ref[2:3, :]

    cw = lax.dot_general(mm, w, (((1,), (0,)), ((), ())),
                         preferred_element_type=jnp.float32)
    ef2 = jnp.sum(w * cw, axis=0, keepdims=True)
    colmask = (lax.broadcasted_iota(jnp.int32, (1, 16), 1) < 13)
    s1 = mm[13:14, :] * colmask.astype(jnp.float32)
    mu0 = lax.dot_general(s1, w, (((1,), (0,)), ((), ())),
                          preferred_element_type=jnp.float32)
    mean = mu0 + bb
    var = ef2 + 2.0 * bb * mu0 + bb * bb - mean * mean
    scale = gg * lax.rsqrt(var + EPS)
    shift = be - mean * scale
    rowmask = (lax.broadcasted_iota(jnp.int32, (16, 1), 0) == 13)
    weff = w * scale + rowmask.astype(jnp.float32) * shift

    augh = aug_ref[0]
    feat = lax.dot_general(augh, weff, (((0,), (0,)), ((), ())),
                           preferred_element_type=jnp.float32)
    feat_ref[0] = jnp.maximum(feat, 0.0)


PR = NPIL // 2
TROWS = PR + 8
TW = TROWS * 64


def _scatter_max(pidx1d, feat1d):
    mesh = plsc.VectorSubcoreMesh(core_axis_name="c", subcore_axis_name="s")
    Q = 4
    npts = N // Q

    @functools.partial(
        pl.kernel,
        out_type=jax.ShapeDtypeStruct((32 * TW,), jnp.float32),
        mesh=mesh,
        scratch_types=[
            pltpu.VMEM((TW,), jnp.float32),
            pltpu.VMEM((16 * CH,), jnp.int32),
            pltpu.VMEM((CH * 64,), jnp.float32),
        ],
    )
    def sc_kernel(idx_hbm, feat_hbm, out_hbm, tbl, idxb, rowb):
        ci = lax.axis_index("c")
        si = lax.axis_index("s")
        wid = si * 2 + ci
        q = wid // 8
        r = wid % 8
        bi = r // 2
        pr = r % 2
        pbase = pr * PR

        def zbody(i, carry):
            tbl[pl.ds(i * 16, 16)] = jnp.zeros((16,), jnp.float32)
            return carry

        lax.fori_loop(0, TW // 16, zbody, 0)

        def sup(sg, carry):
            sbase = bi * N + q * npts + sg * (16 * CH)
            pltpu.sync_copy(idx_hbm.at[pl.ds(sbase, 16 * CH)], idxb)

            def chunk(g, c3):
                pstart = sbase + g * CH
                pltpu.sync_copy(feat_hbm.at[pl.ds(pstart * 64, CH * 64)],
                                rowb)

                def grp(k, c2):
                    iv = idxb[pl.ds(g * CH + k * 16, 16)]
                    for jj in range(16):
                        local = iv[jj] - pbase
                        ok = (local >= 0) & (local < PR)
                        ta = jnp.where(ok, local, PR) * 64
                        ra = (k * 16 + jj) * 64
                        for c in range(4):
                            row = rowb[pl.ds(ra + c * 16, 16)]
                            cur = tbl[pl.ds(ta + c * 16, 16)]
                            tbl[pl.ds(ta + c * 16, 16)] = \
                                jnp.maximum(cur, row)
                    return c2

                lax.fori_loop(0, CH // 16, grp, 0)
                return c3

            lax.fori_loop(0, 16, chunk, 0)
            return carry

        lax.fori_loop(0, npts // (16 * CH), sup, 0)
        pltpu.sync_copy(tbl, out_hbm.at[pl.ds(wid * TW, TW)])

    return sc_kernel(pidx1d, feat1d)


def _conv_bn_relu(xp, wt_ref, pk, stride, hout, cout):
    cin = xp.shape[-1]
    h = xp.shape[1] - 2
    hr = 2 * hout if stride == 2 else h
    rows = B * hout * h if stride == 2 else B * h * h
    acc = jnp.zeros((rows, cout), jnp.float32)
    for di in range(3):
        for dj in range(3):
            sl = lax.slice(xp, (0, di, dj, 0), (B, di + hr, dj + h, cin))
            if stride == 2:
                sl = sl.reshape(B, hout, 2, h, cin)[:, :, 0, :, :]
            acc += lax.dot_general(
                sl.reshape(rows, cin), wt_ref[di * 3 + dj],
                (((1,), (0,)), ((), ())), preferred_element_type=jnp.float32)
    if stride == 2:
        o = lax.broadcasted_iota(jnp.int32, (hout * hout, 1), 0)
        i = lax.broadcasted_iota(jnp.int32, (1, hout * h), 1)
        target = (o // hout) * h + 2 * (o % hout)
        sel = (i == target).astype(jnp.float32)
        y = acc.reshape(B, hout * h, cout)
        zs = [lax.dot_general(sel, y[b], (((1,), (0,)), ((), ())),
                              preferred_element_type=jnp.float32)
              .reshape(1, hout * hout, cout) for b in range(B)]
        acc = jnp.concatenate(zs, axis=0).reshape(B * hout * hout, cout)
    acc += pk[0:1, :]
    mean = jnp.mean(acc, axis=0, keepdims=True)
    var = jnp.mean((acc - mean) * (acc - mean), axis=0, keepdims=True)
    h2 = (acc - mean) * lax.rsqrt(var + EPS) * pk[1:2, :] + pk[2:3, :]
    h2 = jnp.maximum(h2, 0.0)
    return h2.reshape(B, hout, hout, cout)


def _stage_merge_body(pf_ref, out_ref):
    pf4 = pf_ref[...]
    pf = jnp.max(pf4, axis=0)
    out_ref[...] = pf.reshape(B, GH, GW, 64)


def _conv_taps_body(x_ref, w_ref, out_ref, pad, *, stride, hout):
    h = x_ref.shape[1]
    cin = x_ref.shape[3]
    cout = w_ref.shape[2]
    pad[...] = jnp.zeros_like(pad)
    pad[:, 1:h + 1, 1:h + 1, :] = x_ref[...]
    xp = pad[...]
    hr = 2 * hout if stride == 2 else h
    rows = hout * h if stride == 2 else h * h
    acc = jnp.zeros((rows, cout), jnp.float32)
    for di in range(3):
        for dj in range(3):
            sl = lax.slice(xp, (0, di, dj, 0), (1, di + hr, dj + h, cin))
            if stride == 2:
                sl = sl.reshape(1, hout, 2, h, cin)[:, :, 0, :, :]
            acc += lax.dot_general(
                sl.reshape(rows, cin), w_ref[di * 3 + dj],
                (((1,), (0,)), ((), ())), preferred_element_type=jnp.float32)
    if stride == 2:
        o = lax.broadcasted_iota(jnp.int32, (hout * hout, 1), 0)
        i = lax.broadcasted_iota(jnp.int32, (1, hout * h), 1)
        target = (o // hout) * h + 2 * (o % hout)
        sel = (i == target).astype(jnp.float32)
        acc = lax.dot_general(sel, acc, (((1,), (0,)), ((), ())),
                              preferred_element_type=jnp.float32)
    out_ref[0] = acc


def _bn_relu_body(a_ref, pk_ref, out_ref):
    r = a_ref.shape[1]
    c = a_ref.shape[2]
    pk = pk_ref[...]
    a = a_ref[...].reshape(B * r, c) + pk[0:1, :]
    mean = jnp.mean(a, axis=0, keepdims=True)
    var = jnp.mean((a - mean) * (a - mean), axis=0, keepdims=True)
    h = (a - mean) * lax.rsqrt(var + EPS) * pk[1:2, :] + pk[2:3, :]
    out_ref[...] = jnp.maximum(h, 0.0).reshape(B, r, c)


def _conv_grid(x, wt, stride, hout, cout):
    h = x.shape[1]
    cin = x.shape[3]
    rows = hout * hout
    return pl.pallas_call(
        functools.partial(_conv_taps_body, stride=stride, hout=hout),
        grid=(B,),
        in_specs=[
            pl.BlockSpec((1, h, h, cin), lambda b: (b, 0, 0, 0)),
            pl.BlockSpec((9, cin, cout), lambda b: (0, 0, 0)),
        ],
        out_specs=pl.BlockSpec((1, rows, cout), lambda b: (b, 0, 0)),
        out_shape=jax.ShapeDtypeStruct((B, rows, cout), jnp.float32),
        scratch_shapes=[pltpu.VMEM((1, h + 2, h + 2, cin), jnp.float32)],
    )(x, wt)


def _bn_relu(a, pk):
    return pl.pallas_call(
        _bn_relu_body,
        out_shape=jax.ShapeDtypeStruct(a.shape, jnp.float32),
    )(a, pk)


def _stage_e2_body(h2_ref, w3_ref, w4_ref, p3_ref, p4_ref, mlp_ref, p5_ref,
                   out_ref, s2, s3):
    h2 = h2_ref[...]
    s2[...] = jnp.zeros_like(s2)
    s2[:, 1:31, 1:31, :] = h2
    h3 = _conv_bn_relu(s2[...], w3_ref, p3_ref[...], 2, 15, 256)

    s3[...] = jnp.zeros_like(s3)
    s3[:, 1:16, 1:16, :] = h3
    h4 = _conv_bn_relu(s3[...], w4_ref, p4_ref[...], 2, 8, 256)

    gf = jnp.mean(h4.reshape(B, 64, 256), axis=1)
    lat = lax.dot_general(gf, mlp_ref[...], (((1,), (0,)), ((), ())),
                          preferred_element_type=jnp.float32)
    lat = lat + p5_ref[0:1, :]
    mu = jnp.mean(lat, axis=1, keepdims=True)
    var = jnp.mean((lat - mu) * (lat - mu), axis=1, keepdims=True)
    out_ref[...] = (lat - mu) * lax.rsqrt(var + EPS) * p5_ref[1:2, :] \
        + p5_ref[2:3, :]


def kernel(points, pfn_w, pfn_b, pfn_bn_g, pfn_bn_b,
           cw1, cb1, bg1, bb1, cw2, cb2, bg2, bb2,
           cw3, cb3, bg3, bb3, cw4, cb4, bg4, bb4,
           mlp_w, mlp_b, ln_g, ln_b):
    pts_t = jnp.transpose(points, (0, 2, 1))

    psum, pidx4 = pl.pallas_call(
        _stage_a_body,
        grid=(B, NT),
        in_specs=[pl.BlockSpec((1, 8, PT), lambda b, t: (b, 0, t))],
        out_specs=[
            pl.BlockSpec((1, 4, G64, G64), lambda b, t: (b, 0, 0, 0)),
            pl.BlockSpec((1, 1, 1, PT), lambda b, t: (b, t, 0, 0)),
        ],
        out_shape=[
            jax.ShapeDtypeStruct((B, 4, G64, G64), jnp.float32),
            jax.ShapeDtypeStruct((B, NT, 1, PT), jnp.int32),
        ],
    )(pts_t)

    aug_t, mmat = pl.pallas_call(
        _stage_b_body,
        grid=(B, NT),
        in_specs=[
            pl.BlockSpec((1, 8, PT), lambda b, t: (b, 0, t)),
            pl.BlockSpec((1, 4, G64, G64), lambda b, t: (b, 0, 0, 0)),
        ],
        out_specs=[
            pl.BlockSpec((1, 16, PT), lambda b, t: (b, 0, t)),
            pl.BlockSpec((16, 16), lambda b, t: (0, 0)),
        ],
        out_shape=[
            jax.ShapeDtypeStruct((B, 16, N), jnp.float32),
            jax.ShapeDtypeStruct((16, 16), jnp.float32),
        ],
    )(pts_t, psum)

    wt16 = jnp.zeros((16, 64), jnp.float32).at[0:13, :].set(pfn_w.T)
    pfnp = jnp.zeros((8, 64), jnp.float32)
    pfnp = pfnp.at[0].set(pfn_b).at[1].set(pfn_bn_g).at[2].set(pfn_bn_b)

    feat = pl.pallas_call(
        _stage_c_body,
        grid=(B, NT),
        in_specs=[
            pl.BlockSpec((1, 16, PT), lambda b, t: (b, 0, t)),
            pl.BlockSpec((16, 16), lambda b, t: (0, 0)),
            pl.BlockSpec((16, 64), lambda b, t: (0, 0)),
            pl.BlockSpec((8, 64), lambda b, t: (0, 0)),
        ],
        out_specs=pl.BlockSpec((1, PT, 64), lambda b, t: (b, t, 0)),
        out_shape=jax.ShapeDtypeStruct((B, N, 64), jnp.float32),
    )(aug_t, mmat, wt16, pfnp)

    pfeat1d = _scatter_max(pidx4.reshape(-1), feat.reshape(-1))
    pfeat = pfeat1d.reshape(4, B, 2, TROWS, 64)[:, :, :, :PR, :]
    pfeat = pfeat.reshape(4, B, NPIL, 64)

    w1t = jnp.transpose(cw1, (2, 3, 1, 0)).reshape(9, 64, 64)
    w2t = jnp.transpose(cw2, (2, 3, 1, 0)).reshape(9, 64, 128)
    w3t = jnp.transpose(cw3, (2, 3, 1, 0)).reshape(9, 128, 256)
    w4t = jnp.transpose(cw4, (2, 3, 1, 0)).reshape(9, 256, 256)

    def pack3(a, b_, c):
        p = jnp.zeros((8, a.shape[0]), jnp.float32)
        return p.at[0].set(a).at[1].set(b_).at[2].set(c)

    p1 = pack3(cb1, bg1, bb1)
    p2 = pack3(cb2, bg2, bb2)
    p3 = pack3(cb3, bg3, bb3)
    p4 = pack3(cb4, bg4, bb4)
    p5 = pack3(mlp_b, ln_g, ln_b)

    x0 = pl.pallas_call(
        _stage_merge_body,
        out_shape=jax.ShapeDtypeStruct((B, GH, GW, 64), jnp.float32),
    )(pfeat)

    c1 = _conv_grid(x0, w1t, 1, 60, 64)
    h1 = _bn_relu(c1, p1).reshape(B, 60, 60, 64)
    c2 = _conv_grid(h1, w2t, 2, 30, 128)
    h2 = _bn_relu(c2, p2).reshape(B, 30, 30, 128)

    out = pl.pallas_call(
        _stage_e2_body,
        out_shape=jax.ShapeDtypeStruct((B, 256), jnp.float32),
        scratch_shapes=[
            pltpu.VMEM((B, 32, 32, 128), jnp.float32),
            pltpu.VMEM((B, 18, 18, 256), jnp.float32),
        ],
    )(h2, w3t, w4t, p3, p4, jnp.transpose(mlp_w), p5)

    return out

# --- scband reference (transcript-rebuilt; emitter-appended) ---
"""Pipeline reference for scband-terrain-encoder-51135880626706 (READ-ONLY COPY).

The authoritative reference and input builder live on the scoring server;
editing this copy changes nothing except your own understanding.
"""

import jax, jax.numpy as jnp
import numpy as np

PS = 2.0
XMIN = -60.0
YMIN = -60.0
GW = 60
GH = 60
NPIL = GW * GH
EPS = 1e-5


def _bn_train(x, g, b, axes):
    mean = jnp.mean(x, axis=axes, keepdims=True)
    var = jnp.mean((x - mean) ** 2, axis=axes, keepdims=True)
    xn = (x - mean) / jnp.sqrt(var + EPS)
    shape = [1] * x.ndim
    shape[1] = -1
    return xn * g.reshape(shape) + b.reshape(shape)


def _conv(x, w, b, stride):
    out = jax.lax.conv_general_dilated(x, w, window_strides=(stride, stride), padding=((1, 1), (1, 1)), dimension_numbers=('NCHW', 'OIHW', 'NCHW'))
    return out + b.reshape(1, -1, 1, 1)


def _forward(points, pfn_w, pfn_b, pfn_bn_g, pfn_bn_b, cw1, cb1, bg1, bb1, cw2, cb2, bg2, bb2, cw3, cb3, bg3, bb3, cw4, cb4, bg4, bb4, mlp_w, mlp_b, ln_g, ln_b):
    B, N, C = points.shape
    x = points[..., 0]
    y = points[..., 1]
    px = ((x - XMIN) / PS).astype(jnp.int32)
    py = ((y - YMIN) / PS).astype(jnp.int32)
    in_range = (px >= 0) & (px < GW) & (py >= 0) & (py < GH)
    px = jnp.clip(px, 0, GW - 1)
    py = jnp.clip(py, 0, GH - 1)
    pillar_idx = py * GW + px
    valid = in_range.astype(points.dtype)
    xyz = points[..., :3]
    flat_idx = (pillar_idx + jnp.arange(B, dtype=jnp.int32)[:, None] * NPIL).reshape(-1)
    psum = jnp.zeros((B * NPIL, 3), dtype=points.dtype).at[flat_idx].add((xyz * valid[..., None]).reshape(-1, 3))
    pcount = jnp.zeros((B * NPIL,), dtype=points.dtype).at[flat_idx].add(valid.reshape(-1))
    pmean = psum / jnp.maximum(pcount, 1.0)[:, None]
    per_point_mean = pmean[flat_idx].reshape(B, N, 3)
    off_mean = xyz - per_point_mean
    cx = XMIN + (px.astype(points.dtype) + 0.5) * PS
    cy = YMIN + (py.astype(points.dtype) + 0.5) * PS
    off_center = jnp.stack([x - cx, y - cy], axis=-1)
    aug = jnp.concatenate([points, off_mean, off_center], axis=-1)
    aug = aug * valid[..., None]
    feat = aug.reshape(-1, C + 5) @ pfn_w.T + pfn_b
    feat = _bn_train(feat, pfn_bn_g, pfn_bn_b, (0,))
    feat = jax.nn.relu(feat).reshape(B, N, -1)
    feat = feat * valid[..., None]
    D = feat.shape[-1]
    pfeat = jnp.full((B * NPIL, D), -jnp.inf, dtype=points.dtype).at[flat_idx].max(feat.reshape(-1, D))
    pfeat = jnp.where(jnp.isinf(pfeat), 0.0, pfeat)
    bev = pfeat.reshape(B, NPIL, D).transpose(0, 2, 1).reshape(B, D, GH, GW)
    h = jax.nn.relu(_bn_train(_conv(bev, cw1, cb1, 1), bg1, bb1, (0, 2, 3)))
    h = jax.nn.relu(_bn_train(_conv(h, cw2, cb2, 2), bg2, bb2, (0, 2, 3)))
    h = jax.nn.relu(_bn_train(_conv(h, cw3, cb3, 2), bg3, bb3, (0, 2, 3)))
    h = jax.nn.relu(_bn_train(_conv(h, cw4, cb4, 2), bg4, bb4, (0, 2, 3)))
    gf = h.mean(axis=(2, 3))
    lat = gf @ mlp_w.T + mlp_b
    mu = lat.mean(axis=-1, keepdims=True)
    var = jnp.mean((lat - mu) ** 2, axis=-1, keepdims=True)
    lat = (lat - mu) / jnp.sqrt(var + EPS) * ln_g + ln_b
    return lat


def setup_inputs(seed: int = 0):
    key = jax.random.key(seed)
    ks = jax.random.split(key, 10)
    def w(k, shape):
        return jax.random.normal(k, shape, dtype=jnp.float32) * 0.05
    inp = {}
    inp['points'] = jax.random.normal(ks[0], (4, 131072, 8), dtype=jnp.float32)
    inp['pfn_w'] = w(ks[1], (64, 13))
    inp['pfn_b'] = jnp.zeros((64,), jnp.float32)
    inp['pfn_bn_g'] = jnp.ones((64,), jnp.float32)
    inp['pfn_bn_b'] = jnp.zeros((64,), jnp.float32)
    inp['cw1'] = w(ks[2], (64, 64, 3, 3))
    inp['cb1'] = jnp.zeros((64,), jnp.float32)
    inp['bg1'] = jnp.ones((64,), jnp.float32)
    inp['bb1'] = jnp.zeros((64,), jnp.float32)
    inp['cw2'] = w(ks[3], (128, 64, 3, 3))
    inp['cb2'] = jnp.zeros((128,), jnp.float32)
    inp['bg2'] = jnp.ones((128,), jnp.float32)
    inp['bb2'] = jnp.zeros((128,), jnp.float32)
    inp['cw3'] = w(ks[4], (256, 128, 3, 3))
    inp['cb3'] = jnp.zeros((256,), jnp.float32)
    inp['bg3'] = jnp.ones((256,), jnp.float32)
    inp['bb3'] = jnp.zeros((256,), jnp.float32)
    inp['cw4'] = w(ks[5], (256, 256, 3, 3))
    inp['cb4'] = jnp.zeros((256,), jnp.float32)
    inp['bg4'] = jnp.ones((256,), jnp.float32)
    inp['bb4'] = jnp.zeros((256,), jnp.float32)
    inp['mlp_w'] = w(ks[6], (256, 256))
    inp['mlp_b'] = jnp.zeros((256,), jnp.float32)
    inp['ln_g'] = jnp.ones((256,), jnp.float32)
    inp['ln_b'] = jnp.zeros((256,), jnp.float32)
    return inp


def reference(points, pfn_w, pfn_b, pfn_bn_g, pfn_bn_b, cw1, cb1, bg1, bb1, cw2, cb2, bg2, bb2, cw3, cb3, bg3, bb3, cw4, cb4, bg4, bb4, mlp_w, mlp_b, ln_g, ln_b):
    return _forward(points, pfn_w, pfn_b, pfn_bn_g, pfn_bn_b, cw1, cb1, bg1, bb1, cw2, cb2, bg2, bb2, cw3, cb3, bg3, bb3, cw4, cb4, bg4, bb4, mlp_w, mlp_b, ln_g, ln_b)

if __name__ == "__main__":
    import jax
    _d = setup_inputs()
    print(jax.jit(kernel)(*tuple(_d.values())))

</pallas_src>

<mosaic_0001>
#map = affine_map<(d0, d1) -> (0)>
module attributes {stable_mosaic.version = 14 : i64} {
  func.func @sc_kernel(%arg0: i32, %arg1: i32, %arg2: memref<524288xi32, #tpu.memory_space<hbm>>, %arg3: memref<33554432xf32, #tpu.memory_space<hbm>>, %arg4: memref<3702784xf32, #tpu.memory_space<hbm>>, %arg5: memref<115712xf32, #tpu.memory_space<vmem>>, %arg6: memref<2048xi32, #tpu.memory_space<vmem>>, %arg7: memref<8192xf32, #tpu.memory_space<vmem>>) attributes {dimension_semantics = [#tpu.dimension_semantics<core_parallel>, #tpu.dimension_semantics<subcore_parallel>], iteration_bounds = array<i64: 2, 16>, scalar_prefetch = 0 : i64, scratch_operands = 3 : i64, tpu.core_type = #tpu.core_type<sc_vector_subcore>, window_params = [{transform_indices = #map}, {transform_indices = #map}, {transform_indices = #map}]} {
    %mul3A = arith.constant 2 : i32
    %mul3A_0 = arith.muli %arg1, %mul3A : i32
    %add3A = arith.addi %mul3A_0, %arg0 : i32
    %jit3A = arith.constant 8 : i32
    %div3A = arith.divsi %add3A, %jit3A : i32
    %sign3A = arith.constant 0 : i32
    %sign3A_1 = arith.cmpi sgt, %add3A, %sign3A : i32
    %sign3A_2 = arith.extui %sign3A_1 : i1 to i32
    %sign3A_3 = arith.constant 0 : i32
    %sign3A_4 = arith.cmpi slt, %add3A, %sign3A_3 : i32
    %sign3A_5 = arith.extui %sign3A_4 : i1 to i32
    %sign3A_6 = arith.subi %sign3A_2, %sign3A_5 : i32
    %sign3A_7 = arith.constant 0 : i32
    %sign3A_8 = arith.cmpi sgt, %jit3A, %sign3A_7 : i32
    %sign3A_9 = arith.extui %sign3A_8 : i1 to i32
    %sign3A_10 = arith.constant 0 : i32
    %sign3A_11 = arith.cmpi slt, %jit3A, %sign3A_10 : i32
    %sign3A_12 = arith.extui %sign3A_11 : i1 to i32
    %sign3A_13 = arith.subi %sign3A_9, %sign3A_12 : i32
    %ne3A = arith.cmpi ne, %sign3A_6, %sign3A_13 : i32
    %rem3A = arith.remsi %add3A, %jit3A : i32
    %ne3A_14 = arith.constant 0 : i32
    %ne3A_15 = arith.cmpi ne, %rem3A, %ne3A_14 : i32
    %and3A = arith.andi %ne3A, %ne3A_15 : i1
    %sub3A = arith.constant 1 : i32
    %sub3A_16 = arith.subi %div3A, %sub3A : i32
    %select_n3A = arith.select %and3A, %sub3A_16, %div3A : i32
    %jit3A_17 = arith.constant 8 : i32
    %eq3A = arith.constant 0 : i32
    %eq3A_18 = arith.cmpi eq, %jit3A_17, %eq3A : i32
    %jit3A_19 = arith.constant 1 : i32
    %select_n3A_20 = arith.select %eq3A_18, %jit3A_19, %jit3A_17 : i32
    %rem3A_21 = arith.remsi %add3A, %select_n3A_20 : i32
    %ne3A_22 = arith.constant 0 : i32
    %ne3A_23 = arith.cmpi ne, %rem3A_21, %ne3A_22 : i32
    %lt3A = arith.constant 0 : i32
    %lt3A_24 = arith.cmpi slt, %rem3A_21, %lt3A : i32
    %lt3A_25 = arith.constant 0 : i32
    %lt3A_26 = arith.cmpi slt, %select_n3A_20, %lt3A_25 : i32
    %ne3A_27 = arith.xori %lt3A_24, %lt3A_26 : i1
    %and3A_28 = arith.andi %ne3A_27, %ne3A_23 : i1
    %add3A_29 = arith.addi %rem3A_21, %select_n3A_20 : i32
    %select_n3A_30 = arith.select %and3A_28, %add3A_29, %rem3A_21 : i32
    %jit3A_31 = arith.constant 2 : i32
    %div3A_32 = arith.divsi %select_n3A_30, %jit3A_31 : i32
    %sign3A_33 = arith.constant 0 : i32
    %sign3A_34 = arith.cmpi sgt, %select_n3A_30, %sign3A_33 : i32
    %sign3A_35 = arith.extui %sign3A_34 : i1 to i32
    %sign3A_36 = arith.constant 0 : i32
    %sign3A_37 = arith.cmpi slt, %select_n3A_30, %sign3A_36 : i32
    %sign3A_38 = arith.extui %sign3A_37 : i1 to i32
    %sign3A_39 = arith.subi %sign3A_35, %sign3A_38 : i32
    %sign3A_40 = arith.constant 0 : i32
    %sign3A_41 = arith.cmpi sgt, %jit3A_31, %sign3A_40 : i32
    %sign3A_42 = arith.extui %sign3A_41 : i1 to i32
    %sign3A_43 = arith.constant 0 : i32
    %sign3A_44 = arith.cmpi slt, %jit3A_31, %sign3A_43 : i32
    %sign3A_45 = arith.extui %sign3A_44 : i1 to i32
    %sign3A_46 = arith.subi %sign3A_42, %sign3A_45 : i32
    %ne3A_47 = arith.cmpi ne, %sign3A_39, %sign3A_46 : i32
    %rem3A_48 = arith.remsi %select_n3A_30, %jit3A_31 : i32
    %ne3A_49 = arith.constant 0 : i32
    %ne3A_50 = arith.cmpi ne, %rem3A_48, %ne3A_49 : i32
    %and3A_51 = arith.andi %ne3A_47, %ne3A_50 : i1
    %sub3A_52 = arith.constant 1 : i32
    %sub3A_53 = arith.subi %div3A_32, %sub3A_52 : i32
    %select_n3A_54 = arith.select %and3A_51, %sub3A_53, %div3A_32 : i32
    %jit3A_55 = arith.constant 2 : i32
    %eq3A_56 = arith.constant 0 : i32
    %eq3A_57 = arith.cmpi eq, %jit3A_55, %eq3A_56 : i32
    %jit3A_58 = arith.constant 1 : i32
    %select_n3A_59 = arith.select %eq3A_57, %jit3A_58, %jit3A_55 : i32
    %rem3A_60 = arith.remsi %select_n3A_30, %select_n3A_59 : i32
    %ne3A_61 = arith.constant 0 : i32
    %ne3A_62 = arith.cmpi ne, %rem3A_60, %ne3A_61 : i32
    %lt3A_63 = arith.constant 0 : i32
    %lt3A_64 = arith.cmpi slt, %rem3A_60, %lt3A_63 : i32
    %lt3A_65 = arith.constant 0 : i32
    %lt3A_66 = arith.cmpi slt, %select_n3A_59, %lt3A_65 : i32
    %ne3A_67 = arith.xori %lt3A_64, %lt3A_66 : i1
    %and3A_68 = arith.andi %ne3A_67, %ne3A_62 : i1
    %add3A_69 = arith.addi %rem3A_60, %select_n3A_59 : i32
    %select_n3A_70 = arith.select %and3A_68, %add3A_69, %rem3A_60 : i32
    %mul3A_71 = arith.constant 1800 : i32
    %mul3A_72 = arith.muli %select_n3A_70, %mul3A_71 : i32
    %scan3A = arith.constant 0 : i32
    %scan3A_73 = arith.constant 0 : i32
    %scan3A_74 = arith.constant 7232 : i32
    %scan3A_75 = arith.addi %scan3A_73, %scan3A_74 : i32
    %scan3A_76 = arith.constant 1 : i32
    scf.for %scan3A_86 = %scan3A_73 to %scan3A_75 step %scan3A_76  : i32 {
      %broadcast_in_dim3A = arith.constant 0.000000e+00 : f32
      %broadcast_in_dim3A_87 = vector.broadcast %broadcast_in_dim3A : f32 to vector<16xf32>
      %mul3A_88 = arith.constant 16 : i32
      %mul3A_89 = arith.muli %scan3A_86, %mul3A_88 : i32
      %swap3A = arith.index_cast %mul3A_89 : i32 to index
      %swap3A_90 = tpu.vector_load %arg5[%swap3A] {strides = array<i32>} : memref<115712xf32, #tpu.memory_space<vmem>>, vector<16xf32>,
      %swap3A_91 = vector.shape_cast %swap3A_90 : vector<16xf32> to vector<16xf32>
      %swap3A_92 = vector.shape_cast %broadcast_in_dim3A_87 : vector<16xf32> to vector<16xf32>
      tpu.vector_store %arg5[%swap3A], %swap3A_92 {strides = array<i32>} : memref<115712xf32, #tpu.memory_space<vmem>>, vector<16xf32>,
    }
    %scan3A_77 = arith.constant 7232 : i32
    %scan3A_78 = arith.constant 0 : i32
    %scan3A_79 = arith.constant 0 : i32
    %scan3A_80 = arith.constant 16 : i32
    %scan3A_81 = arith.addi %scan3A_79, %scan3A_80 : i32
    %scan3A_82 = arith.constant 1 : i32
    scf.for %scan3A_86 = %scan3A_79 to %scan3A_81 step %scan3A_82  : i32 {
      %mul3A_87 = arith.constant 131072 : i32
      %mul3A_88 = arith.muli %select_n3A_54, %mul3A_87 : i32
      %mul3A_89 = arith.constant 32768 : i32
      %mul3A_90 = arith.muli %select_n3A, %mul3A_89 : i32
      %add3A_91 = arith.addi %mul3A_88, %mul3A_90 : i32
      %mul3A_92 = arith.constant 2048 : i32
      %mul3A_93 = arith.muli %scan3A_86, %mul3A_92 : i32
      %add3A_94 = arith.addi %add3A_91, %mul3A_93 : i32
      "tpu.region"() ({
        %run_scoped3A = tpu.sem_alloc : memref<!tpu.dma_semaphore, #tpu.memory_space<semaphore_mem>>
        %dma_start3A = tpu.memref_slice %arg2[%add3A_94] : memref<524288xi32, #tpu.memory_space<hbm>> -> memref<2048xi32, #tpu.memory_space<hbm>>
        %dma_start3A_101 = tpu.memref_slice %arg2[%add3A_94] : memref<524288xi32, #tpu.memory_space<hbm>> -> memref<2048xi32, #tpu.memory_space<hbm>>
        tpu.enqueue_dma source(%dma_start3A_101 : memref<2048xi32, #tpu.memory_space<hbm>>) target(%arg6 : memref<2048xi32, #tpu.memory_space<vmem>>) target_semaphore(%run_scoped3A : memref<!tpu.dma_semaphore, #tpu.memory_space<semaphore_mem>>)
        %dma_wait3A = tpu.memref_slice %arg2[%add3A_94] : memref<524288xi32, #tpu.memory_space<hbm>> -> memref<2048xi32, #tpu.memory_space<hbm>>
        %dma_wait3A_102 = tpu.memref_slice %arg2[%add3A_94] : memref<524288xi32, #tpu.memory_space<hbm>> -> memref<2048xi32, #tpu.memory_space<hbm>>
        tpu.wait_dma2 semaphore(%run_scoped3A : memref<!tpu.dma_semaphore, #tpu.memory_space<semaphore_mem>>) src(%dma_wait3A_102 : memref<2048xi32, #tpu.memory_space<hbm>>) dst(%arg6 : memref<2048xi32, #tpu.memory_space<vmem>>)
        tpu.yield
      }) : () -> ()
      %scan3A_95 = arith.constant 0 : i32
      %scan3A_96 = arith.constant 0 : i32
      %scan3A_97 = arith.constant 16 : i32
      %scan3A_98 = arith.addi %scan3A_96, %scan3A_97 : i32
      %scan3A_99 = arith.constant 1 : i32
      scf.for %scan3A_101 = %scan3A_96 to %scan3A_98 step %scan3A_99  : i32 {
        %mul3A_102 = arith.constant 128 : i32
        %mul3A_103 = arith.muli %scan3A_101, %mul3A_102 : i32
        %add3A_104 = arith.addi %add3A_94, %mul3A_103 : i32
        %mul3A_105 = arith.constant 64 : i32
        %mul3A_106 = arith.muli %add3A_104, %mul3A_105 : i32
        "tpu.region"() ({
          %run_scoped3A = tpu.sem_alloc : memref<!tpu.dma_semaphore, #tpu.memory_space<semaphore_mem>>
          %dma_start3A = tpu.memref_slice %arg3[%mul3A_106] : memref<33554432xf32, #tpu.memory_space<hbm>> -> memref<8192xf32, #tpu.memory_space<hbm>>
          %dma_start3A_113 = tpu.memref_slice %arg3[%mul3A_106] : memref<33554432xf32, #tpu.memory_space<hbm>> -> memref<8192xf32, #tpu.memory_space<hbm>>
          tpu.enqueue_dma source(%dma_start3A_113 : memref<8192xf32, #tpu.memory_space<hbm>>) target(%arg7 : memref<8192xf32, #tpu.memory_space<vmem>>) target_semaphore(%run_scoped3A : memref<!tpu.dma_semaphore, #tpu.memory_space<semaphore_mem>>)
          %dma_wait3A = tpu.memref_slice %arg3[%mul3A_106] : memref<33554432xf32, #tpu.memory_space<hbm>> -> memref<8192xf32, #tpu.memory_space<hbm>>
          %dma_wait3A_114 = tpu.memref_slice %arg3[%mul3A_106] : memref<33554432xf32, #tpu.memory_space<hbm>> -> memref<8192xf32, #tpu.memory_space<hbm>>
          tpu.wait_dma2 semaphore(%run_scoped3A : memref<!tpu.dma_semaphore, #tpu.memory_space<semaphore_mem>>) src(%dma_wait3A_114 : memref<8192xf32, #tpu.memory_space<hbm>>) dst(%arg7 : memref<8192xf32, #tpu.memory_space<vmem>>)
          tpu.yield
        }) : () -> ()
        %scan3A_107 = arith.constant 0 : i32
        %scan3A_108 = arith.constant 0 : i32
        %scan3A_109 = arith.constant 8 : i32
        %scan3A_110 = arith.addi %scan3A_108, %scan3A_109 : i32
        %scan3A_111 = arith.constant 1 : i32
        scf.for %scan3A_113 = %scan3A_108 to %scan3A_110 step %scan3A_111  : i32 {
          %mul3A_114 = arith.constant 128 : i32
          %mul3A_115 = arith.muli %scan3A_101, %mul3A_114 : i32
          %mul3A_116 = arith.constant 16 : i32
          %mul3A_117 = arith.muli %scan3A_113, %mul3A_116 : i32
          %add3A_118 = arith.addi %mul3A_115, %mul3A_117 : i32
          %get3A = arith.index_cast %add3A_118 : i32 to index
          %get3A_119 = tpu.vector_load %arg6[%get3A] {strides = array<i32>} : memref<2048xi32, #tpu.memory_space<vmem>>, vector<16xi32>,
          %get3A_120 = vector.shape_cast %get3A_119 : vector<16xi32> to vector<16xi32>
          %slice3A = vector.extract_strided_slice %get3A_120 {offsets = [0], sizes = [1], strides = [1]} : vector<16xi32> to vector<1xi32>
          %squeeze3A = vector.extract %slice3A[0] : i32 from vector<1xi32>
          %sub3A_121 = arith.subi %squeeze3A, %mul3A_72 : i32
          %ge3A = arith.constant 0 : i32
          %ge3A_122 = arith.cmpi sge, %sub3A_121, %ge3A : i32
          %lt3A_123 = arith.constant 1800 : i32
          %lt3A_124 = arith.cmpi slt, %sub3A_121, %lt3A_123 : i32
          %and3A_125 = arith.andi %ge3A_122, %lt3A_124 : i1
          %jit3A_126 = arith.constant 1800 : i32
          %select_n3A_127 = arith.select %and3A_125, %sub3A_121, %jit3A_126 : i32
          %mul3A_128 = arith.constant 64 : i32
          %mul3A_129 = arith.muli %select_n3A_127, %mul3A_128 : i32
          %mul3A_130 = arith.constant 16 : i32
          %mul3A_131 = arith.muli %scan3A_113, %mul3A_130 : i32
          %add3A_132 = arith.constant 0 : i32
          %add3A_133 = arith.addi %mul3A_131, %add3A_132 : i32
          %mul3A_134 = arith.constant 64 : i32
          %mul3A_135 = arith.muli %add3A_133, %mul3A_134 : i32
          %add3A_136 = arith.constant 0 : i32
          %add3A_137 = arith.addi %mul3A_135, %add3A_136 : i32
          %get3A_138 = arith.index_cast %add3A_137 : i32 to index
          %get3A_139 = tpu.vector_load %arg7[%get3A_138] {strides = array<i32>} : memref<8192xf32, #tpu.memory_space<vmem>>, vector<16xf32>,
          %get3A_140 = vector.shape_cast %get3A_139 : vector<16xf32> to vector<16xf32>
          %add3A_141 = arith.constant 0 : i32
          %add3A_142 = arith.addi %mul3A_129, %add3A_141 : i32
          %get3A_143 = arith.index_cast %add3A_142 : i32 to index
          %get3A_144 = tpu.vector_load %arg5[%get3A_143] {strides = array<i32>} : memref<115712xf32, #tpu.memory_space<vmem>>, vector<16xf32>,
          %get3A_145 = vector.shape_cast %get3A_144 : vector<16xf32> to vector<16xf32>
          %max3A = arith.maximumf %get3A_145, %get3A_140 : vector<16xf32>
          %add3A_146 = arith.constant 0 : i32
          %add3A_147 = arith.addi %mul3A_129, %add3A_146 : i32
          %swap3A = arith.index_cast %add3A_147 : i32 to index
          %swap3A_148 = tpu.vector_load %arg5[%swap3A] {strides = array<i32>} : memref<115712xf32, #tpu.memory_space<vmem>>, vector<16xf32>,
          %swap3A_149 = vector.shape_cast %swap3A_148 : vector<16xf32> to vector<16xf32>
          %swap3A_150 = vector.shape_cast %max3A : vector<16xf32> to vector<16xf32>
          tpu.vector_store %arg5[%swap3A], %swap3A_150 {strides = array<i32>} : memref<115712xf32, #tpu.memory_space<vmem>>, vector<16xf32>,
          %add3A_151 = arith.constant 16 : i32
          %add3A_152 = arith.addi %mul3A_135, %add3A_151 : i32
          %get3A_153 = arith.index_cast %add3A_152 : i32 to index
          %get3A_154 = tpu.vector_load %arg7[%get3A_153] {strides = array<i32>} : memref<8192xf32, #tpu.memory_space<vmem>>, vector<16xf32>,
          %get3A_155 = vector.shape_cast %get3A_154 : vector<16xf32> to vector<16xf32>
          %add3A_156 = arith.constant 16 : i32
          %add3A_157 = arith.addi %mul3A_129, %add3A_156 : i32
          %get3A_158 = arith.index_cast %add3A_157 : i32 to index
          %get3A_159 = tpu.vector_load %arg5[%get3A_158] {strides = array<i32>} : memref<115712xf32, #tpu.memory_space<vmem>>, vector<16xf32>,
          %get3A_160 = vector.shape_cast %get3A_159 : vector<16xf32> to vector<16xf32>
          %max3A_161 = arith.maximumf %get3A_160, %get3A_155 : vector<16xf32>
          %add3A_162 = arith.constant 16 : i32
          %add3A_163 = arith.addi %mul3A_129, %add3A_162 : i32
          %swap3A_164 = arith.index_cast %add3A_163 : i32 to index
          %swap3A_165 = tpu.vector_load %arg5[%swap3A_164] {strides = array<i32>} : memref<115712xf32, #tpu.memory_space<vmem>>, vector<16xf32>,
          %swap3A_166 = vector.shape_cast %swap3A_165 : vector<16xf32> to vector<16xf32>
          %swap3A_167 = vector.shape_cast %max3A_161 : vector<16xf32> to vector<16xf32>
          tpu.vector_store %arg5[%swap3A_164], %swap3A_167 {strides = array<i32>} : memref<115712xf32, #tpu.memory_space<vmem>>, vector<16xf32>,
          %add3A_168 = arith.constant 32 : i32
          %add3A_169 = arith.addi %mul3A_135, %add3A_168 : i32
          %get3A_170 = arith.index_cast %add3A_169 : i32 to index
          %get3A_171 = tpu.vector_load %arg7[%get3A_170] {strides = array<i32>} : memref<8192xf32, #tpu.memory_space<vmem>>, vector<16xf32>,
          %get3A_172 = vector.shape_cast %get3A_171 : vector<16xf32> to vector<16xf32>
          %add3A_173 = arith.constant 32 : i32
          %add3A_174 = arith.addi %mul3A_129, %add3A_173 : i32
          %get3A_175 = arith.index_cast %add3A_174 : i32 to index
          %get3A_176 = tpu.vector_load %arg5[%get3A_175] {strides = array<i32>} : memref<115712xf32, #tpu.memory_space<vmem>>, vector<16xf32>,
          %get3A_177 = vector.shape_cast %get3A_176 : vector<16xf32> to vector<16xf32>
          %max3A_178 = arith.maximumf %get3A_177, %get3A_172 : vector<16xf32>
          %add3A_179 = arith.constant 32 : i32
          %add3A_180 = arith.addi %mul3A_129, %add3A_179 : i32
          %swap3A_181 = arith.index_cast %add3A_180 : i32 to index
          %swap3A_182 = tpu.vector_load %arg5[%swap3A_181] {strides = array<i32>} : memref<115712xf32, #tpu.memory_space<vmem>>, vector<16xf32>,
          %swap3A_183 = vector.shape_cast %swap3A_182 : vector<16xf32> to vector<16xf32>
          %swap3A_184 = vector.shape_cast %max3A_178 : vector<16xf32> to vector<16xf32>
          tpu.vector_store %arg5[%swap3A_181], %swap3A_184 {strides = array<i32>} : memref<115712xf32, #tpu.memory_space<vmem>>, vector<16xf32>,
          %add3A_185 = arith.constant 48 : i32
          %add3A_186 = arith.addi %mul3A_135, %add3A_185 : i32
          %get3A_187 = arith.index_cast %add3A_186 : i32 to index
          %get3A_188 = tpu.vector_load %arg7[%get3A_187] {strides = array<i32>} : memref<8192xf32, #tpu.memory_space<vmem>>, vector<16xf32>,
          %get3A_189 = vector.shape_cast %get3A_188 : vector<16xf32> to vector<16xf32>
          %add3A_190 = arith.constant 48 : i32
          %add3A_191 = arith.addi %mul3A_129, %add3A_190 : i32
          %get3A_192 = arith.index_cast %add3A_191 : i32 to index
          %get3A_193 = tpu.vector_load %arg5[%get3A_192] {strides = array<i32>} : memref<115712xf32, #tpu.memory_space<vmem>>, vector<16xf32>,
          %get3A_194 = vector.shape_cast %get3A_193 : vector<16xf32> to vector<16xf32>
          %max3A_195 = arith.maximumf %get3A_194, %get3A_189 : vector<16xf32>
          %add3A_196 = arith.constant 48 : i32
          %add3A_197 = arith.addi %mul3A_129, %add3A_196 : i32
          %swap3A_198 = arith.index_cast %add3A_197 : i32 to index
          %swap3A_199 = tpu.vector_load %arg5[%swap3A_198] {strides = array<i32>} : memref<115712xf32, #tpu.memory_space<vmem>>, vector<16xf32>,
          %swap3A_200 = vector.shape_cast %swap3A_199 : vector<16xf32> to vector<16xf32>
          %swap3A_201 = vector.shape_cast %max3A_195 : vector<16xf32> to vector<16xf32>
          tpu.vector_store %arg5[%swap3A_198], %swap3A_201 {strides = array<i32>} : memref<115712xf32, #tpu.memory_space<vmem>>, vector<16xf32>,
          %slice3A_202 = vector.extract_strided_slice %get3A_120 {offsets = [1], sizes = [1], strides = [1]} : vector<16xi32> to vector<1xi32>
          %squeeze3A_203 = vector.extract %slice3A_202[0] : i32 from vector<1xi32>
          %sub3A_204 = arith.subi %squeeze3A_203, %mul3A_72 : i32
          %ge3A_205 = arith.constant 0 : i32
          %ge3A_206 = arith.cmpi sge, %sub3A_204, %ge3A_205 : i32
          %lt3A_207 = arith.constant 1800 : i32
          %lt3A_208 = arith.cmpi slt, %sub3A_204, %lt3A_207 : i32
          %and3A_209 = arith.andi %ge3A_206, %lt3A_208 : i1
          %jit3A_210 = arith.constant 1800 : i32
          %select_n3A_211 = arith.select %and3A_209, %sub3A_204, %jit3A_210 : i32
          %mul3A_212 = arith.constant 64 : i32
          %mul3A_213 = arith.muli %select_n3A_211, %mul3A_212 : i32
          %mul3A_214 = arith.constant 16 : i32
          %mul3A_215 = arith.muli %scan3A_113, %mul3A_214 : i32
          %add3A_216 = arith.constant 1 : i32
          %add3A_217 = arith.addi %mul3A_215, %add3A_216 : i32
          %mul3A_218 = arith.constant 64 : i32
          %mul3A_219 = arith.muli %add3A_217, %mul3A_218 : i32
          %add3A_220 = arith.constant 0 : i32
          %add3A_221 = arith.addi %mul3A_219, %add3A_220 : i32
          %get3A_222 = arith.index_cast %add3A_221 : i32 to index
          %get3A_223 = tpu.vector_load %arg7[%get3A_222] {strides = array<i32>} : memref<8192xf32, #tpu.memory_space<vmem>>, vector<16xf32>,
          %get3A_224 = vector.shape_cast %get3A_223 : vector<16xf32> to vector<16xf32>
          %add3A_225 = arith.constant 0 : i32
          %add3A_226 = arith.addi %mul3A_213, %add3A_225 : i32
          %get3A_227 = arith.index_cast %add3A_226 : i32 to index
          %get3A_228 = tpu.vector_load %arg5[%get3A_227] {strides = array<i32>} : memref<115712xf32, #tpu.memory_space<vmem>>, vector<16xf32>,
          %get3A_229 = vector.shape_cast %get3A_228 : vector<16xf32> to vector<16xf32>
          %max3A_230 = arith.maximumf %get3A_229, %get3A_224 : vector<16xf32>
          %add3A_231 = arith.constant 0 : i32
          %add3A_232 = arith.addi %mul3A_213, %add3A_231 : i32
          %swap3A_233 = arith.index_cast %add3A_232 : i32 to index
          %swap3A_234 = tpu.vector_load %arg5[%swap3A_233] {strides = array<i32>} : memref<115712xf32, #tpu.memory_space<vmem>>, vector<16xf32>,
          %swap3A_235 = vector.shape_cast %swap3A_234 : vector<16xf32> to vector<16xf32>
          %swap3A_236 = vector.shape_cast %max3A_230 : vector<16xf32> to vector<16xf32>
          tpu.vector_store %arg5[%swap3A_233], %swap3A_236 {strides = array<i32>} : memref<115712xf32, #tpu.memory_space<vmem>>, vector<16xf32>,
          %add3A_237 = arith.constant 16 : i32
          %add3A_238 = arith.addi %mul3A_219, %add3A_237 : i32
          %get3A_239 = arith.index_cast %add3A_238 : i32 to index
          %get3A_240 = tpu.vector_load %arg7[%get3A_239] {strides = array<i32>} : memref<8192xf32, #tpu.memory_space<vmem>>, vector<16xf32>,
          %get3A_241 = vector.shape_cast %get3A_240 : vector<16xf32> to vector<16xf32>
          %add3A_242 = arith.constant 16 : i32
          %add3A_243 = arith.addi %mul3A_213, %add3A_242 : i32
          %get3A_244 = arith.index_cast %add3A_243 : i32 to index
          %get3A_245 = tpu.vector_load %arg5[%get3A_244] {strides = array<i32>} : memref<115712xf32, #tpu.memory_space<vmem>>, vector<16xf32>,
          %get3A_246 = vector.shape_cast %get3A_245 : vector<16xf32> to vector<16xf32>
          %max3A_247 = arith.maximumf %get3A_246, %get3A_241 : vector<16xf32>
          %add3A_248 = arith.constant 16 : i32
          %add3A_249 = arith.addi %mul3A_213, %add3A_248 : i32
          %swap3A_250 = arith.index_cast %add3A_249 : i32 to index
          %swap3A_251 = tpu.vector_load %arg5[%swap3A_250] {strides = array<i32>} : memref<115712xf32, #tpu.memory_space<vmem>>, vector<16xf32>,
          %swap3A_252 = vector.shape_cast %swap3A_251 : vector<16xf32> to vector<16xf32>
          %swap3A_253 = vector.shape_cast %max3A_247 : vector<16xf32> to vector<16xf32>
          tpu.vector_store %arg5[%swap3A_250], %swap3A_253 {strides = array<i32>} : memref<115712xf32, #tpu.memory_space<vmem>>, vector<16xf32>,
          %add3A_254 = arith.constant 32 : i32
          %add3A_255 = arith.addi %mul3A_219, %add3A_254 : i32
          %get3A_256 = arith.index_cast %add3A_255 : i32 to index
          %get3A_257 = tpu.vector_load %arg7[%get3A_256] {strides = array<i32>} : memref<8192xf32, #tpu.memory_space<vmem>>, vector<16xf32>,
          %get3A_258 = vector.shape_cast %get3A_257 : vector<16xf32> to vector<16xf32>
          %add3A_259 = arith.constant 32 : i32
          %add3A_260 = arith.addi %mul3A_213, %add3A_259 : i32
          %get3A_261 = arith.index_cast %add3A_260 : i32 to index
          %get3A_262 = tpu.vector_load %arg5[%get3A_261] {strides = array<i32>} : memref<115712xf32, #tpu.memory_space<vmem>>, vector<16xf32>,
          %get3A_263 = vector.shape_cast %get3A_262 : vector<16xf32> to vector<16xf32>
          %max3A_264 = arith.maximumf %get3A_263, %get3A_258 : vector<16xf32>
          %add3A_265 = arith.constant 32 : i32
          %add3A_266 = arith.addi %mul3A_213, %add3A_265 : i32
          %swap3A_267 = arith.index_cast %add3A_266 : i32 to index
          %swap3A_268 = tpu.vector_load %arg5[%swap3A_267] {strides = array<i32>} : memref<115712xf32, #tpu.memory_space<vmem>>, vector<16xf32>,
          %swap3A_269 = vector.shape_cast %swap3A_268 : vector<16xf32> to vector<16xf32>
          %swap3A_270 = vector.shape_cast %max3A_264 : vector<16xf32> to vector<16xf32>
          tpu.vector_store %arg5[%swap3A_267], %swap3A_270 {strides = array<i32>} : memref<115712xf32, #tpu.memory_space<vmem>>, vector<16xf32>,
          %add3A_271 = arith.constant 48 : i32
          %add3A_272 = arith.addi %mul3A_219, %add3A_271 : i32
          %get3A_273 = arith.index_cast %add3A_272 : i32 to index
          %get3A_274 = tpu.vector_load %arg7[%get3A_273] {strides = array<i32>} : memref<8192xf32, #tpu.memory_space<vmem>>, vector<16xf32>,
          %get3A_275 = vector.shape_cast %get3A_274 : vector<16xf32> to vector<16xf32>
          %add3A_276 = arith.constant 48 : i32
          %add3A_277 = arith.addi %mul3A_213, %add3A_276 : i32
          %get3A_278 = arith.index_cast %add3A_277 : i32 to index
          %get3A_279 = tpu.vector_load %arg5[%get3A_278] {strides = array<i32>} : memref<115712xf32, #tpu.memory_space<vmem>>, vector<16xf32>,
          %get3A_280 = vector.shape_cast %get3A_279 : vector<16xf32> to vector<16xf32>
          %max3A_281 = arith.maximumf %get3A_280, %get3A_275 : vector<16xf32>
          %add3A_282 = arith.constant 48 : i32
          %add3A_283 = arith.addi %mul3A_213, %add3A_282 : i32
          %swap3A_284 = arith.index_cast %add3A_283 : i32 to index
          %swap3A_285 = tpu.vector_load %arg5[%swap3A_284] {strides = array<i32>} : memref<115712xf32, #tpu.memory_space<vmem>>, vector<16xf32>,
          %swap3A_286 = vector.shape_cast %swap3A_285 : vector<16xf32> to vector<16xf32>
          %swap3A_287 = vector.shape_cast %max3A_281 : vector<16xf32> to vector<16xf32>
          tpu.vector_store %arg5[%swap3A_284], %swap3A_287 {strides = array<i32>} : memref<115712xf32, #tpu.memory_space<vmem>>, vector<16xf32>,
          %slice3A_288 = vector.extract_strided_slice %get3A_120 {offsets = [2], sizes = [1], strides = [1]} : vector<16xi32> to vector<1xi32>
          %squeeze3A_289 = vector.extract %slice3A_288[0] : i32 from vector<1xi32>
          %sub3A_290 = arith.subi %squeeze3A_289, %mul3A_72 : i32
          %ge3A_291 = arith.constant 0 : i32
          %ge3A_292 = arith.cmpi sge, %sub3A_290, %ge3A_291 : i32
          %lt3A_293 = arith.constant 1800 : i32
          %lt3A_294 = arith.cmpi slt, %sub3A_290, %lt3A_293 : i32
          %and3A_295 = arith.andi %ge3A_292, %lt3A_294 : i1
          %jit3A_296 = arith.constant 1800 : i32
          %select_n3A_297 = arith.select %and3A_295, %sub3A_290, %jit3A_296 : i32
          %mul3A_298 = arith.constant 64 : i32
          %mul3A_299 = arith.muli %select_n3A_297, %mul3A_298 : i32
          %mul3A_300 = arith.constant 16 : i32
          %mul3A_301 = arith.muli %scan3A_113, %mul3A_300 : i32
          %add3A_302 = arith.constant 2 : i32
          %add3A_303 = arith.addi %mul3A_301, %add3A_302 : i32
          %mul3A_304 = arith.constant 64 : i32
          %mul3A_305 = arith.muli %add3A_303, %mul3A_304 : i32
          %add3A_306 = arith.constant 0 : i32
          %add3A_307 = arith.addi %mul3A_305, %add3A_306 : i32
          %get3A_308 = arith.index_cast %add3A_307 : i32 to index
          %get3A_309 = tpu.vector_load %arg7[%get3A_308] {strides = array<i32>} : memref<8192xf32, #tpu.memory_space<vmem>>, vector<16xf32>,
          %get3A_310 = vector.shape_cast %get3A_309 : vector<16xf32> to vector<16xf32>
          %add3A_311 = arith.constant 0 : i32
          %add3A_312 = arith.addi %mul3A_299, %add3A_311 : i32
          %get3A_313 = arith.index_cast %add3A_312 : i32 to index
          %get3A_314 = tpu.vector_load %arg5[%get3A_313] {strides = array<i32>} : memref<115712xf32, #tpu.memory_space<vmem>>, vector<16xf32>,
          %get3A_315 = vector.shape_cast %get3A_314 : vector<16xf32> to vector<16xf32>
          %max3A_316 = arith.maximumf %get3A_315, %get3A_310 : vector<16xf32>
          %add3A_317 = arith.constant 0 : i32
          %add3A_318 = arith.addi %mul3A_299, %add3A_317 : i32
          %swap3A_319 = arith.index_cast %add3A_318 : i32 to index
          %swap3A_320 = tpu.vector_load %arg5[%swap3A_319] {strides = array<i32>} : memref<115712xf32, #tpu.memory_space<vmem>>, vector<16xf32>,
          %swap3A_321 = vector.shape_cast %swap3A_320 : vector<16xf32> to vector<16xf32>
          %swap3A_322 = vector.shape_cast %max3A_316 : vector<16xf32> to vector<16xf32>
          tpu.vector_store %arg5[%swap3A_319], %swap3A_322 {strides = array<i32>} : memref<115712xf32, #tpu.memory_space<vmem>>, vector<16xf32>,
          %add3A_323 = arith.constant 16 : i32
          %add3A_324 = arith.addi %mul3A_305, %add3A_323 : i32
          %get3A_325 = arith.index_cast %add3A_324 : i32 to index
          %get3A_326 = tpu.vector_load %arg7[%get3A_325] {strides = array<i32>} : memref<8192xf32, #tpu.memory_space<vmem>>, vector<16xf32>,
          %get3A_327 = vector.shape_cast %get3A_326 : vector<16xf32> to vector<16xf32>
          %add3A_328 = arith.constant 16 : i32
          %add3A_329 = arith.addi %mul3A_299, %add3A_328 : i32
          %get3A_330 = arith.index_cast %add3A_329 : i32 to index
          %get3A_331 = tpu.vector_load %arg5[%get3A_330] {strides = array<i32>} : memref<115712xf32, #tpu.memory_space<vmem>>, vector<16xf32>,
          %get3A_332 = vector.shape_cast %get3A_331 : vector<16xf32> to vector<16xf32>
          %max3A_333 = arith.maximumf %get3A_332, %get3A_327 : vector<16xf32>
          %add3A_334 = arith.constant 16 : i32
          %add3A_335 = arith.addi %mul3A_299, %add3A_334 : i32
          %swap3A_336 = arith.index_cast %add3A_335 : i32 to index
          %swap3A_337 = tpu.vector_load %arg5[%swap3A_336] {strides = array<i32>} : memref<115712xf32, #tpu.memory_space<vmem>>, vector<16xf32>,
          %swap3A_338 = vector.shape_cast %swap3A_337 : vector<16xf32> to vector<16xf32>
          %swap3A_339 = vector.shape_cast %max3A_333 : vector<16xf32> to vector<16xf32>
          tpu.vector_store %arg5[%swap3A_336], %swap3A_339 {strides = array<i32>} : memref<115712xf32, #tpu.memory_space<vmem>>, vector<16xf32>,
          %add3A_340 = arith.constant 32 : i32
          %add3A_341 = arith.addi %mul3A_305, %add3A_340 : i32
          %get3A_342 = arith.index_cast %add3A_341 : i32 to index
          %get3A_343 = tpu.vector_load %arg7[%get3A_342] {strides = array<i32>} : memref<8192xf32, #tpu.memory_space<vmem>>, vector<16xf32>,
          %get3A_344 = vector.shape_cast %get3A_343 : vector<16xf32> to vector<16xf32>
          %add3A_345 = arith.constant 32 : i32
          %add3A_346 = arith.addi %mul3A_299, %add3A_345 : i32
          %get3A_347 = arith.index_cast %add3A_346 : i32 to index
          %get3A_348 = tpu.vector_load %arg5[%get3A_347] {strides = array<i32>} : memref<115712xf32, #tpu.memory_space<vmem>>, vector<16xf32>,
          %get3A_349 = vector.shape_cast %get3A_348 : vector<16xf32> to vector<16xf32>
          %max3A_350 = arith.maximumf %get3A_349, %get3A_344 : vector<16xf32>
          %add3A_351 = arith.constant 32 : i32
          %add3A_352 = arith.addi %mul3A_299, %add3A_351 : i32
          %swap3A_353 = arith.index_cast %add3A_352 : i32 to index
          %swap3A_354 = tpu.vector_load %arg5[%swap3A_353] {strides = array<i32>} : memref<115712xf32, #tpu.memory_space<vmem>>, vector<16xf32>,
          %swap3A_355 = vector.shape_cast %swap3A_354 : vector<16xf32> to vector<16xf32>
          %swap3A_356 = vector.shape_cast %max3A_350 : vector<16xf32> to vector<16xf32>
          tpu.vector_store %arg5[%swap3A_353], %swap3A_356 {strides = array<i32>} : memref<115712xf32, #tpu.memory_space<vmem>>, vector<16xf32>,
          %add3A_357 = arith.constant 48 : i32
          %add3A_358 = arith.addi %mul3A_305, %add3A_357 : i32
          %get3A_359 = arith.index_cast %add3A_358 : i32 to index
          %get3A_360 = tpu.vector_load %arg7[%get3A_359] {strides = array<i32>} : memref<8192xf32, #tpu.memory_space<vmem>>, vector<16xf32>,
          %get3A_361 = vector.shape_cast %get3A_360 : vector<16xf32> to vector<16xf32>
          %add3A_362 = arith.constant 48 : i32
          %add3A_363 = arith.addi %mul3A_299, %add3A_362 : i32
          %get3A_364 = arith.index_cast %add3A_363 : i32 to index
          %get3A_365 = tpu.vector_load %arg5[%get3A_364] {strides = array<i32>} : memref<115712xf32, #tpu.memory_space<vmem>>, vector<16xf32>,
          %get3A_366 = vector.shape_cast %get3A_365 : vector<16xf32> to vector<16xf32>
          %max3A_367 = arith.maximumf %get3A_366, %get3A_361 : vector<16xf32>
          %add3A_368 = arith.constant 48 : i32
          %add3A_369 = arith.addi %mul3A_299, %add3A_368 : i32
          %swap3A_370 = arith.index_cast %add3A_369 : i32 to index
          %swap3A_371 = tpu.vector_load %arg5[%swap3A_370] {strides = array<i32>} : memref<115712xf32, #tpu.memory_space<vmem>>, vector<16xf32>,
          %swap3A_372 = vector.shape_cast %swap3A_371 : vector<16xf32> to vector<16xf32>
          %swap3A_373 = vector.shape_cast %max3A_367 : vector<16xf32> to vector<16xf32>
          tpu.vector_store %arg5[%swap3A_370], %swap3A_373 {strides = array<i32>} : memref<115712xf32, #tpu.memory_space<vmem>>, vector<16xf32>,
          %slice3A_374 = vector.extract_strided_slice %get3A_120 {offsets = [3], sizes = [1], strides = [1]} : vector<16xi32> to vector<1xi32>
          %squeeze3A_375 = vector.extract %slice3A_374[0] : i32 from vector<1xi32>
          %sub3A_376 = arith.subi %squeeze3A_375, %mul3A_72 : i32
          %ge3A_377 = arith.constant 0 : i32
          %ge3A_378 = arith.cmpi sge, %sub3A_376, %ge3A_377 : i32
          %lt3A_379 = arith.constant 1800 : i32
          %lt3A_380 = arith.cmpi slt, %sub3A_376, %lt3A_379 : i32
          %and3A_381 = arith.andi %ge3A_378, %lt3A_380 : i1
          %jit3A_382 = arith.constant 1800 : i32
          %select_n3A_383 = arith.select %and3A_381, %sub3A_376, %jit3A_382 : i32
          %mul3A_384 = arith.constant 64 : i32
          %mul3A_385 = arith.muli %select_n3A_383, %mul3A_384 : i32
          %mul3A_386 = arith.constant 16 : i32
          %mul3A_387 = arith.muli %scan3A_113, %mul3A_386 : i32
          %add3A_388 = arith.constant 3 : i32
          %add3A_389 = arith.addi %mul3A_387, %add3A_388 : i32
          %mul3A_390 = arith.constant 64 : i32
          %mul3A_391 = arith.muli %add3A_389, %mul3A_390 : i32
          %add3A_392 = arith.constant 0 : i32
          %add3A_393 = arith.addi %mul3A_391, %add3A_392 : i32
          %get3A_394 = arith.index_cast %add3A_393 : i32 to index
          %get3A_395 = tpu.vector_load %arg7[%get3A_394] {strides = array<i32>} : memref<8192xf32, #tpu.memory_space<vmem>>, vector<16xf32>,
          %get3A_396 = vector.shape_cast %get3A_395 : vector<16xf32> to vector<16xf32>
          %add3A_397 = arith.constant 0 : i32
          %add3A_398 = arith.addi %mul3A_385, %add3A_397 : i32
          %get3A_399 = arith.index_cast %add3A_398 : i32 to index
          %get3A_400 = tpu.vector_load %arg5[%get3A_399] {strides = array<i32>} : memref<115712xf32, #tpu.memory_space<vmem>>, vector<16xf32>,
          %get3A_401 = vector.shape_cast %get3A_400 : vector<16xf32> to vector<16xf32>
          %max3A_402 = arith.maximumf %get3A_401, %get3A_396 : vector<16xf32>
          %add3A_403 = arith.constant 0 : i32
          %add3A_404 = arith.addi %mul3A_385, %add3A_403 : i32
          %swap3A_405 = arith.index_cast %add3A_404 : i32 to index
          %swap3A_406 = tpu.vector_load %arg5[%swap3A_405] {strides = array<i32>} : memref<115712xf32, #tpu.memory_space<vmem>>, vector<16xf32>,
          %swap3A_407 = vector.shape_cast %swap3A_406 : vector<16xf32> to vector<16xf32>
          %swap3A_408 = vector.shape_cast %max3A_402 : vector<16xf32> to vector<16xf32>
          tpu.vector_store %arg5[%swap3A_405], %swap3A_408 {strides = array<i32>} : memref<115712xf32, #tpu.memory_space<vmem>>, vector<16xf32>,
          %add3A_409 = arith.constant 16 : i32
          %add3A_410 = arith.addi %mul3A_391, %add3A_409 : i32
          %get3A_411 = arith.index_cast %add3A_410 : i32 to index
          %get3A_412 = tpu.vector_load %arg7[%get3A_411] {strides = array<i32>} : memref<8192xf32, #tpu.memory_space<vmem>>, vector<16xf32>,
          %get3A_413 = vector.shape_cast %get3A_412 : vector<16xf32> to vector<16xf32>
          %add3A_414 = arith.constant 16 : i32
          %add3A_415 = arith.addi %mul3A_385, %add3A_414 : i32
          %get3A_416 = arith.index_cast %add3A_415 : i32 to index
          %get3A_417 = tpu.vector_load %arg5[%get3A_416] {strides = array<i32>} : memref<115712xf32, #tpu.memory_space<vmem>>, vector<16xf32>,
          %get3A_418 = vector.shape_cast %get3A_417 : vector<16xf32> to vector<16xf32>
          %max3A_419 = arith.maximumf %get3A_418, %get3A_413 : vector<16xf32>
          %add3A_420 = arith.constant 16 : i32
          %add3A_421 = arith.addi %mul3A_385, %add3A_420 : i32
          %swap3A_422 = arith.index_cast %add3A_421 : i32 to index
          %swap3A_423 = tpu.vector_load %arg5[%swap3A_422] {strides = array<i32>} : memref<115712xf32, #tpu.memory_space<vmem>>, vector<16xf32>,
          %swap3A_424 = vector.shape_cast %swap3A_423 : vector<16xf32> to vector<16xf32>
          %swap3A_425 = vector.shape_cast %max3A_419 : vector<16xf32> to vector<16xf32>
          tpu.vector_store %arg5[%swap3A_422], %swap3A_425 {strides = array<i32>} : memref<115712xf32, #tpu.memory_space<vmem>>, vector<16xf32>,
          %add3A_426 = arith.constant 32 : i32
          %add3A_427 = arith.addi %mul3A_391, %add3A_426 : i32
          %get3A_428 = arith.index_cast %add3A_427 : i32 to index
          %get3A_429 = tpu.vector_load %arg7[%get3A_428] {strides = array<i32>} : memref<8192xf32, #tpu.memory_space<vmem>>, vector<16xf32>,
          %get3A_430 = vector.shape_cast %get3A_429 : vector<16xf32> to vector<16xf32>
          %add3A_431 = arith.constant 32 : i32
          %add3A_432 = arith.addi %mul3A_385, %add3A_431 : i32
          %get3A_433 = arith.index_cast %add3A_432 : i32 to index
          %get3A_434 = tpu.vector_load %arg5[%get3A_433] {strides = array<i32>} : memref<115712xf32, #tpu.memory_space<vmem>>, vector<16xf32>,
          %get3A_435 = vector.shape_cast %get3A_434 : vector<16xf32> to vector<16xf32>
          %max3A_436 = arith.maximumf %get3A_435, %get3A_430 : vector<16xf32>
          %add3A_437 = arith.constant 32 : i32
          %add3A_438 = arith.addi %mul3A_385, %add3A_437 : i32
          %swap3A_439 = arith.index_cast %add3A_438 : i32 to index
          %swap3A_440 = tpu.vector_load %arg5[%swap3A_439] {strides = array<i32>} : memref<115712xf32, #tpu.memory_space<vmem>>, vector<16xf32>,
          %swap3A_441 = vector.shape_cast %swap3A_440 : vector<16xf32> to vector<16xf32>
          %swap3A_442 = vector.shape_cast %max3A_436 : vector<16xf32> to vector<16xf32>
          tpu.vector_store %arg5[%swap3A_439], %swap3A_442 {strides = array<i32>} : memref<115712xf32, #tpu.memory_space<vmem>>, vector<16xf32>,
          %add3A_443 = arith.constant 48 : i32
          %add3A_444 = arith.addi %mul3A_391, %add3A_443 : i32
          %get3A_445 = arith.index_cast %add3A_444 : i32 to index
          %get3A_446 = tpu.vector_load %arg7[%get3A_445] {strides = array<i32>} : memref<8192xf32, #tpu.memory_space<vmem>>, vector<16xf32>,
          %get3A_447 = vector.shape_cast %get3A_446 : vector<16xf32> to vector<16xf32>
          %add3A_448 = arith.constant 48 : i32
          %add3A_449 = arith.addi %mul3A_385, %add3A_448 : i32
          %get3A_450 = arith.index_cast %add3A_449 : i32 to index
          %get3A_451 = tpu.vector_load %arg5[%get3A_450] {strides = array<i32>} : memref<115712xf32, #tpu.memory_space<vmem>>, vector<16xf32>,
          %get3A_452 = vector.shape_cast %get3A_451 : vector<16xf32> to vector<16xf32>
          %max3A_453 = arith.maximumf %get3A_452, %get3A_447 : vector<16xf32>
          %add3A_454 = arith.constant 48 : i32
          %add3A_455 = arith.addi %mul3A_385, %add3A_454 : i32
          %swap3A_456 = arith.index_cast %add3A_455 : i32 to index
          %swap3A_457 = tpu.vector_load %arg5[%swap3A_456] {strides = array<i32>} : memref<115712xf32, #tpu.memory_space<vmem>>, vector<16xf32>,
          %swap3A_458 = vector.shape_cast %swap3A_457 : vector<16xf32> to vector<16xf32>
          %swap3A_459 = vector.shape_cast %max3A_453 : vector<16xf32> to vector<16xf32>
          tpu.vector_store %arg5[%swap3A_456], %swap3A_459 {strides = array<i32>} : memref<115712xf32, #tpu.memory_space<vmem>>, vector<16xf32>,
          %slice3A_460 = vector.extract_strided_slice %get3A_120 {offsets = [4], sizes = [1], strides = [1]} : vector<16xi32> to vector<1xi32>
          %squeeze3A_461 = vector.extract %slice3A_460[0] : i32 from vector<1xi32>
          %sub3A_462 = arith.subi %squeeze3A_461, %mul3A_72 : i32
          %ge3A_463 = arith.constant 0 : i32
          %ge3A_464 = arith.cmpi sge, %sub3A_462, %ge3A_463 : i32
          %lt3A_465 = arith.constant 1800 : i32
          %lt3A_466 = arith.cmpi slt, %sub3A_462, %lt3A_465 : i32
          %and3A_467 = arith.andi %ge3A_464, %lt3A_466 : i1
          %jit3A_468 = arith.constant 1800 : i32
          %select_n3A_469 = arith.select %and3A_467, %sub3A_462, %jit3A_468 : i32
          %mul3A_470 = arith.constant 64 : i32
          %mul3A_471 = arith.muli %select_n3A_469, %mul3A_470 : i32
          %mul3A_472 = arith.constant 16 : i32
          %mul3A_473 = arith.muli %scan3A_113, %mul3A_472 : i32
          %add3A_474 = arith.constant 4 : i32
          %add3A_475 = arith.addi %mul3A_473, %add3A_474 : i32
          %mul3A_476 = arith.constant 64 : i32
          %mul3A_477 = arith.muli %add3A_475, %mul3A_476 : i32
          %add3A_478 = arith.constant 0 : i32
          %add3A_479 = arith.addi %mul3A_477, %add3A_478 : i32
          %get3A_480 = arith.index_cast %add3A_479 : i32 to index
          %get3A_481 = tpu.vector_load %arg7[%get3A_480] {strides = array<i32>} : memref<8192xf32, #tpu.memory_space<vmem>>, vector<16xf32>,
          %get3A_482 = vector.shape_cast %get3A_481 : vector<16xf32> to vector<16xf32>
          %add3A_483 = arith.constant 0 : i32
          %add3A_484 = arith.addi %mul3A_471, %add3A_483 : i32
          %get3A_485 = arith.index_cast %add3A_484 : i32 to index
          %get3A_486 = tpu.vector_load %arg5[%get3A_485] {strides = array<i32>} : memref<115712xf32, #tpu.memory_space<vmem>>, vector<16xf32>,
          %get3A_487 = vector.shape_cast %get3A_486 : vector<16xf32> to vector<16xf32>
          %max3A_488 = arith.maximumf %get3A_487, %get3A_482 : vector<16xf32>
          %add3A_489 = arith.constant 0 : i32
          %add3A_490 = arith.addi %mul3A_471, %add3A_489 : i32
          %swap3A_491 = arith.index_cast %add3A_490 : i32 to index
          %swap3A_492 = tpu.vector_load %arg5[%swap3A_491] {strides = array<i32>} : memref<115712xf32, #tpu.memory_space<vmem>>, vector<16xf32>,
          %swap3A_493 = vector.shape_cast %swap3A_492 : vector<16xf32> to vector<16xf32>
          %swap3A_494 = vector.shape_cast %max3A_488 : vector<16xf32> to vector<16xf32>
          tpu.vector_store %arg5[%swap3A_491], %swap3A_494 {strides = array<i32>} : memref<115712xf32, #tpu.memory_space<vmem>>, vector<16xf32>,
          %add3A_495 = arith.constant 16 : i32
          %add3A_496 = arith.addi %mul3A_477, %add3A_495 : i32
          %get3A_497 = arith.index_cast %add3A_496 : i32 to index
          %get3A_498 = tpu.vector_load %arg7[%get3A_497] {strides = array<i32>} : memref<8192xf32, #tpu.memory_space<vmem>>, vector<16xf32>,
          %get3A_499 = vector.shape_cast %get3A_498 : vector<16xf32> to vector<16xf32>
          %add3A_500 = arith.constant 16 : i32
          %add3A_501 = arith.addi %mul3A_471, %add3A_500 : i32
          %get3A_502 = arith.index_cast %add3A_501 : i32 to index
          %get3A_503 = tpu.vector_load %arg5[%get3A_502] {strides = array<i32>} : memref<115712xf32, #tpu.memory_space<vmem>>, vector<16xf32>,
          %get3A_504 = vector.shape_cast %get3A_503 : vector<16xf32> to vector<16xf32>
          %max3A_505 = arith.maximumf %get3A_504, %get3A_499 : vector<16xf32>
          %add3A_506 = arith.constant 16 : i32
          %add3A_507 = arith.addi %mul3A_471, %add3A_506 : i32
          %swap3A_508 = arith.index_cast %add3A_507 : i32 to index
          %swap3A_509 = tpu.vector_load %arg5[%swap3A_508] {strides = array<i32>} : memref<115712xf32, #tpu.memory_space<vmem>>, vector<16xf32>,
          %swap3A_510 = vector.shape_cast %swap3A_509 : vector<16xf32> to vector<16xf32>
          %swap3A_511 = vector.shape_cast %max3A_505 : vector<16xf32> to vector<16xf32>
          tpu.vector_store %arg5[%swap3A_508], %swap3A_511 {strides = array<i32>} : memref<115712xf32, #tpu.memory_space<vmem>>, vector<16xf32>,
          %add3A_512 = arith.constant 32 : i32
          %add3A_513 = arith.addi %mul3A_477, %add3A_512 : i32
          %get3A_514 = arith.index_cast %add3A_513 : i32 to index
          %get3A_515 = tpu.vector_load %arg7[%get3A_514] {strides = array<i32>} : memref<8192xf32, #tpu.memory_space<vmem>>, vector<16xf32>,
          %get3A_516 = vector.shape_cast %get3A_515 : vector<16xf32> to vector<16xf32>
          %add3A_517 = arith.constant 32 : i32
          %add3A_518 = arith.addi %mul3A_471, %add3A_517 : i32
          %get3A_519 = arith.index_cast %add3A_518 : i32 to index
          %get3A_520 = tpu.vector_load %arg5[%get3A_519] {strides = array<i32>} : memref<115712xf32, #tpu.memory_space<vmem>>, vector<16xf32>,
          %get3A_521 = vector.shape_cast %get3A_520 : vector<16xf32> to vector<16xf32>
          %max3A_522 = arith.maximumf %get3A_521, %get3A_516 : vector<16xf32>
          %add3A_523 = arith.constant 32 : i32
          %add3A_524 = arith.addi %mul3A_471, %add3A_523 : i32
          %swap3A_525 = arith.index_cast %add3A_524 : i32 to index
          %swap3A_526 = tpu.vector_load %arg5[%swap3A_525] {strides = array<i32>} : memref<115712xf32, #tpu.memory_space<vmem>>, vector<16xf32>,
          %swap3A_527 = vector.shape_cast %swap3A_526 : vector<16xf32> to vector<16xf32>
          %swap3A_528 = vector.shape_cast %max3A_522 : vector<16xf32> to vector<16xf32>
          tpu.vector_store %arg5[%swap3A_525], %swap3A_528 {strides = array<i32>} : memref<115712xf32, #tpu.memory_space<vmem>>, vector<16xf32>,
          %add3A_529 = arith.constant 48 : i32
          %add3A_530 = arith.addi %mul3A_477, %add3A_529 : i32
          %get3A_531 = arith.index_cast %add3A_530 : i32 to index
          %get3A_532 = tpu.vector_load %arg7[%get3A_531] {strides = array<i32>} : memref<8192xf32, #tpu.memory_space<vmem>>, vector<16xf32>,
          %get3A_533 = vector.shape_cast %get3A_532 : vector<16xf32> to vector<16xf32>
          %add3A_534 = arith.constant 48 : i32
          %add3A_535 = arith.addi %mul3A_471, %add3A_534 : i32
          %get3A_536 = arith.index_cast %add3A_535 : i32 to index
          %get3A_537 = tpu.vector_load %arg5[%get3A_536] {strides = array<i32>} : memref<115712xf32, #tpu.memory_space<vmem>>, vector<16xf32>,
          %get3A_538 = vector.shape_cast %get3A_537 : vector<16xf32> to vector<16xf32>
          %max3A_539 = arith.maximumf %get3A_538, %get3A_533 : vector<16xf32>
          %add3A_540 = arith.constant 48 : i32
          %add3A_541 = arith.addi %mul3A_471, %add3A_540 : i32
          %swap3A_542 = arith.index_cast %add3A_541 : i32 to index
          %swap3A_543 = tpu.vector_load %arg5[%swap3A_542] {strides = array<i32>} : memref<115712xf32, #tpu.memory_space<vmem>>, vector<16xf32>,
          %swap3A_544 = vector.shape_cast %swap3A_543 : vector<16xf32> to vector<16xf32>
          %swap3A_545 = vector.shape_cast %max3A_539 : vector<16xf32> to vector<16xf32>
          tpu.vector_store %arg5[%swap3A_542], %swap3A_545 {strides = array<i32>} : memref<115712xf32, #tpu.memory_space<vmem>>, vector<16xf32>,
          %slice3A_546 = vector.extract_strided_slice %get3A_120 {offsets = [5], sizes = [1], strides = [1]} : vector<16xi32> to vector<1xi32>
          %squeeze3A_547 = vector.extract %slice3A_546[0] : i32 from vector<1xi32>
          %sub3A_548 = arith.subi %squeeze3A_547, %mul3A_72 : i32
          %ge3A_549 = arith.constant 0 : i32
          %ge3A_550 = arith.cmpi sge, %sub3A_548, %ge3A_549 : i32
          %lt3A_551 = arith.constant 1800 : i32
          %lt3A_552 = arith.cmpi slt, %sub3A_548, %lt3A_551 : i32
          %and3A_553 = arith.andi %ge3A_550, %lt3A_552 : i1
          %jit3A_554 = arith.constant 1800 : i32
          %select_n3A_555 = arith.select %and3A_553, %sub3A_548, %jit3A_554 : i32
          %mul3A_556 = arith.constant 64 : i32
          %mul3A_557 = arith.muli %select_n3A_555, %mul3A_556 : i32
          %mul3A_558 = arith.constant 16 : i32
          %mul3A_559 = arith.muli %scan3A_113, %mul3A_558 : i32
          %add3A_560 = arith.constant 5 : i32
          %add3A_561 = arith.addi %mul3A_559, %add3A_560 : i32
          %mul3A_562 = arith.constant 64 : i32
          %mul3A_563 = arith.muli %add3A_561, %mul3A_562 : i32
          %add3A_564 = arith.constant 0 : i32
          %add3A_565 = arith.addi %mul3A_563, %add3A_564 : i32
          %get3A_566 = arith.index_cast %add3A_565 : i32 to index
          %get3A_567 = tpu.vector_load %arg7[%get3A_566] {strides = array<i32>} : memref<8192xf32, #tpu.memory_space<vmem>>, vector<16xf32>,
          %get3A_568 = vector.shape_cast %get3A_567 : vector<16xf32> to vector<16xf32>
          %add3A_569 = arith.constant 0 : i32
          %add3A_570 = arith.addi %mul3A_557, %add3A_569 : i32
          %get3A_571 = arith.index_cast %add3A_570 : i32 to index
          %get3A_572 = tpu.vector_load %arg5[%get3A_571] {strides = array<i32>} : memref<115712xf32, #tpu.memory_space<vmem>>, vector<16xf32>,
          %get3A_573 = vector.shape_cast %get3A_572 : vector<16xf32> to vector<16xf32>
          %max3A_574 = arith.maximumf %get3A_573, %get3A_568 : vector<16xf32>
          %add3A_575 = arith.constant 0 : i32
          %add3A_576 = arith.addi %mul3A_557, %add3A_575 : i32
          %swap3A_577 = arith.index_cast %add3A_576 : i32 to index
          %swap3A_578 = tpu.vector_load %arg5[%swap3A_577] {strides = array<i32>} : memref<115712xf32, #tpu.memory_space<vmem>>, vector<16xf32>,
          %swap3A_579 = vector.shape_cast %swap3A_578 : vector<16xf32> to vector<16xf32>
          %swap3A_580 = vector.shape_cast %max3A_574 : vector<16xf32> to vector<16xf32>
          tpu.vector_store %arg5[%swap3A_577], %swap3A_580 {strides = array<i32>} : memref<115712xf32, #tpu.memory_space<vmem>>, vector<16xf32>,
          %add3A_581 = arith.constant 16 : i32
          %add3A_582 = arith.addi %mul3A_563, %add3A_581 : i32
          %get3A_583 = arith.index_cast %add3A_582 : i32 to index
          %get3A_584 = tpu.vector_load %arg7[%get3A_583] {strides = array<i32>} : memref<8192xf32, #tpu.memory_space<vmem>>, vector<16xf32>,
          %get3A_585 = vector.shape_cast %get3A_584 : vector<16xf32> to vector<16xf32>
          %add3A_586 = arith.constant 16 : i32
          %add3A_587 = arith.addi %mul3A_557, %add3A_586 : i32
          %get3A_588 = arith.index_cast %add3A_587 : i32 to index
          %get3A_589 = tpu.vector_load %arg5[%get3A_588] {strides = array<i32>} : memref<115712xf32, #tpu.memory_space<vmem>>, vector<16xf32>,
          %get3A_590 = vector.shape_cast %get3A_589 : vector<16xf32> to vector<16xf32>
          %max3A_591 = arith.maximumf %get3A_590, %get3A_585 : vector<16xf32>
          %add3A_592 = arith.constant 16 : i32
          %add3A_593 = arith.addi %mul3A_557, %add3A_592 : i32
          %swap3A_594 = arith.index_cast %add3A_593 : i32 to index
          %swap3A_595 = tpu.vector_load %arg5[%swap3A_594] {strides = array<i32>} : memref<115712xf32, #tpu.memory_space<vmem>>, vector<16xf32>,
          %swap3A_596 = vector.shape_cast %swap3A_595 : vector<16xf32> to vector<16xf32>
          %swap3A_597 = vector.shape_cast %max3A_591 : vector<16xf32> to vector<16xf32>
          tpu.vector_store %arg5[%swap3A_594], %swap3A_597 {strides = array<i32>} : memref<115712xf32, #tpu.memory_space<vmem>>, vector<16xf32>,
          %add3A_598 = arith.constant 32 : i32
          %add3A_599 = arith.addi %mul3A_563, %add3A_598 : i32
          %get3A_600 = arith.index_cast %add3A_599 : i32 to index
          %get3A_601 = tpu.vector_load %arg7[%get3A_600] {strides = array<i32>} : memref<8192xf32, #tpu.memory_space<vmem>>, vector<16xf32>,
          %get3A_602 = vector.shape_cast %get3A_601 : vector<16xf32> to vector<16xf32>
          %add3A_603 = arith.constant 32 : i32
          %add3A_604 = arith.addi %mul3A_557, %add3A_603 : i32
          %get3A_605 = arith.index_cast %add3A_604 : i32 to index
          %get3A_606 = tpu.vector_load %arg5[%get3A_605] {strides = array<i32>} : memref<115712xf32, #tpu.memory_space<vmem>>, vector<16xf32>,
          %get3A_607 = vector.shape_cast %get3A_606 : vector<16xf32> to vector<16xf32>
          %max3A_608 = arith.maximumf %get3A_607, %get3A_602 : vector<16xf32>
          %add3A_609 = arith.constant 32 : i32
          %add3A_610 = arith.addi %mul3A_557, %add3A_609 : i32
          %swap3A_611 = arith.index_cast %add3A_610 : i32 to index
          %swap3A_612 = tpu.vector_load %arg5[%swap3A_611] {strides = array<i32>} : memref<115712xf32, #tpu.memory_space<vmem>>, vector<16xf32>,
          %swap3A_613 = vector.shape_cast %swap3A_612 : vector<16xf32> to vector<16xf32>
          %swap3A_614 = vector.shape_cast %max3A_608 : vector<16xf32> to vector<16xf32>
          tpu.vector_store %arg5[%swap3A_611], %swap3A_614 {strides = array<i32>} : memref<115712xf32, #tpu.memory_space<vmem>>, vector<16xf32>,
          %add3A_615 = arith.constant 48 : i32
          %add3A_616 = arith.addi %mul3A_563, %add3A_615 : i32
          %get3A_617 = arith.index_cast %add3A_616 : i32 to index
          %get3A_618 = tpu.vector_load %arg7[%get3A_617] {strides = array<i32>} : memref<8192xf32, #tpu.memory_space<vmem>>, vector<16xf32>,
          %get3A_619 = vector.shape_cast %get3A_618 : vector<16xf32> to vector<16xf32>
          %add3A_620 = arith.constant 48 : i32
          %add3A_621 = arith.addi %mul3A_557, %add3A_620 : i32
          %get3A_622 = arith.index_cast %add3A_621 : i32 to index
          %get3A_623 = tpu.vector_load %arg5[%get3A_622] {strides = array<i32>} : memref<115712xf32, #tpu.memory_space<vmem>>, vector<16xf32>,
          %get3A_624 = vector.shape_cast %get3A_623 : vector<16xf32> to vector<16xf32>
          %max3A_625 = arith.maximumf %get3A_624, %get3A_619 : vector<16xf32>
          %add3A_626 = arith.constant 48 : i32
          %add3A_627 = arith.addi %mul3A_557, %add3A_626 : i32
          %swap3A_628 = arith.index_cast %add3A_627 : i32 to index
          %swap3A_629 = tpu.vector_load %arg5[%swap3A_628] {strides = array<i32>} : memref<115712xf32, #tpu.memory_space<vmem>>, vector<16xf32>,
          %swap3A_630 = vector.shape_cast %swap3A_629 : vector<16xf32> to vector<16xf32>
          %swap3A_631 = vector.shape_cast %max3A_625 : vector<16xf32> to vector<16xf32>
          tpu.vector_store %arg5[%swap3A_628], %swap3A_631 {strides = array<i32>} : memref<115712xf32, #tpu.memory_space<vmem>>, vector<16xf32>,
          %slice3A_632 = vector.extract_strided_slice %get3A_120 {offsets = [6], sizes = [1], strides = [1]} : vector<16xi32> to vector<1xi32>
          %squeeze3A_633 = vector.extract %slice3A_632[0] : i32 from vector<1xi32>
          %sub3A_634 = arith.subi %squeeze3A_633, %mul3A_72 : i32
          %ge3A_635 = arith.constant 0 : i32
          %ge3A_636 = arith.cmpi sge, %sub3A_634, %ge3A_635 : i32
          %lt3A_637 = arith.constant 1800 : i32
          %lt3A_638 = arith.cmpi slt, %sub3A_634, %lt3A_637 : i32
          %and3A_639 = arith.andi %ge3A_636, %lt3A_638 : i1
          %jit3A_640 = arith.constant 1800 : i32
          %select_n3A_641 = arith.select %and3A_639, %sub3A_634, %jit3A_640 : i32
          %mul3A_642 = arith.constant 64 : i32
          %mul3A_643 = arith.muli %select_n3A_641, %mul3A_642 : i32
          %mul3A_644 = arith.constant 16 : i32
          %mul3A_645 = arith.muli %scan3A_113, %mul3A_644 : i32
          %add3A_646 = arith.constant 6 : i32
          %add3A_647 = arith.addi %mul3A_645, %add3A_646 : i32
          %mul3A_648 = arith.constant 64 : i32
          %mul3A_649 = arith.muli %add3A_647, %mul3A_648 : i32
          %add3A_650 = arith.constant 0 : i32
          %add3A_651 = arith.addi %mul3A_649, %add3A_650 : i32
          %get3A_652 = arith.index_cast %add3A_651 : i32 to index
          %get3A_653 = tpu.vector_load %arg7[%get3A_652] {strides = array<i32>} : memref<8192xf32, #tpu.memory_space<vmem>>, vector<16xf32>,
          %get3A_654 = vector.shape_cast %get3A_653 : vector<16xf32> to vector<16xf32>
          %add3A_655 = arith.constant 0 : i32
          %add3A_656 = arith.addi %mul3A_643, %add3A_655 : i32
          %get3A_657 = arith.index_cast %add3A_656 : i32 to index
          %get3A_658 = tpu.vector_load %arg5[%get3A_657] {strides = array<i32>} : memref<115712xf32, #tpu.memory_space<vmem>>, vector<16xf32>,
          %get3A_659 = vector.shape_cast %get3A_658 : vector<16xf32> to vector<16xf32>
          %max3A_660 = arith.maximumf %get3A_659, %get3A_654 : vector<16xf32>
          %add3A_661 = arith.constant 0 : i32
          %add3A_662 = arith.addi %mul3A_643, %add3A_661 : i32
          %swap3A_663 = arith.index_cast %add3A_662 : i32 to index
          %swap3A_664 = tpu.vector_load %arg5[%swap3A_663] {strides = array<i32>} : memref<115712xf32, #tpu.memory_space<vmem>>, vector<16xf32>,
          %swap3A_665 = vector.shape_cast %swap3A_664 : vector<16xf32> to vector<16xf32>
          %swap3A_666 = vector.shape_cast %max3A_660 : vector<16xf32> to vector<16xf32>
          tpu.vector_store %arg5[%swap3A_663], %swap3A_666 {strides = array<i32>} : memref<115712xf32, #tpu.memory_space<vmem>>, vector<16xf32>,
          %add3A_667 = arith.constant 16 : i32
          %add3A_668 = arith.addi %mul3A_649, %add3A_667 : i32
          %get3A_669 = arith.index_cast %add3A_668 : i32 to index
          %get3A_670 = tpu.vector_load %arg7[%get3A_669] {strides = array<i32>} : memref<8192xf32, #tpu.memory_space<vmem>>, vector<16xf32>,
          %get3A_671 = vector.shape_cast %get3A_670 : vector<16xf32> to vector<16xf32>
          %add3A_672 = arith.constant 16 : i32
          %add3A_673 = arith.addi %mul3A_643, %add3A_672 : i32
          %get3A_674 = arith.index_cast %add3A_673 : i32 to index
          %get3A_675 = tpu.vector_load %arg5[%get3A_674] {strides = array<i32>} : memref<115712xf32, #tpu.memory_space<vmem>>, vector<16xf32>,
          %get3A_676 = vector.shape_cast %get3A_675 : vector<16xf32> to vector<16xf32>
          %max3A_677 = arith.maximumf %get3A_676, %get3A_671 : vector<16xf32>
          %add3A_678 = arith.constant 16 : i32
          %add3A_679 = arith.addi %mul3A_643, %add3A_678 : i32
          %swap3A_680 = arith.index_cast %add3A_679 : i32 to index
          %swap3A_681 = tpu.vector_load %arg5[%swap3A_680] {strides = array<i32>} : memref<115712xf32, #tpu.memory_space<vmem>>, vector<16xf32>,
          %swap3A_682 = vector.shape_cast %swap3A_681 : vector<16xf32> to vector<16xf32>
          %swap3A_683 = vector.shape_cast %max3A_677 : vector<16xf32> to vector<16xf32>
          tpu.vector_store %arg5[%swap3A_680], %swap3A_683 {strides = array<i32>} : memref<115712xf32, #tpu.memory_space<vmem>>, vector<16xf32>,
          %add3A_684 = arith.constant 32 : i32
          %add3A_685 = arith.addi %mul3A_649, %add3A_684 : i32
          %get3A_686 = arith.index_cast %add3A_685 : i32 to index
          %get3A_687 = tpu.vector_load %arg7[%get3A_686] {strides = array<i32>} : memref<8192xf32, #tpu.memory_space<vmem>>, vector<16xf32>,
          %get3A_688 = vector.shape_cast %get3A_687 : vector<16xf32> to vector<16xf32>
          %add3A_689 = arith.constant 32 : i32
          %add3A_690 = arith.addi %mul3A_643, %add3A_689 : i32
          %get3A_691 = arith.index_cast %add3A_690 : i32 to index
          %get3A_692 = tpu.vector_load %arg5[%get3A_691] {strides = array<i32>} : memref<115712xf32, #tpu.memory_space<vmem>>, vector<16xf32>,
          %get3A_693 = vector.shape_cast %get3A_692 : vector<16xf32> to vector<16xf32>
          %max3A_694 = arith.maximumf %get3A_693, %get3A_688 : vector<16xf32>
          %add3A_695 = arith.constant 32 : i32
          %add3A_696 = arith.addi %mul3A_643, %add3A_695 : i32
          %swap3A_697 = arith.index_cast %add3A_696 : i32 to index
          %swap3A_698 = tpu.vector_load %arg5[%swap3A_697] {strides = array<i32>} : memref<115712xf32, #tpu.memory_space<vmem>>, vector<16xf32>,
          %swap3A_699 = vector.shape_cast %swap3A_698 : vector<16xf32> to vector<16xf32>
          %swap3A_700 = vector.shape_cast %max3A_694 : vector<16xf32> to vector<16xf32>
          tpu.vector_store %arg5[%swap3A_697], %swap3A_700 {strides = array<i32>} : memref<115712xf32, #tpu.memory_space<vmem>>, vector<16xf32>,
          %add3A_701 = arith.constant 48 : i32
          %add3A_702 = arith.addi %mul3A_649, %add3A_701 : i32
          %get3A_703 = arith.index_cast %add3A_702 : i32 to index
          %get3A_704 = tpu.vector_load %arg7[%get3A_703] {strides = array<i32>} : memref<8192xf32, #tpu.memory_space<vmem>>, vector<16xf32>,
          %get3A_705 = vector.shape_cast %get3A_704 : vector<16xf32> to vector<16xf32>
          %add3A_706 = arith.constant 48 : i32
          %add3A_707 = arith.addi %mul3A_643, %add3A_706 : i32
          %get3A_708 = arith.index_cast %add3A_707 : i32 to index
          %get3A_709 = tpu.vector_load %arg5[%get3A_708] {strides = array<i32>} : memref<115712xf32, #tpu.memory_space<vmem>>, vector<16xf32>,
          %get3A_710 = vector.shape_cast %get3A_709 : vector<16xf32> to vector<16xf32>
          %max3A_711 = arith.maximumf %get3A_710, %get3A_705 : vector<16xf32>
          %add3A_712 = arith.constant 48 : i32
          %add3A_713 = arith.addi %mul3A_643, %add3A_712 : i32
          %swap3A_714 = arith.index_cast %add3A_713 : i32 to index
          %swap3A_715 = tpu.vector_load %arg5[%swap3A_714] {strides = array<i32>} : memref<115712xf32, #tpu.memory_space<vmem>>, vector<16xf32>,
          %swap3A_716 = vector.shape_cast %swap3A_715 : vector<16xf32> to vector<16xf32>
          %swap3A_717 = vector.shape_cast %max3A_711 : vector<16xf32> to vector<16xf32>
          tpu.vector_store %arg5[%swap3A_714], %swap3A_717 {strides = array<i32>} : memref<115712xf32, #tpu.memory_space<vmem>>, vector<16xf32>,
          %slice3A_718 = vector.extract_strided_slice %get3A_120 {offsets = [7], sizes = [1], strides = [1]} : vector<16xi32> to vector<1xi32>
          %squeeze3A_719 = vector.extract %slice3A_718[0] : i32 from vector<1xi32>
          %sub3A_720 = arith.subi %squeeze3A_719, %mul3A_72 : i32
          %ge3A_721 = arith.constant 0 : i32
          %ge3A_722 = arith.cmpi sge, %sub3A_720, %ge3A_721 : i32
          %lt3A_723 = arith.constant 1800 : i32
          %lt3A_724 = arith.cmpi slt, %sub3A_720, %lt3A_723 : i32
          %and3A_725 = arith.andi %ge3A_722, %lt3A_724 : i1
          %jit3A_726 = arith.constant 1800 : i32
          %select_n3A_727 = arith.select %and3A_725, %sub3A_720, %jit3A_726 : i32
          %mul3A_728 = arith.constant 64 : i32
          %mul3A_729 = arith.muli %select_n3A_727, %mul3A_728 : i32
          %mul3A_730 = arith.constant 16 : i32
          %mul3A_731 = arith.muli %scan3A_113, %mul3A_730 : i32
          %add3A_732 = arith.constant 7 : i32
          %add3A_733 = arith.addi %mul3A_731, %add3A_732 : i32
          %mul3A_734 = arith.constant 64 : i32
          %mul3A_735 = arith.muli %add3A_733, %mul3A_734 : i32
          %add3A_736 = arith.constant 0 : i32
          %add3A_737 = arith.addi %mul3A_735, %add3A_736 : i32
          %get3A_738 = arith.index_cast %add3A_737 : i32 to index
          %get3A_739 = tpu.vector_load %arg7[%get3A_738] {strides = array<i32>} : memref<8192xf32, #tpu.memory_space<vmem>>, vector<16xf32>,
          %get3A_740 = vector.shape_cast %get3A_739 : vector<16xf32> to vector<16xf32>
          %add3A_741 = arith.constant 0 : i32
          %add3A_742 = arith.addi %mul3A_729, %add3A_741 : i32
          %get3A_743 = arith.index_cast %add3A_742 : i32 to index
          %get3A_744 = tpu.vector_load %arg5[%get3A_743] {strides = array<i32>} : memref<115712xf32, #tpu.memory_space<vmem>>, vector<16xf32>,
          %get3A_745 = vector.shape_cast %get3A_744 : vector<16xf32> to vector<16xf32>
          %max3A_746 = arith.maximumf %get3A_745, %get3A_740 : vector<16xf32>
          %add3A_747 = arith.constant 0 : i32
          %add3A_748 = arith.addi %mul3A_729, %add3A_747 : i32
          %swap3A_749 = arith.index_cast %add3A_748 : i32 to index
          %swap3A_750 = tpu.vector_load %arg5[%swap3A_749] {strides = array<i32>} : memref<115712xf32, #tpu.memory_space<vmem>>, vector<16xf32>,
          %swap3A_751 = vector.shape_cast %swap3A_750 : vector<16xf32> to vector<16xf32>
          %swap3A_752 = vector.shape_cast %max3A_746 : vector<16xf32> to vector<16xf32>
          tpu.vector_store %arg5[%swap3A_749], %swap3A_752 {strides = array<i32>} : memref<115712xf32, #tpu.memory_space<vmem>>, vector<16xf32>,
          %add3A_753 = arith.constant 16 : i32
          %add3A_754 = arith.addi %mul3A_735, %add3A_753 : i32
          %get3A_755 = arith.index_cast %add3A_754 : i32 to index
          %get3A_756 = tpu.vector_load %arg7[%get3A_755] {strides = array<i32>} : memref<8192xf32, #tpu.memory_space<vmem>>, vector<16xf32>,
          %get3A_757 = vector.shape_cast %get3A_756 : vector<16xf32> to vector<16xf32>
          %add3A_758 = arith.constant 16 : i32
          %add3A_759 = arith.addi %mul3A_729, %add3A_758 : i32
          %get3A_760 = arith.index_cast %add3A_759 : i32 to index
          %get3A_761 = tpu.vector_load %arg5[%get3A_760] {strides = array<i32>} : memref<115712xf32, #tpu.memory_space<vmem>>, vector<16xf32>,
          %get3A_762 = vector.shape_cast %get3A_761 : vector<16xf32> to vector<16xf32>
          %max3A_763 = arith.maximumf %get3A_762, %get3A_757 : vector<16xf32>
          %add3A_764 = arith.constant 16 : i32
          %add3A_765 = arith.addi %mul3A_729, %add3A_764 : i32
          %swap3A_766 = arith.index_cast %add3A_765 : i32 to index
          %swap3A_767 = tpu.vector_load %arg5[%swap3A_766] {strides = array<i32>} : memref<115712xf32, #tpu.memory_space<vmem>>, vector<16xf32>,
          %swap3A_768 = vector.shape_cast %swap3A_767 : vector<16xf32> to vector<16xf32>
          %swap3A_769 = vector.shape_cast %max3A_763 : vector<16xf32> to vector<16xf32>
          tpu.vector_store %arg5[%swap3A_766], %swap3A_769 {strides = array<i32>} : memref<115712xf32, #tpu.memory_space<vmem>>, vector<16xf32>,
          %add3A_770 = arith.constant 32 : i32
          %add3A_771 = arith.addi %mul3A_735, %add3A_770 : i32
          %get3A_772 = arith.index_cast %add3A_771 : i32 to index
          %get3A_773 = tpu.vector_load %arg7[%get3A_772] {strides = array<i32>} : memref<8192xf32, #tpu.memory_space<vmem>>, vector<16xf32>,
          %get3A_774 = vector.shape_cast %get3A_773 : vector<16xf32> to vector<16xf32>
          %add3A_775 = arith.constant 32 : i32
          %add3A_776 = arith.addi %mul3A_729, %add3A_775 : i32
          %get3A_777 = arith.index_cast %add3A_776 : i32 to index
          %get3A_778 = tpu.vector_load %arg5[%get3A_777] {strides = array<i32>} : memref<115712xf32, #tpu.memory_space<vmem>>, vector<16xf32>,
          %get3A_779 = vector.shape_cast %get3A_778 : vector<16xf32> to vector<16xf32>
          %max3A_780 = arith.maximumf %get3A_779, %get3A_774 : vector<16xf32>
          %add3A_781 = arith.constant 32 : i32
          %add3A_782 = arith.addi %mul3A_729, %add3A_781 : i32
          %swap3A_783 = arith.index_cast %add3A_782 : i32 to index
          %swap3A_784 = tpu.vector_load %arg5[%swap3A_783] {strides = array<i32>} : memref<115712xf32, #tpu.memory_space<vmem>>, vector<16xf32>,
          %swap3A_785 = vector.shape_cast %swap3A_784 : vector<16xf32> to vector<16xf32>
          %swap3A_786 = vector.shape_cast %max3A_780 : vector<16xf32> to vector<16xf32>
          tpu.vector_store %arg5[%swap3A_783], %swap3A_786 {strides = array<i32>} : memref<115712xf32, #tpu.memory_space<vmem>>, vector<16xf32>,
          %add3A_787 = arith.constant 48 : i32
          %add3A_788 = arith.addi %mul3A_735, %add3A_787 : i32
          %get3A_789 = arith.index_cast %add3A_788 : i32 to index
          %get3A_790 = tpu.vector_load %arg7[%get3A_789] {strides = array<i32>} : memref<8192xf32, #tpu.memory_space<vmem>>, vector<16xf32>,
          %get3A_791 = vector.shape_cast %get3A_790 : vector<16xf32> to vector<16xf32>
          %add3A_792 = arith.constant 48 : i32
          %add3A_793 = arith.addi %mul3A_729, %add3A_792 : i32
          %get3A_794 = arith.index_cast %add3A_793 : i32 to index
          %get3A_795 = tpu.vector_load %arg5[%get3A_794] {strides = array<i32>} : memref<115712xf32, #tpu.memory_space<vmem>>, vector<16xf32>,
          %get3A_796 = vector.shape_cast %get3A_795 : vector<16xf32> to vector<16xf32>
          %max3A_797 = arith.maximumf %get3A_796, %get3A_791 : vector<16xf32>
          %add3A_798 = arith.constant 48 : i32
          %add3A_799 = arith.addi %mul3A_729, %add3A_798 : i32
          %swap3A_800 = arith.index_cast %add3A_799 : i32 to index
          %swap3A_801 = tpu.vector_load %arg5[%swap3A_800] {strides = array<i32>} : memref<115712xf32, #tpu.memory_space<vmem>>, vector<16xf32>,
          %swap3A_802 = vector.shape_cast %swap3A_801 : vector<16xf32> to vector<16xf32>
          %swap3A_803 = vector.shape_cast %max3A_797 : vector<16xf32> to vector<16xf32>
          tpu.vector_store %arg5[%swap3A_800], %swap3A_803 {strides = array<i32>} : memref<115712xf32, #tpu.memory_space<vmem>>, vector<16xf32>,
          %slice3A_804 = vector.extract_strided_slice %get3A_120 {offsets = [8], sizes = [1], strides = [1]} : vector<16xi32> to vector<1xi32>
          %squeeze3A_805 = vector.extract %slice3A_804[0] : i32 from vector<1xi32>
          %sub3A_806 = arith.subi %squeeze3A_805, %mul3A_72 : i32
          %ge3A_807 = arith.constant 0 : i32
          %ge3A_808 = arith.cmpi sge, %sub3A_806, %ge3A_807 : i32
          %lt3A_809 = arith.constant 1800 : i32
          %lt3A_810 = arith.cmpi slt, %sub3A_806, %lt3A_809 : i32
          %and3A_811 = arith.andi %ge3A_808, %lt3A_810 : i1
          %jit3A_812 = arith.constant 1800 : i32
          %select_n3A_813 = arith.select %and3A_811, %sub3A_806, %jit3A_812 : i32
          %mul3A_814 = arith.constant 64 : i32
          %mul3A_815 = arith.muli %select_n3A_813, %mul3A_814 : i32
          %mul3A_816 = arith.constant 16 : i32
          %mul3A_817 = arith.muli %scan3A_113, %mul3A_816 : i32
          %add3A_818 = arith.constant 8 : i32
          %add3A_819 = arith.addi %mul3A_817, %add3A_818 : i32
          %mul3A_820 = arith.constant 64 : i32
          %mul3A_821 = arith.muli %add3A_819, %mul3A_820 : i32
          %add3A_822 = arith.constant 0 : i32
          %add3A_823 = arith.addi %mul3A_821, %add3A_822 : i32
          %get3A_824 = arith.index_cast %add3A_823 : i32 to index
          %get3A_825 = tpu.vector_load %arg7[%get3A_824] {strides = array<i32>} : memref<8192xf32, #tpu.memory_space<vmem>>, vector<16xf32>,
          %get3A_826 = vector.shape_cast %get3A_825 : vector<16xf32> to vector<16xf32>
          %add3A_827 = arith.constant 0 : i32
          %add3A_828 = arith.addi %mul3A_815, %add3A_827 : i32
          %get3A_829 = arith.index_cast %add3A_828 : i32 to index
          %get3A_830 = tpu.vector_load %arg5[%get3A_829] {strides = array<i32>} : memref<115712xf32, #tpu.memory_space<vmem>>, vector<16xf32>,
          %get3A_831 = vector.shape_cast %get3A_830 : vector<16xf32> to vector<16xf32>
          %max3A_832 = arith.maximumf %get3A_831, %get3A_826 : vector<16xf32>
          %add3A_833 = arith.constant 0 : i32
          %add3A_834 = arith.addi %mul3A_815, %add3A_833 : i32
          %swap3A_835 = arith.index_cast %add3A_834 : i32 to index
          %swap3A_836 = tpu.vector_load %arg5[%swap3A_835] {strides = array<i32>} : memref<115712xf32, #tpu.memory_space<vmem>>, vector<16xf32>,
          %swap3A_837 = vector.shape_cast %swap3A_836 : vector<16xf32> to vector<16xf32>
          %swap3A_838 = vector.shape_cast %max3A_832 : vector<16xf32> to vector<16xf32>
          tpu.vector_store %arg5[%swap3A_835], %swap3A_838 {strides = array<i32>} : memref<115712xf32, #tpu.memory_space<vmem>>, vector<16xf32>,
          %add3A_839 = arith.constant 16 : i32
          %add3A_840 = arith.addi %mul3A_821, %add3A_839 : i32
          %get3A_841 = arith.index_cast %add3A_840 : i32 to index
          %get3A_842 = tpu.vector_load %arg7[%get3A_841] {strides = array<i32>} : memref<8192xf32, #tpu.memory_space<vmem>>, vector<16xf32>,
          %get3A_843 = vector.shape_cast %get3A_842 : vector<16xf32> to vector<16xf32>
          %add3A_844 = arith.constant 16 : i32
          %add3A_845 = arith.addi %mul3A_815, %add3A_844 : i32
          %get3A_846 = arith.index_cast %add3A_845 : i32 to index
          %get3A_847 = tpu.vector_load %arg5[%get3A_846] {strides = array<i32>} : memref<115712xf32, #tpu.memory_space<vmem>>, vector<16xf32>,
          %get3A_848 = vector.shape_cast %get3A_847 : vector<16xf32> to vector<16xf32>
          %max3A_849 = arith.maximumf %get3A_848, %get3A_843 : vector<16xf32>
          %add3A_850 = arith.constant 16 : i32
          %add3A_851 = arith.addi %mul3A_815, %add3A_850 : i32
          %swap3A_852 = arith.index_cast %add3A_851 : i32 to index
          %swap3A_853 = tpu.vector_load %arg5[%swap3A_852] {strides = array<i32>} : memref<115712xf32, #tpu.memory_space<vmem>>, vector<16xf32>,
          %swap3A_854 = vector.shape_cast %swap3A_853 : vector<16xf32> to vector<16xf32>
          %swap3A_855 = vector.shape_cast %max3A_849 : vector<16xf32> to vector<16xf32>
          tpu.vector_store %arg5[%swap3A_852], %swap3A_855 {strides = array<i32>} : memref<115712xf32, #tpu.memory_space<vmem>>, vector<16xf32>,
          %add3A_856 = arith.constant 32 : i32
          %add3A_857 = arith.addi %mul3A_821, %add3A_856 : i32
          %get3A_858 = arith.index_cast %add3A_857 : i32 to index
          %get3A_859 = tpu.vector_load %arg7[%get3A_858] {strides = array<i32>} : memref<8192xf32, #tpu.memory_space<vmem>>, vector<16xf32>,
          %get3A_860 = vector.shape_cast %get3A_859 : vector<16xf32> to vector<16xf32>
          %add3A_861 = arith.constant 32 : i32
          %add3A_862 = arith.addi %mul3A_815, %add3A_861 : i32
          %get3A_863 = arith.index_cast %add3A_862 : i32 to index
          %get3A_864 = tpu.vector_load %arg5[%get3A_863] {strides = array<i32>} : memref<115712xf32, #tpu.memory_space<vmem>>, vector<16xf32>,
          %get3A_865 = vector.shape_cast %get3A_864 : vector<16xf32> to vector<16xf32>
          %max3A_866 = arith.maximumf %get3A_865, %get3A_860 : vector<16xf32>
          %add3A_867 = arith.constant 32 : i32
          %add3A_868 = arith.addi %mul3A_815, %add3A_867 : i32
          %swap3A_869 = arith.index_cast %add3A_868 : i32 to index
          %swap3A_870 = tpu.vector_load %arg5[%swap3A_869] {strides = array<i32>} : memref<115712xf32, #tpu.memory_space<vmem>>, vector<16xf32>,
          %swap3A_871 = vector.shape_cast %swap3A_870 : vector<16xf32> to vector<16xf32>
          %swap3A_872 = vector.shape_cast %max3A_866 : vector<16xf32> to vector<16xf32>
          tpu.vector_store %arg5[%swap3A_869], %swap3A_872 {strides = array<i32>} : memref<115712xf32, #tpu.memory_space<vmem>>, vector<16xf32>,
          %add3A_873 = arith.constant 48 : i32
          %add3A_874 = arith.addi %mul3A_821, %add3A_873 : i32
          %get3A_875 = arith.index_cast %add3A_874 : i32 to index
          %get3A_876 = tpu.vector_load %arg7[%get3A_875] {strides = array<i32>} : memref<8192xf32, #tpu.memory_space<vmem>>, vector<16xf32>,
          %get3A_877 = vector.shape_cast %get3A_876 : vector<16xf32> to vector<16xf32>
          %add3A_878 = arith.constant 48 : i32
          %add3A_879 = arith.addi %mul3A_815, %add3A_878 : i32
          %get3A_880 = arith.index_cast %add3A_879 : i32 to index
          %get3A_881 = tpu.vector_load %arg5[%get3A_880] {strides = array<i32>} : memref<115712xf32, #tpu.memory_space<vmem>>, vector<16xf32>,
          %get3A_882 = vector.shape_cast %get3A_881 : vector<16xf32> to vector<16xf32>
          %max3A_883 = arith.maximumf %get3A_882, %get3A_877 : vector<16xf32>
          %add3A_884 = arith.constant 48 : i32
          %add3A_885 = arith.addi %mul3A_815, %add3A_884 : i32
          %swap3A_886 = arith.index_cast %add3A_885 : i32 to index
          %swap3A_887 = tpu.vector_load %arg5[%swap3A_886] {strides = array<i32>} : memref<115712xf32, #tpu.memory_space<vmem>>, vector<16xf32>,
          %swap3A_888 = vector.shape_cast %swap3A_887 : vector<16xf32> to vector<16xf32>
          %swap3A_889 = vector.shape_cast %max3A_883 : vector<16xf32> to vector<16xf32>
          tpu.vector_store %arg5[%swap3A_886], %swap3A_889 {strides = array<i32>} : memref<115712xf32, #tpu.memory_space<vmem>>, vector<16xf32>,
          %slice3A_890 = vector.extract_strided_slice %get3A_120 {offsets = [9], sizes = [1], strides = [1]} : vector<16xi32> to vector<1xi32>
          %squeeze3A_891 = vector.extract %slice3A_890[0] : i32 from vector<1xi32>
          %sub3A_892 = arith.subi %squeeze3A_891, %mul3A_72 : i32
          %ge3A_893 = arith.constant 0 : i32
          %ge3A_894 = arith.cmpi sge, %sub3A_892, %ge3A_893 : i32
          %lt3A_895 = arith.constant 1800 : i32
          %lt3A_896 = arith.cmpi slt, %sub3A_892, %lt3A_895 : i32
          %and3A_897 = arith.andi %ge3A_894, %lt3A_896 : i1
          %jit3A_898 = arith.constant 1800 : i32
          %select_n3A_899 = arith.select %and3A_897, %sub3A_892, %jit3A_898 : i32
          %mul3A_900 = arith.constant 64 : i32
          %mul3A_901 = arith.muli %select_n3A_899, %mul3A_900 : i32
          %mul3A_902 = arith.constant 16 : i32
          %mul3A_903 = arith.muli %scan3A_113, %mul3A_902 : i32
          %add3A_904 = arith.constant 9 : i32
          %add3A_905 = arith.addi %mul3A_903, %add3A_904 : i32
          %mul3A_906 = arith.constant 64 : i32
          %mul3A_907 = arith.muli %add3A_905, %mul3A_906 : i32
          %add3A_908 = arith.constant 0 : i32
          %add3A_909 = arith.addi %mul3A_907, %add3A_908 : i32
          %get3A_910 = arith.index_cast %add3A_909 : i32 to index
          %get3A_911 = tpu.vector_load %arg7[%get3A_910] {strides = array<i32>} : memref<8192xf32, #tpu.memory_space<vmem>>, vector<16xf32>,
          %get3A_912 = vector.shape_cast %get3A_911 : vector<16xf32> to vector<16xf32>
          %add3A_913 = arith.constant 0 : i32
          %add3A_914 = arith.addi %mul3A_901, %add3A_913 : i32
          %get3A_915 = arith.index_cast %add3A_914 : i32 to index
          %get3A_916 = tpu.vector_load %arg5[%get3A_915] {strides = array<i32>} : memref<115712xf32, #tpu.memory_space<vmem>>, vector<16xf32>,
          %get3A_917 = vector.shape_cast %get3A_916 : vector<16xf32> to vector<16xf32>
          %max3A_918 = arith.maximumf %get3A_917, %get3A_912 : vector<16xf32>
          %add3A_919 = arith.constant 0 : i32
          %add3A_920 = arith.addi %mul3A_901, %add3A_919 : i32
          %swap3A_921 = arith.index_cast %add3A_920 : i32 to index
          %swap3A_922 = tpu.vector_load %arg5[%swap3A_921] {strides = array<i32>} : memref<115712xf32, #tpu.memory_space<vmem>>, vector<16xf32>,
          %swap3A_923 = vector.shape_cast %swap3A_922 : vector<16xf32> to vector<16xf32>
          %swap3A_924 = vector.shape_cast %max3A_918 : vector<16xf32> to vector<16xf32>
          tpu.vector_store %arg5[%swap3A_921], %swap3A_924 {strides = array<i32>} : memref<115712xf32, #tpu.memory_space<vmem>>, vector<16xf32>,
          %add3A_925 = arith.constant 16 : i32
          %add3A_926 = arith.addi %mul3A_907, %add3A_925 : i32
          %get3A_927 = arith.index_cast %add3A_926 : i32 to index
          %get3A_928 = tpu.vector_load %arg7[%get3A_927] {strides = array<i32>} : memref<8192xf32, #tpu.memory_space<vmem>>, vector<16xf32>,
          %get3A_929 = vector.shape_cast %get3A_928 : vector<16xf32> to vector<16xf32>
          %add3A_930 = arith.constant 16 : i32
          %add3A_931 = arith.addi %mul3A_901, %add3A_930 : i32
          %get3A_932 = arith.index_cast %add3A_931 : i32 to index
          %get3A_933 = tpu.vector_load %arg5[%get3A_932] {strides = array<i32>} : memref<115712xf32, #tpu.memory_space<vmem>>, vector<16xf32>,
          %get3A_934 = vector.shape_cast %get3A_933 : vector<16xf32> to vector<16xf32>
          %max3A_935 = arith.maximumf %get3A_934, %get3A_929 : vector<16xf32>
          %add3A_936 = arith.constant 16 : i32
          %add3A_937 = arith.addi %mul3A_901, %add3A_936 : i32
          %swap3A_938 = arith.index_cast %add3A_937 : i32 to index
          %swap3A_939 = tpu.vector_load %arg5[%swap3A_938] {strides = array<i32>} : memref<115712xf32, #tpu.memory_space<vmem>>, vector<16xf32>,
          %swap3A_940 = vector.shape_cast %swap3A_939 : vector<16xf32> to vector<16xf32>
          %swap3A_941 = vector.shape_cast %max3A_935 : vector<16xf32> to vector<16xf32>
          tpu.vector_store %arg5[%swap3A_938], %swap3A_941 {strides = array<i32>} : memref<115712xf32, #tpu.memory_space<vmem>>, vector<16xf32>,
          %add3A_942 = arith.constant 32 : i32
          %add3A_943 = arith.addi %mul3A_907, %add3A_942 : i32
          %get3A_944 = arith.index_cast %add3A_943 : i32 to index
          %get3A_945 = tpu.vector_load %arg7[%get3A_944] {strides = array<i32>} : memref<8192xf32, #tpu.memory_space<vmem>>, vector<16xf32>,
          %get3A_946 = vector.shape_cast %get3A_945 : vector<16xf32> to vector<16xf32>
          %add3A_947 = arith.constant 32 : i32
          %add3A_948 = arith.addi %mul3A_901, %add3A_947 : i32
          %get3A_949 = arith.index_cast %add3A_948 : i32 to index
          %get3A_950 = tpu.vector_load %arg5[%get3A_949] {strides = array<i32>} : memref<115712xf32, #tpu.memory_space<vmem>>, vector<16xf32>,
          %get3A_951 = vector.shape_cast %get3A_950 : vector<16xf32> to vector<16xf32>
          %max3A_952 = arith.maximumf %get3A_951, %get3A_946 : vector<16xf32>
          %add3A_953 = arith.constant 32 : i32
          %add3A_954 = arith.addi %mul3A_901, %add3A_953 : i32
          %swap3A_955 = arith.index_cast %add3A_954 : i32 to index
          %swap3A_956 = tpu.vector_load %arg5[%swap3A_955] {strides = array<i32>} : memref<115712xf32, #tpu.memory_space<vmem>>, vector<16xf32>,
          %swap3A_957 = vector.shape_cast %swap3A_956 : vector<16xf32> to vector<16xf32>
          %swap3A_958 = vector.shape_cast %max3A_952 : vector<16xf32> to vector<16xf32>
          tpu.vector_store %arg5[%swap3A_955], %swap3A_958 {strides = array<i32>} : memref<115712xf32, #tpu.memory_space<vmem>>, vector<16xf32>,
          %add3A_959 = arith.constant 48 : i32
          %add3A_960 = arith.addi %mul3A_907, %add3A_959 : i32
          %get3A_961 = arith.index_cast %add3A_960 : i32 to index
          %get3A_962 = tpu.vector_load %arg7[%get3A_961] {strides = array<i32>} : memref<8192xf32, #tpu.memory_space<vmem>>, vector<16xf32>,
          %get3A_963 = vector.shape_cast %get3A_962 : vector<16xf32> to vector<16xf32>
          %add3A_964 = arith.constant 48 : i32
          %add3A_965 = arith.addi %mul3A_901, %add3A_964 : i32
          %get3A_966 = arith.index_cast %add3A_965 : i32 to index
          %get3A_967 = tpu.vector_load %arg5[%get3A_966] {strides = array<i32>} : memref<115712xf32, #tpu.memory_space<vmem>>, vector<16xf32>,
          %get3A_968 = vector.shape_cast %get3A_967 : vector<16xf32> to vector<16xf32>
          %max3A_969 = arith.maximumf %get3A_968, %get3A_963 : vector<16xf32>
          %add3A_970 = arith.constant 48 : i32
          %add3A_971 = arith.addi %mul3A_901, %add3A_970 : i32
          %swap3A_972 = arith.index_cast %add3A_971 : i32 to index
          %swap3A_973 = tpu.vector_load %arg5[%swap3A_972] {strides = array<i32>} : memref<115712xf32, #tpu.memory_space<vmem>>, vector<16xf32>,
          %swap3A_974 = vector.shape_cast %swap3A_973 : vector<16xf32> to vector<16xf32>
          %swap3A_975 = vector.shape_cast %max3A_969 : vector<16xf32> to vector<16xf32>
          tpu.vector_store %arg5[%swap3A_972], %swap3A_975 {strides = array<i32>} : memref<115712xf32, #tpu.memory_space<vmem>>, vector<16xf32>,
          %slice3A_976 = vector.extract_strided_slice %get3A_120 {offsets = [10], sizes = [1], strides = [1]} : vector<16xi32> to vector<1xi32>
          %squeeze3A_977 = vector.extract %slice3A_976[0] : i32 from vector<1xi32>
          %sub3A_978 = arith.subi %squeeze3A_977, %mul3A_72 : i32
          %ge3A_979 = arith.constant 0 : i32
          %ge3A_980 = arith.cmpi sge, %sub3A_978, %ge3A_979 : i32
          %lt3A_981 = arith.constant 1800 : i32
          %lt3A_982 = arith.cmpi slt, %sub3A_978, %lt3A_981 : i32
          %and3A_983 = arith.andi %ge3A_980, %lt3A_982 : i1
          %jit3A_984 = arith.constant 1800 : i32
          %select_n3A_985 = arith.select %and3A_983, %sub3A_978, %jit3A_984 : i32
          %mul3A_986 = arith.constant 64 : i32
          %mul3A_987 = arith.muli %select_n3A_985, %mul3A_986 : i32
          %mul3A_988 = arith.constant 16 : i32
          %mul3A_989 = arith.muli %scan3A_113, %mul3A_988 : i32
          %add3A_990 = arith.constant 10 : i32
          %add3A_991 = arith.addi %mul3A_989, %add3A_990 : i32
          %mul3A_992 = arith.constant 64 : i32
          %mul3A_993 = arith.muli %add3A_991, %mul3A_992 : i32
          %add3A_994 = arith.constant 0 : i32
          %add3A_995 = arith.addi %mul3A_993, %add3A_994 : i32
          %get3A_996 = arith.index_cast %add3A_995 : i32 to index
          %get3A_997 = tpu.vector_load %arg7[%get3A_996] {strides = array<i32>} : memref<8192xf32, #tpu.memory_space<vmem>>, vector<16xf32>,
          %get3A_998 = vector.shape_cast %get3A_997 : vector<16xf32> to vector<16xf32>
          %add3A_999 = arith.constant 0 : i32
          %add3A_1000 = arith.addi %mul3A_987, %add3A_999 : i32
          %get3A_1001 = arith.index_cast %add3A_1000 : i32 to index
          %get3A_1002 = tpu.vector_load %arg5[%get3A_1001] {strides = array<i32>} : memref<115712xf32, #tpu.memory_space<vmem>>, vector<16xf32>,
          %get3A_1003 = vector.shape_cast %get3A_1002 : vector<16xf32> to vector<16xf32>
          %max3A_1004 = arith.maximumf %get3A_1003, %get3A_998 : vector<16xf32>
          %add3A_1005 = arith.constant 0 : i32
          %add3A_1006 = arith.addi %mul3A_987, %add3A_1005 : i32
          %swap3A_1007 = arith.index_cast %add3A_1006 : i32 to index
          %swap3A_1008 = tpu.vector_load %arg5[%swap3A_1007] {strides = array<i32>} : memref<115712xf32, #tpu.memory_space<vmem>>, vector<16xf32>,
          %swap3A_1009 = vector.shape_cast %swap3A_1008 : vector<16xf32> to vector<16xf32>
          %swap3A_1010 = vector.shape_cast %max3A_1004 : vector<16xf32> to vector<16xf32>
          tpu.vector_store %arg5[%swap3A_1007], %swap3A_1010 {strides = array<i32>} : memref<115712xf32, #tpu.memory_space<vmem>>, vector<16xf32>,
          %add3A_1011 = arith.constant 16 : i32
          %add3A_1012 = arith.addi %mul3A_993, %add3A_1011 : i32
          %get3A_1013 = arith.index_cast %add3A_1012 : i32 to index
          %get3A_1014 = tpu.vector_load %arg7[%get3A_1013] {strides = array<i32>} : memref<8192xf32, #tpu.memory_space<vmem>>, vector<16xf32>,
          %get3A_1015 = vector.shape_cast %get3A_1014 : vector<16xf32> to vector<16xf32>
          %add3A_1016 = arith.constant 16 : i32
          %add3A_1017 = arith.addi %mul3A_987, %add3A_1016 : i32
          %get3A_1018 = arith.index_cast %add3A_1017 : i32 to index
          %get3A_1019 = tpu.vector_load %arg5[%get3A_1018] {strides = array<i32>} : memref<115712xf32, #tpu.memory_space<vmem>>, vector<16xf32>,
          %get3A_1020 = vector.shape_cast %get3A_1019 : vector<16xf32> to vector<16xf32>
          %max3A_1021 = arith.maximumf %get3A_1020, %get3A_1015 : vector<16xf32>
          %add3A_1022 = arith.constant 16 : i32
          %add3A_1023 = arith.addi %mul3A_987, %add3A_1022 : i32
          %swap3A_1024 = arith.index_cast %add3A_1023 : i32 to index
          %swap3A_1025 = tpu.vector_load %arg5[%swap3A_1024] {strides = array<i32>} : memref<115712xf32, #tpu.memory_space<vmem>>, vector<16xf32>,
          %swap3A_1026 = vector.shape_cast %swap3A_1025 : vector<16xf32> to vector<16xf32>
          %swap3A_1027 = vector.shape_cast %max3A_1021 : vector<16xf32> to vector<16xf32>
          tpu.vector_store %arg5[%swap3A_1024], %swap3A_1027 {strides = array<i32>} : memref<115712xf32, #tpu.memory_space<vmem>>, vector<16xf32>,
          %add3A_1028 = arith.constant 32 : i32
          %add3A_1029 = arith.addi %mul3A_993, %add3A_1028 : i32
          %get3A_1030 = arith.index_cast %add3A_1029 : i32 to index
          %get3A_1031 = tpu.vector_load %arg7[%get3A_1030] {strides = array<i32>} : memref<8192xf32, #tpu.memory_space<vmem>>, vector<16xf32>,
          %get3A_1032 = vector.shape_cast %get3A_1031 : vector<16xf32> to vector<16xf32>
          %add3A_1033 = arith.constant 32 : i32
          %add3A_1034 = arith.addi %mul3A_987, %add3A_1033 : i32
          %get3A_1035 = arith.index_cast %add3A_1034 : i32 to index
          %get3A_1036 = tpu.vector_load %arg5[%get3A_1035] {strides = array<i32>} : memref<115712xf32, #tpu.memory_space<vmem>>, vector<16xf32>,
          %get3A_1037 = vector.shape_cast %get3A_1036 : vector<16xf32> to vector<16xf32>
          %max3A_1038 = arith.maximumf %get3A_1037, %get3A_1032 : vector<16xf32>
          %add3A_1039 = arith.constant 32 : i32
          %add3A_1040 = arith.addi %mul3A_987, %add3A_1039 : i32
          %swap3A_1041 = arith.index_cast %add3A_1040 : i32 to index
          %swap3A_1042 = tpu.vector_load %arg5[%swap3A_1041] {strides = array<i32>} : memref<115712xf32, #tpu.memory_space<vmem>>, vector<16xf32>,
          %swap3A_1043 = vector.shape_cast %swap3A_1042 : vector<16xf32> to vector<16xf32>
          %swap3A_1044 = vector.shape_cast %max3A_1038 : vector<16xf32> to vector<16xf32>
          tpu.vector_store %arg5[%swap3A_1041], %swap3A_1044 {strides = array<i32>} : memref<115712xf32, #tpu.memory_space<vmem>>, vector<16xf32>,
          %add3A_1045 = arith.constant 48 : i32
          %add3A_1046 = arith.addi %mul3A_993, %add3A_1045 : i32
          %get3A_1047 = arith.index_cast %add3A_1046 : i32 to index
          %get3A_1048 = tpu.vector_load %arg7[%get3A_1047] {strides = array<i32>} : memref<8192xf32, #tpu.memory_space<vmem>>, vector<16xf32>,
          %get3A_1049 = vector.shape_cast %get3A_1048 : vector<16xf32> to vector<16xf32>
          %add3A_1050 = arith.constant 48 : i32
          %add3A_1051 = arith.addi %mul3A_987, %add3A_1050 : i32
          %get3A_1052 = arith.index_cast %add3A_1051 : i32 to index
          %get3A_1053 = tpu.vector_load %arg5[%get3A_1052] {strides = array<i32>} : memref<115712xf32, #tpu.memory_space<vmem>>, vector<16xf32>,
          %get3A_1054 = vector.shape_cast %get3A_1053 : vector<16xf32> to vector<16xf32>
          %max3A_1055 = arith.maximumf %get3A_1054, %get3A_1049 : vector<16xf32>
          %add3A_1056 = arith.constant 48 : i32
          %add3A_1057 = arith.addi %mul3A_987, %add3A_1056 : i32
          %swap3A_1058 = arith.index_cast %add3A_1057 : i32 to index
          %swap3A_1059 = tpu.vector_load %arg5[%swap3A_1058] {strides = array<i32>} : memref<115712xf32, #tpu.memory_space<vmem>>, vector<16xf32>,
          %swap3A_1060 = vector.shape_cast %swap3A_1059 : vector<16xf32> to vector<16xf32>
          %swap3A_1061 = vector.shape_cast %max3A_1055 : vector<16xf32> to vector<16xf32>
          tpu.vector_store %arg5[%swap3A_1058], %swap3A_1061 {strides = array<i32>} : memref<115712xf32, #tpu.memory_space<vmem>>, vector<16xf32>,
          %slice3A_1062 = vector.extract_strided_slice %get3A_120 {offsets = [11], sizes = [1], strides = [1]} : vector<16xi32> to vector<1xi32>
          %squeeze3A_1063 = vector.extract %slice3A_1062[0] : i32 from vector<1xi32>
          %sub3A_1064 = arith.subi %squeeze3A_1063, %mul3A_72 : i32
          %ge3A_1065 = arith.constant 0 : i32
          %ge3A_1066 = arith.cmpi sge, %sub3A_1064, %ge3A_1065 : i32
          %lt3A_1067 = arith.constant 1800 : i32
          %lt3A_1068 = arith.cmpi slt, %sub3A_1064, %lt3A_1067 : i32
          %and3A_1069 = arith.andi %ge3A_1066, %lt3A_1068 : i1
          %jit3A_1070 = arith.constant 1800 : i32
          %select_n3A_1071 = arith.select %and3A_1069, %sub3A_1064, %jit3A_1070 : i32
          %mul3A_1072 = arith.constant 64 : i32
          %mul3A_1073 = arith.muli %select_n3A_1071, %mul3A_1072 : i32
          %mul3A_1074 = arith.constant 16 : i32
          %mul3A_1075 = arith.muli %scan3A_113, %mul3A_1074 : i32
          %add3A_1076 = arith.constant 11 : i32
          %add3A_1077 = arith.addi %mul3A_1075, %add3A_1076 : i32
          %mul3A_1078 = arith.constant 64 : i32
          %mul3A_1079 = arith.muli %add3A_1077, %mul3A_1078 : i32
          %add3A_1080 = arith.constant 0 : i32
          %add3A_1081 = arith.addi %mul3A_1079, %add3A_1080 : i32
          %get3A_1082 = arith.index_cast %add3A_1081 : i32 to index
          %get3A_1083 = tpu.vector_load %arg7[%get3A_1082] {strides = array<i32>} : memref<8192xf32, #tpu.memory_space<vmem>>, vector<16xf32>,
          %get3A_1084 = vector.shape_cast %get3A_1083 : vector<16xf32> to vector<16xf32>
          %add3A_1085 = arith.constant 0 : i32
          %add3A_1086 = arith.addi %mul3A_1073, %add3A_1085 : i32
          %get3A_1087 = arith.index_cast %add3A_1086 : i32 to index
          %get3A_1088 = tpu.vector_load %arg5[%get3A_1087] {strides = array<i32>} : memref<115712xf32, #tpu.memory_space<vmem>>, vector<16xf32>,
          %get3A_1089 = vector.shape_cast %get3A_1088 : vector<16xf32> to vector<16xf32>
          %max3A_1090 = arith.maximumf %get3A_1089, %get3A_1084 : vector<16xf32>
          %add3A_1091 = arith.constant 0 : i32
          %add3A_1092 = arith.addi %mul3A_1073, %add3A_1091 : i32
          %swap3A_1093 = arith.index_cast %add3A_1092 : i32 to index
          %swap3A_1094 = tpu.vector_load %arg5[%swap3A_1093] {strides = array<i32>} : memref<115712xf32, #tpu.memory_space<vmem>>, vector<16xf32>,
          %swap3A_1095 = vector.shape_cast %swap3A_1094 : vector<16xf32> to vector<16xf32>
          %swap3A_1096 = vector.shape_cast %max3A_1090 : vector<16xf32> to vector<16xf32>
          tpu.vector_store %arg5[%swap3A_1093], %swap3A_1096 {strides = array<i32>} : memref<115712xf32, #tpu.memory_space<vmem>>, vector<16xf32>,
          %add3A_1097 = arith.constant 16 : i32
          %add3A_1098 = arith.addi %mul3A_1079, %add3A_1097 : i32
          %get3A_1099 = arith.index_cast %add3A_1098 : i32 to index
          %get3A_1100 = tpu.vector_load %arg7[%get3A_1099] {strides = array<i32>} : memref<8192xf32, #tpu.memory_space<vmem>>, vector<16xf32>,
          %get3A_1101 = vector.shape_cast %get3A_1100 : vector<16xf32> to vector<16xf32>
          %add3A_1102 = arith.constant 16 : i32
          %add3A_1103 = arith.addi %mul3A_1073, %add3A_1102 : i32
          %get3A_1104 = arith.index_cast %add3A_1103 : i32 to index
          %get3A_1105 = tpu.vector_load %arg5[%get3A_1104] {strides = array<i32>} : memref<115712xf32, #tpu.memory_space<vmem>>, vector<16xf32>,
          %get3A_1106 = vector.shape_cast %get3A_1105 : vector<16xf32> to vector<16xf32>
          %max3A_1107 = arith.maximumf %get3A_1106, %get3A_1101 : vector<16xf32>
          %add3A_1108 = arith.constant 16 : i32
          %add3A_1109 = arith.addi %mul3A_1073, %add3A_1108 : i32
          %swap3A_1110 = arith.index_cast %add3A_1109 : i32 to index
          %swap3A_1111 = tpu.vector_load %arg5[%swap3A_1110] {strides = array<i32>} : memref<115712xf32, #tpu.memory_space<vmem>>, vector<16xf32>,
          %swap3A_1112 = vector.shape_cast %swap3A_1111 : vector<16xf32> to vector<16xf32>
          %swap3A_1113 = vector.shape_cast %max3A_1107 : vector<16xf32> to vector<16xf32>
          tpu.vector_store %arg5[%swap3A_1110], %swap3A_1113 {strides = array<i32>} : memref<115712xf32, #tpu.memory_space<vmem>>, vector<16xf32>,
          %add3A_1114 = arith.constant 32 : i32
          %add3A_1115 = arith.addi %mul3A_1079, %add3A_1114 : i32
          %get3A_1116 = arith.index_cast %add3A_1115 : i32 to index
          %get3A_1117 = tpu.vector_load %arg7[%get3A_1116] {strides = array<i32>} : memref<8192xf32, #tpu.memory_space<vmem>>, vector<16xf32>,
          %get3A_1118 = vector.shape_cast %get3A_1117 : vector<16xf32> to vector<16xf32>
          %add3A_1119 = arith.constant 32 : i32
          %add3A_1120 = arith.addi %mul3A_1073, %add3A_1119 : i32
          %get3A_1121 = arith.index_cast %add3A_1120 : i32 to index
          %get3A_1122 = tpu.vector_load %arg5[%get3A_1121] {strides = array<i32>} : memref<115712xf32, #tpu.memory_space<vmem>>, vector<16xf32>,
          %get3A_1123 = vector.shape_cast %get3A_1122 : vector<16xf32> to vector<16xf32>
          %max3A_1124 = arith.maximumf %get3A_1123, %get3A_1118 : vector<16xf32>
          %add3A_1125 = arith.constant 32 : i32
          %add3A_1126 = arith.addi %mul3A_1073, %add3A_1125 : i32
          %swap3A_1127 = arith.index_cast %add3A_1126 : i32 to index
          %swap3A_1128 = tpu.vector_load %arg5[%swap3A_1127] {strides = array<i32>} : memref<115712xf32, #tpu.memory_space<vmem>>, vector<16xf32>,
          %swap3A_1129 = vector.shape_cast %swap3A_1128 : vector<16xf32> to vector<16xf32>
          %swap3A_1130 = vector.shape_cast %max3A_1124 : vector<16xf32> to vector<16xf32>
          tpu.vector_store %arg5[%swap3A_1127], %swap3A_1130 {strides = array<i32>} : memref<115712xf32, #tpu.memory_space<vmem>>, vector<16xf32>,
          %add3A_1131 = arith.constant 48 : i32
          %add3A_1132 = arith.addi %mul3A_1079, %add3A_1131 : i32
          %get3A_1133 = arith.index_cast %add3A_1132 : i32 to index
          %get3A_1134 = tpu.vector_load %arg7[%get3A_1133] {strides = array<i32>} : memref<8192xf32, #tpu.memory_space<vmem>>, vector<16xf32>,
          %get3A_1135 = vector.shape_cast %get3A_1134 : vector<16xf32> to vector<16xf32>
          %add3A_1136 = arith.constant 48 : i32
          %add3A_1137 = arith.addi %mul3A_1073, %add3A_1136 : i32
          %get3A_1138 = arith.index_cast %add3A_1137 : i32 to index
          %get3A_1139 = tpu.vector_load %arg5[%get3A_1138] {strides = array<i32>} : memref<115712xf32, #tpu.memory_space<vmem>>, vector<16xf32>,
          %get3A_1140 = vector.shape_cast %get3A_1139 : vector<16xf32> to vector<16xf32>
          %max3A_1141 = arith.maximumf %get3A_1140, %get3A_1135 : vector<16xf32>
          %add3A_1142 = arith.constant 48 : i32
          %add3A_1143 = arith.addi %mul3A_1073, %add3A_1142 : i32
          %swap3A_1144 = arith.index_cast %add3A_1143 : i32 to index
          %swap3A_1145 = tpu.vector_load %arg5[%swap3A_1144] {strides = array<i32>} : memref<115712xf32, #tpu.memory_space<vmem>>, vector<16xf32>,
          %swap3A_1146 = vector.shape_cast %swap3A_1145 : vector<16xf32> to vector<16xf32>
          %swap3A_1147 = vector.shape_cast %max3A_1141 : vector<16xf32> to vector<16xf32>
          tpu.vector_store %arg5[%swap3A_1144], %swap3A_1147 {strides = array<i32>} : memref<115712xf32, #tpu.memory_space<vmem>>, vector<16xf32>,
          %slice3A_1148 = vector.extract_strided_slice %get3A_120 {offsets = [12], sizes = [1], strides = [1]} : vector<16xi32> to vector<1xi32>
          %squeeze3A_1149 = vector.extract %slice3A_1148[0] : i32 from vector<1xi32>
          %sub3A_1150 = arith.subi %squeeze3A_1149, %mul3A_72 : i32
          %ge3A_1151 = arith.constant 0 : i32
          %ge3A_1152 = arith.cmpi sge, %sub3A_1150, %ge3A_1151 : i32
          %lt3A_1153 = arith.constant 1800 : i32
          %lt3A_1154 = arith.cmpi slt, %sub3A_1150, %lt3A_1153 : i32
          %and3A_1155 = arith.andi %ge3A_1152, %lt3A_1154 : i1
          %jit3A_1156 = arith.constant 1800 : i32
          %select_n3A_1157 = arith.select %and3A_1155, %sub3A_1150, %jit3A_1156 : i32
          %mul3A_1158 = arith.constant 64 : i32
          %mul3A_1159 = arith.muli %select_n3A_1157, %mul3A_1158 : i32
          %mul3A_1160 = arith.constant 16 : i32
          %mul3A_1161 = arith.muli %scan3A_113, %mul3A_1160 : i32
          %add3A_1162 = arith.constant 12 : i32
          %add3A_1163 = arith.addi %mul3A_1161, %add3A_1162 : i32
          %mul3A_1164 = arith.constant 64 : i32
          %mul3A_1165 = arith.muli %add3A_1163, %mul3A_1164 : i32
          %add3A_1166 = arith.constant 0 : i32
          %add3A_1167 = arith.addi %mul3A_1165, %add3A_1166 : i32
          %get3A_1168 = arith.index_cast %add3A_1167 : i32 to index
          %get3A_1169 = tpu.vector_load %arg7[%get3A_1168] {strides = array<i32>} : memref<8192xf32, #tpu.memory_space<vmem>>, vector<16xf32>,
          %get3A_1170 = vector.shape_cast %get3A_1169 : vector<16xf32> to vector<16xf32>
          %add3A_1171 = arith.constant 0 : i32
          %add3A_1172 = arith.addi %mul3A_1159, %add3A_1171 : i32
          %get3A_1173 = arith.index_cast %add3A_1172 : i32 to index
          %get3A_1174 = tpu.vector_load %arg5[%get3A_1173] {strides = array<i32>} : memref<115712xf32, #tpu.memory_space<vmem>>, vector<16xf32>,
          %get3A_1175 = vector.shape_cast %get3A_1174 : vector<16xf32> to vector<16xf32>
          %max3A_1176 = arith.maximumf %get3A_1175, %get3A_1170 : vector<16xf32>
          %add3A_1177 = arith.constant 0 : i32
          %add3A_1178 = arith.addi %mul3A_1159, %add3A_1177 : i32
          %swap3A_1179 = arith.index_cast %add3A_1178 : i32 to index
          %swap3A_1180 = tpu.vector_load %arg5[%swap3A_1179] {strides = array<i32>} : memref<115712xf32, #tpu.memory_space<vmem>>, vector<16xf32>,
          %swap3A_1181 = vector.shape_cast %swap3A_1180 : vector<16xf32> to vector<16xf32>
          %swap3A_1182 = vector.shape_cast %max3A_1176 : vector<16xf32> to vector<16xf32>
          tpu.vector_store %arg5[%swap3A_1179], %swap3A_1182 {strides = array<i32>} : memref<115712xf32, #tpu.memory_space<vmem>>, vector<16xf32>,
          %add3A_1183 = arith.constant 16 : i32
          %add3A_1184 = arith.addi %mul3A_1165, %add3A_1183 : i32
          %get3A_1185 = arith.index_cast %add3A_1184 : i32 to index
          %get3A_1186 = tpu.vector_load %arg7[%get3A_1185] {strides = array<i32>} : memref<8192xf32, #tpu.memory_space<vmem>>, vector<16xf32>,
          %get3A_1187 = vector.shape_cast %get3A_1186 : vector<16xf32> to vector<16xf32>
          %add3A_1188 = arith.constant 16 : i32
          %add3A_1189 = arith.addi %mul3A_1159, %add3A_1188 : i32
          %get3A_1190 = arith.index_cast %add3A_1189 : i32 to index
          %get3A_1191 = tpu.vector_load %arg5[%get3A_1190] {strides = array<i32>} : memref<115712xf32, #tpu.memory_space<vmem>>, vector<16xf32>,
          %get3A_1192 = vector.shape_cast %get3A_1191 : vector<16xf32> to vector<16xf32>
          %max3A_1193 = arith.maximumf %get3A_1192, %get3A_1187 : vector<16xf32>
          %add3A_1194 = arith.constant 16 : i32
          %add3A_1195 = arith.addi %mul3A_1159, %add3A_1194 : i32
          %swap3A_1196 = arith.index_cast %add3A_1195 : i32 to index
          %swap3A_1197 = tpu.vector_load %arg5[%swap3A_1196] {strides = array<i32>} : memref<115712xf32, #tpu.memory_space<vmem>>, vector<16xf32>,
          %swap3A_1198 = vector.shape_cast %swap3A_1197 : vector<16xf32> to vector<16xf32>
          %swap3A_1199 = vector.shape_cast %max3A_1193 : vector<16xf32> to vector<16xf32>
          tpu.vector_store %arg5[%swap3A_1196], %swap3A_1199 {strides = array<i32>} : memref<115712xf32, #tpu.memory_space<vmem>>, vector<16xf32>,
          %add3A_1200 = arith.constant 32 : i32
          %add3A_1201 = arith.addi %mul3A_1165, %add3A_1200 : i32
          %get3A_1202 = arith.index_cast %add3A_1201 : i32 to index
          %get3A_1203 = tpu.vector_load %arg7[%get3A_1202] {strides = array<i32>} : memref<8192xf32, #tpu.memory_space<vmem>>, vector<16xf32>,
          %get3A_1204 = vector.shape_cast %get3A_1203 : vector<16xf32> to vector<16xf32>
          %add3A_1205 = arith.constant 32 : i32
          %add3A_1206 = arith.addi %mul3A_1159, %add3A_1205 : i32
          %get3A_1207 = arith.index_cast %add3A_1206 : i32 to index
          %get3A_1208 = tpu.vector_load %arg5[%get3A_1207] {strides = array<i32>} : memref<115712xf32, #tpu.memory_space<vmem>>, vector<16xf32>,
          %get3A_1209 = vector.shape_cast %get3A_1208 : vector<16xf32> to vector<16xf32>
          %max3A_1210 = arith.maximumf %get3A_1209, %get3A_1204 : vector<16xf32>
          %add3A_1211 = arith.constant 32 : i32
          %add3A_1212 = arith.addi %mul3A_1159, %add3A_1211 : i32
          %swap3A_1213 = arith.index_cast %add3A_1212 : i32 to index
          %swap3A_1214 = tpu.vector_load %arg5[%swap3A_1213] {strides = array<i32>} : memref<115712xf32, #tpu.memory_space<vmem>>, vector<16xf32>,
          %swap3A_1215 = vector.shape_cast %swap3A_1214 : vector<16xf32> to vector<16xf32>
          %swap3A_1216 = vector.shape_cast %max3A_1210 : vector<16xf32> to vector<16xf32>
          tpu.vector_store %arg5[%swap3A_1213], %swap3A_1216 {strides = array<i32>} : memref<115712xf32, #tpu.memory_space<vmem>>, vector<16xf32>,
          %add3A_1217 = arith.constant 48 : i32
          %add3A_1218 = arith.addi %mul3A_1165, %add3A_1217 : i32
          %get3A_1219 = arith.index_cast %add3A_1218 : i32 to index
          %get3A_1220 = tpu.vector_load %arg7[%get3A_1219] {strides = array<i32>} : memref<8192xf32, #tpu.memory_space<vmem>>, vector<16xf32>,
          %get3A_1221 = vector.shape_cast %get3A_1220 : vector<16xf32> to vector<16xf32>
          %add3A_1222 = arith.constant 48 : i32
          %add3A_1223 = arith.addi %mul3A_1159, %add3A_1222 : i32
          %get3A_1224 = arith.index_cast %add3A_1223 : i32 to index
          %get3A_1225 = tpu.vector_load %arg5[%get3A_1224] {strides = array<i32>} : memref<115712xf32, #tpu.memory_space<vmem>>, vector<16xf32>,
          %get3A_1226 = vector.shape_cast %get3A_1225 : vector<16xf32> to vector<16xf32>
          %max3A_1227 = arith.maximumf %get3A_1226, %get3A_1221 : vector<16xf32>
          %add3A_1228 = arith.constant 48 : i32
          %add3A_1229 = arith.addi %mul3A_1159, %add3A_1228 : i32
          %swap3A_1230 = arith.index_cast %add3A_1229 : i32 to index
          %swap3A_1231 = tpu.vector_load %arg5[%swap3A_1230] {strides = array<i32>} : memref<115712xf32, #tpu.memory_space<vmem>>, vector<16xf32>,
          %swap3A_1232 = vector.shape_cast %swap3A_1231 : vector<16xf32> to vector<16xf32>
          %swap3A_1233 = vector.shape_cast %max3A_1227 : vector<16xf32> to vector<16xf32>
          tpu.vector_store %arg5[%swap3A_1230], %swap3A_1233 {strides = array<i32>} : memref<115712xf32, #tpu.memory_space<vmem>>, vector<16xf32>,
          %slice3A_1234 = vector.extract_strided_slice %get3A_120 {offsets = [13], sizes = [1], strides = [1]} : vector<16xi32> to vector<1xi32>
          %squeeze3A_1235 = vector.extract %slice3A_1234[0] : i32 from vector<1xi32>
          %sub3A_1236 = arith.subi %squeeze3A_1235, %mul3A_72 : i32
          %ge3A_1237 = arith.constant 0 : i32
          %ge3A_1238 = arith.cmpi sge, %sub3A_1236, %ge3A_1237 : i32
          %lt3A_1239 = arith.constant 1800 : i32
          %lt3A_1240 = arith.cmpi slt, %sub3A_1236, %lt3A_1239 : i32
          %and3A_1241 = arith.andi %ge3A_1238, %lt3A_1240 : i1
          %jit3A_1242 = arith.constant 1800 : i32
          %select_n3A_1243 = arith.select %and3A_1241, %sub3A_1236, %jit3A_1242 : i32
          %mul3A_1244 = arith.constant 64 : i32
          %mul3A_1245 = arith.muli %select_n3A_1243, %mul3A_1244 : i32
          %mul3A_1246 = arith.constant 16 : i32
          %mul3A_1247 = arith.muli %scan3A_113, %mul3A_1246 : i32
          %add3A_1248 = arith.constant 13 : i32
          %add3A_1249 = arith.addi %mul3A_1247, %add3A_1248 : i32
          %mul3A_1250 = arith.constant 64 : i32
          %mul3A_1251 = arith.muli %add3A_1249, %mul3A_1250 : i32
          %add3A_1252 = arith.constant 0 : i32
          %add3A_1253 = arith.addi %mul3A_1251, %add3A_1252 : i32
          %get3A_1254 = arith.index_cast %add3A_1253 : i32 to index
          %get3A_1255 = tpu.vector_load %arg7[%get3A_1254] {strides = array<i32>} : memref<8192xf32, #tpu.memory_space<vmem>>, vector<16xf32>,
          %get3A_1256 = vector.shape_cast %get3A_1255 : vector<16xf32> to vector<16xf32>
          %add3A_1257 = arith.constant 0 : i32
          %add3A_1258 = arith.addi %mul3A_1245, %add3A_1257 : i32
          %get3A_1259 = arith.index_cast %add3A_1258 : i32 to index
          %get3A_1260 = tpu.vector_load %arg5[%get3A_1259] {strides = array<i32>} : memref<115712xf32, #tpu.memory_space<vmem>>, vector<16xf32>,
          %get3A_1261 = vector.shape_cast %get3A_1260 : vector<16xf32> to vector<16xf32>
          %max3A_1262 = arith.maximumf %get3A_1261, %get3A_1256 : vector<16xf32>
          %add3A_1263 = arith.constant 0 : i32
          %add3A_1264 = arith.addi %mul3A_1245, %add3A_1263 : i32
          %swap3A_1265 = arith.index_cast %add3A_1264 : i32 to index
          %swap3A_1266 = tpu.vector_load %arg5[%swap3A_1265] {strides = array<i32>} : memref<115712xf32, #tpu.memory_space<vmem>>, vector<16xf32>,
          %swap3A_1267 = vector.shape_cast %swap3A_1266 : vector<16xf32> to vector<16xf32>
          %swap3A_1268 = vector.shape_cast %max3A_1262 : vector<16xf32> to vector<16xf32>
          tpu.vector_store %arg5[%swap3A_1265], %swap3A_1268 {strides = array<i32>} : memref<115712xf32, #tpu.memory_space<vmem>>, vector<16xf32>,
          %add3A_1269 = arith.constant 16 : i32
          %add3A_1270 = arith.addi %mul3A_1251, %add3A_1269 : i32
          %get3A_1271 = arith.index_cast %add3A_1270 : i32 to index
          %get3A_1272 = tpu.vector_load %arg7[%get3A_1271] {strides = array<i32>} : memref<8192xf32, #tpu.memory_space<vmem>>, vector<16xf32>,
          %get3A_1273 = vector.shape_cast %get3A_1272 : vector<16xf32> to vector<16xf32>
          %add3A_1274 = arith.constant 16 : i32
          %add3A_1275 = arith.addi %mul3A_1245, %add3A_1274 : i32
          %get3A_1276 = arith.index_cast %add3A_1275 : i32 to index
          %get3A_1277 = tpu.vector_load %arg5[%get3A_1276] {strides = array<i32>} : memref<115712xf32, #tpu.memory_space<vmem>>, vector<16xf32>,
          %get3A_1278 = vector.shape_cast %get3A_1277 : vector<16xf32> to vector<16xf32>
          %max3A_1279 = arith.maximumf %get3A_1278, %get3A_1273 : vector<16xf32>
          %add3A_1280 = arith.constant 16 : i32
          %add3A_1281 = arith.addi %mul3A_1245, %add3A_1280 : i32
          %swap3A_1282 = arith.index_cast %add3A_1281 : i32 to index
          %swap3A_1283 = tpu.vector_load %arg5[%swap3A_1282] {strides = array<i32>} : memref<115712xf32, #tpu.memory_space<vmem>>, vector<16xf32>,
          %swap3A_1284 = vector.shape_cast %swap3A_1283 : vector<16xf32> to vector<16xf32>
          %swap3A_1285 = vector.shape_cast %max3A_1279 : vector<16xf32> to vector<16xf32>
          tpu.vector_store %arg5[%swap3A_1282], %swap3A_1285 {strides = array<i32>} : memref<115712xf32, #tpu.memory_space<vmem>>, vector<16xf32>,
          %add3A_1286 = arith.constant 32 : i32
          %add3A_1287 = arith.addi %mul3A_1251, %add3A_1286 : i32
          %get3A_1288 = arith.index_cast %add3A_1287 : i32 to index
          %get3A_1289 = tpu.vector_load %arg7[%get3A_1288] {strides = array<i32>} : memref<8192xf32, #tpu.memory_space<vmem>>, vector<16xf32>,
          %get3A_1290 = vector.shape_cast %get3A_1289 : vector<16xf32> to vector<16xf32>
          %add3A_1291 = arith.constant 32 : i32
          %add3A_1292 = arith.addi %mul3A_1245, %add3A_1291 : i32
          %get3A_1293 = arith.index_cast %add3A_1292 : i32 to index
          %get3A_1294 = tpu.vector_load %arg5[%get3A_1293] {strides = array<i32>} : memref<115712xf32, #tpu.memory_space<vmem>>, vector<16xf32>,
          %get3A_1295 = vector.shape_cast %get3A_1294 : vector<16xf32> to vector<16xf32>
          %max3A_1296 = arith.maximumf %get3A_1295, %get3A_1290 : vector<16xf32>
          %add3A_1297 = arith.constant 32 : i32
          %add3A_1298 = arith.addi %mul3A_1245, %add3A_1297 : i32
          %swap3A_1299 = arith.index_cast %add3A_1298 : i32 to index
          %swap3A_1300 = tpu.vector_load %arg5[%swap3A_1299] {strides = array<i32>} : memref<115712xf32, #tpu.memory_space<vmem>>, vector<16xf32>,
          %swap3A_1301 = vector.shape_cast %swap3A_1300 : vector<16xf32> to vector<16xf32>
          %swap3A_1302 = vector.shape_cast %max3A_1296 : vector<16xf32> to vector<16xf32>
          tpu.vector_store %arg5[%swap3A_1299], %swap3A_1302 {strides = array<i32>} : memref<115712xf32, #tpu.memory_space<vmem>>, vector<16xf32>,
          %add3A_1303 = arith.constant 48 : i32
          %add3A_1304 = arith.addi %mul3A_1251, %add3A_1303 : i32
          %get3A_1305 = arith.index_cast %add3A_1304 : i32 to index
          %get3A_1306 = tpu.vector_load %arg7[%get3A_1305] {strides = array<i32>} : memref<8192xf32, #tpu.memory_space<vmem>>, vector<16xf32>,
          %get3A_1307 = vector.shape_cast %get3A_1306 : vector<16xf32> to vector<16xf32>
          %add3A_1308 = arith.constant 48 : i32
          %add3A_1309 = arith.addi %mul3A_1245, %add3A_1308 : i32
          %get3A_1310 = arith.index_cast %add3A_1309 : i32 to index
          %get3A_1311 = tpu.vector_load %arg5[%get3A_1310] {strides = array<i32>} : memref<115712xf32, #tpu.memory_space<vmem>>, vector<16xf32>,
          %get3A_1312 = vector.shape_cast %get3A_1311 : vector<16xf32> to vector<16xf32>
          %max3A_1313 = arith.maximumf %get3A_1312, %get3A_1307 : vector<16xf32>
          %add3A_1314 = arith.constant 48 : i32
          %add3A_1315 = arith.addi %mul3A_1245, %add3A_1314 : i32
          %swap3A_1316 = arith.index_cast %add3A_1315 : i32 to index
          %swap3A_1317 = tpu.vector_load %arg5[%swap3A_1316] {strides = array<i32>} : memref<115712xf32, #tpu.memory_space<vmem>>, vector<16xf32>,
          %swap3A_1318 = vector.shape_cast %swap3A_1317 : vector<16xf32> to vector<16xf32>
          %swap3A_1319 = vector.shape_cast %max3A_1313 : vector<16xf32> to vector<16xf32>
          tpu.vector_store %arg5[%swap3A_1316], %swap3A_1319 {strides = array<i32>} : memref<115712xf32, #tpu.memory_space<vmem>>, vector<16xf32>,
          %slice3A_1320 = vector.extract_strided_slice %get3A_120 {offsets = [14], sizes = [1], strides = [1]} : vector<16xi32> to vector<1xi32>
          %squeeze3A_1321 = vector.extract %slice3A_1320[0] : i32 from vector<1xi32>
          %sub3A_1322 = arith.subi %squeeze3A_1321, %mul3A_72 : i32
          %ge3A_1323 = arith.constant 0 : i32
          %ge3A_1324 = arith.cmpi sge, %sub3A_1322, %ge3A_1323 : i32
          %lt3A_1325 = arith.constant 1800 : i32
          %lt3A_1326 = arith.cmpi slt, %sub3A_1322, %lt3A_1325 : i32
          %and3A_1327 = arith.andi %ge3A_1324, %lt3A_1326 : i1
          %jit3A_1328 = arith.constant 1800 : i32
          %select_n3A_1329 = arith.select %and3A_1327, %sub3A_1322, %jit3A_1328 : i32
          %mul3A_1330 = arith.constant 64 : i32
          %mul3A_1331 = arith.muli %select_n3A_1329, %mul3A_1330 : i32
          %mul3A_1332 = arith.constant 16 : i32
          %mul3A_1333 = arith.muli %scan3A_113, %mul3A_1332 : i32
          %add3A_1334 = arith.constant 14 : i32
          %add3A_1335 = arith.addi %mul3A_1333, %add3A_1334 : i32
          %mul3A_1336 = arith.constant 64 : i32
          %mul3A_1337 = arith.muli %add3A_1335, %mul3A_1336 : i32
          %add3A_1338 = arith.constant 0 : i32
          %add3A_1339 = arith.addi %mul3A_1337, %add3A_1338 : i32
          %get3A_1340 = arith.index_cast %add3A_1339 : i32 to index
          %get3A_1341 = tpu.vector_load %arg7[%get3A_1340] {strides = array<i32>} : memref<8192xf32, #tpu.memory_space<vmem>>, vector<16xf32>,
          %get3A_1342 = vector.shape_cast %get3A_1341 : vector<16xf32> to vector<16xf32>
          %add3A_1343 = arith.constant 0 : i32
          %add3A_1344 = arith.addi %mul3A_1331, %add3A_1343 : i32
          %get3A_1345 = arith.index_cast %add3A_1344 : i32 to index
          %get3A_1346 = tpu.vector_load %arg5[%get3A_1345] {strides = array<i32>} : memref<115712xf32, #tpu.memory_space<vmem>>, vector<16xf32>,
          %get3A_1347 = vector.shape_cast %get3A_1346 : vector<16xf32> to vector<16xf32>
          %max3A_1348 = arith.maximumf %get3A_1347, %get3A_1342 : vector<16xf32>
          %add3A_1349 = arith.constant 0 : i32
          %add3A_1350 = arith.addi %mul3A_1331, %add3A_1349 : i32
          %swap3A_1351 = arith.index_cast %add3A_1350 : i32 to index
          %swap3A_1352 = tpu.vector_load %arg5[%swap3A_1351] {strides = array<i32>} : memref<115712xf32, #tpu.memory_space<vmem>>, vector<16xf32>,
          %swap3A_1353 = vector.shape_cast %swap3A_1352 : vector<16xf32> to vector<16xf32>
          %swap3A_1354 = vector.shape_cast %max3A_1348 : vector<16xf32> to vector<16xf32>
          tpu.vector_store %arg5[%swap3A_1351], %swap3A_1354 {strides = array<i32>} : memref<115712xf32, #tpu.memory_space<vmem>>, vector<16xf32>,
          %add3A_1355 = arith.constant 16 : i32
          %add3A_1356 = arith.addi %mul3A_1337, %add3A_1355 : i32
          %get3A_1357 = arith.index_cast %add3A_1356 : i32 to index
          %get3A_1358 = tpu.vector_load %arg7[%get3A_1357] {strides = array<i32>} : memref<8192xf32, #tpu.memory_space<vmem>>, vector<16xf32>,
          %get3A_1359 = vector.shape_cast %get3A_1358 : vector<16xf32> to vector<16xf32>
          %add3A_1360 = arith.constant 16 : i32
          %add3A_1361 = arith.addi %mul3A_1331, %add3A_1360 : i32
          %get3A_1362 = arith.index_cast %add3A_1361 : i32 to index
          %get3A_1363 = tpu.vector_load %arg5[%get3A_1362] {strides = array<i32>} : memref<115712xf32, #tpu.memory_space<vmem>>, vector<16xf32>,
          %get3A_1364 = vector.shape_cast %get3A_1363 : vector<16xf32> to vector<16xf32>
          %max3A_1365 = arith.maximumf %get3A_1364, %get3A_1359 : vector<16xf32>
          %add3A_1366 = arith.constant 16 : i32
          %add3A_1367 = arith.addi %mul3A_1331, %add3A_1366 : i32
          %swap3A_1368 = arith.index_cast %add3A_1367 : i32 to index
          %swap3A_1369 = tpu.vector_load %arg5[%swap3A_1368] {strides = array<i32>} : memref<115712xf32, #tpu.memory_space<vmem>>, vector<16xf32>,
          %swap3A_1370 = vector.shape_cast %swap3A_1369 : vector<16xf32> to vector<16xf32>
          %swap3A_1371 = vector.shape_cast %max3A_1365 : vector<16xf32> to vector<16xf32>
          tpu.vector_store %arg5[%swap3A_1368], %swap3A_1371 {strides = array<i32>} : memref<115712xf32, #tpu.memory_space<vmem>>, vector<16xf32>,
          %add3A_1372 = arith.constant 32 : i32
          %add3A_1373 = arith.addi %mul3A_1337, %add3A_1372 : i32
          %get3A_1374 = arith.index_cast %add3A_1373 : i32 to index
          %get3A_1375 = tpu.vector_load %arg7[%get3A_1374] {strides = array<i32>} : memref<8192xf32, #tpu.memory_space<vmem>>, vector<16xf32>,
          %get3A_1376 = vector.shape_cast %get3A_1375 : vector<16xf32> to vector<16xf32>
          %add3A_1377 = arith.constant 32 : i32
          %add3A_1378 = arith.addi %mul3A_1331, %add3A_1377 : i32
          %get3A_1379 = arith.index_cast %add3A_1378 : i32 to index
          %get3A_1380 = tpu.vector_load %arg5[%get3A_1379] {strides = array<i32>} : memref<115712xf32, #tpu.memory_space<vmem>>, vector<16xf32>,
          %get3A_1381 = vector.shape_cast %get3A_1380 : vector<16xf32> to vector<16xf32>
          %max3A_1382 = arith.maximumf %get3A_1381, %get3A_1376 : vector<16xf32>
          %add3A_1383 = arith.constant 32 : i32
          %add3A_1384 = arith.addi %mul3A_1331, %add3A_1383 : i32
          %swap3A_1385 = arith.index_cast %add3A_1384 : i32 to index
          %swap3A_1386 = tpu.vector_load %arg5[%swap3A_1385] {strides = array<i32>} : memref<115712xf32, #tpu.memory_space<vmem>>, vector<16xf32>,
          %swap3A_1387 = vector.shape_cast %swap3A_1386 : vector<16xf32> to vector<16xf32>
          %swap3A_1388 = vector.shape_cast %max3A_1382 : vector<16xf32> to vector<16xf32>
          tpu.vector_store %arg5[%swap3A_1385], %swap3A_1388 {strides = array<i32>} : memref<115712xf32, #tpu.memory_space<vmem>>, vector<16xf32>,
          %add3A_1389 = arith.constant 48 : i32
          %add3A_1390 = arith.addi %mul3A_1337, %add3A_1389 : i32
          %get3A_1391 = arith.index_cast %add3A_1390 : i32 to index
          %get3A_1392 = tpu.vector_load %arg7[%get3A_1391] {strides = array<i32>} : memref<8192xf32, #tpu.memory_space<vmem>>, vector<16xf32>,
          %get3A_1393 = vector.shape_cast %get3A_1392 : vector<16xf32> to vector<16xf32>
          %add3A_1394 = arith.constant 48 : i32
          %add3A_1395 = arith.addi %mul3A_1331, %add3A_1394 : i32
          %get3A_1396 = arith.index_cast %add3A_1395 : i32 to index
          %get3A_1397 = tpu.vector_load %arg5[%get3A_1396] {strides = array<i32>} : memref<115712xf32, #tpu.memory_space<vmem>>, vector<16xf32>,
          %get3A_1398 = vector.shape_cast %get3A_1397 : vector<16xf32> to vector<16xf32>
          %max3A_1399 = arith.maximumf %get3A_1398, %get3A_1393 : vector<16xf32>
          %add3A_1400 = arith.constant 48 : i32
          %add3A_1401 = arith.addi %mul3A_1331, %add3A_1400 : i32
          %swap3A_1402 = arith.index_cast %add3A_1401 : i32 to index
          %swap3A_1403 = tpu.vector_load %arg5[%swap3A_1402] {strides = array<i32>} : memref<115712xf32, #tpu.memory_space<vmem>>, vector<16xf32>,
          %swap3A_1404 = vector.shape_cast %swap3A_1403 : vector<16xf32> to vector<16xf32>
          %swap3A_1405 = vector.shape_cast %max3A_1399 : vector<16xf32> to vector<16xf32>
          tpu.vector_store %arg5[%swap3A_1402], %swap3A_1405 {strides = array<i32>} : memref<115712xf32, #tpu.memory_space<vmem>>, vector<16xf32>,
          %slice3A_1406 = vector.extract_strided_slice %get3A_120 {offsets = [15], sizes = [1], strides = [1]} : vector<16xi32> to vector<1xi32>
          %squeeze3A_1407 = vector.extract %slice3A_1406[0] : i32 from vector<1xi32>
          %sub3A_1408 = arith.subi %squeeze3A_1407, %mul3A_72 : i32
          %ge3A_1409 = arith.constant 0 : i32
          %ge3A_1410 = arith.cmpi sge, %sub3A_1408, %ge3A_1409 : i32
          %lt3A_1411 = arith.constant 1800 : i32
          %lt3A_1412 = arith.cmpi slt, %sub3A_1408, %lt3A_1411 : i32
          %and3A_1413 = arith.andi %ge3A_1410, %lt3A_1412 : i1
          %jit3A_1414 = arith.constant 1800 : i32
          %select_n3A_1415 = arith.select %and3A_1413, %sub3A_1408, %jit3A_1414 : i32
          %mul3A_1416 = arith.constant 64 : i32
          %mul3A_1417 = arith.muli %select_n3A_1415, %mul3A_1416 : i32
          %mul3A_1418 = arith.constant 16 : i32
          %mul3A_1419 = arith.muli %scan3A_113, %mul3A_1418 : i32
          %add3A_1420 = arith.constant 15 : i32
          %add3A_1421 = arith.addi %mul3A_1419, %add3A_1420 : i32
          %mul3A_1422 = arith.constant 64 : i32
          %mul3A_1423 = arith.muli %add3A_1421, %mul3A_1422 : i32
          %add3A_1424 = arith.constant 0 : i32
          %add3A_1425 = arith.addi %mul3A_1423, %add3A_1424 : i32
          %get3A_1426 = arith.index_cast %add3A_1425 : i32 to index
          %get3A_1427 = tpu.vector_load %arg7[%get3A_1426] {strides = array<i32>} : memref<8192xf32, #tpu.memory_space<vmem>>, vector<16xf32>,
          %get3A_1428 = vector.shape_cast %get3A_1427 : vector<16xf32> to vector<16xf32>
          %add3A_1429 = arith.constant 0 : i32
          %add3A_1430 = arith.addi %mul3A_1417, %add3A_1429 : i32
          %get3A_1431 = arith.index_cast %add3A_1430 : i32 to index
          %get3A_1432 = tpu.vector_load %arg5[%get3A_1431] {strides = array<i32>} : memref<115712xf32, #tpu.memory_space<vmem>>, vector<16xf32>,
          %get3A_1433 = vector.shape_cast %get3A_1432 : vector<16xf32> to vector<16xf32>
          %max3A_1434 = arith.maximumf %get3A_1433, %get3A_1428 : vector<16xf32>
          %add3A_1435 = arith.constant 0 : i32
          %add3A_1436 = arith.addi %mul3A_1417, %add3A_1435 : i32
          %swap3A_1437 = arith.index_cast %add3A_1436 : i32 to index
          %swap3A_1438 = tpu.vector_load %arg5[%swap3A_1437] {strides = array<i32>} : memref<115712xf32, #tpu.memory_space<vmem>>, vector<16xf32>,
          %swap3A_1439 = vector.shape_cast %swap3A_1438 : vector<16xf32> to vector<16xf32>
          %swap3A_1440 = vector.shape_cast %max3A_1434 : vector<16xf32> to vector<16xf32>
          tpu.vector_store %arg5[%swap3A_1437], %swap3A_1440 {strides = array<i32>} : memref<115712xf32, #tpu.memory_space<vmem>>, vector<16xf32>,
          %add3A_1441 = arith.constant 16 : i32
          %add3A_1442 = arith.addi %mul3A_1423, %add3A_1441 : i32
          %get3A_1443 = arith.index_cast %add3A_1442 : i32 to index
          %get3A_1444 = tpu.vector_load %arg7[%get3A_1443] {strides = array<i32>} : memref<8192xf32, #tpu.memory_space<vmem>>, vector<16xf32>,
          %get3A_1445 = vector.shape_cast %get3A_1444 : vector<16xf32> to vector<16xf32>
          %add3A_1446 = arith.constant 16 : i32
          %add3A_1447 = arith.addi %mul3A_1417, %add3A_1446 : i32
          %get3A_1448 = arith.index_cast %add3A_1447 : i32 to index
          %get3A_1449 = tpu.vector_load %arg5[%get3A_1448] {strides = array<i32>} : memref<115712xf32, #tpu.memory_space<vmem>>, vector<16xf32>,
          %get3A_1450 = vector.shape_cast %get3A_1449 : vector<16xf32> to vector<16xf32>
          %max3A_1451 = arith.maximumf %get3A_1450, %get3A_1445 : vector<16xf32>
          %add3A_1452 = arith.constant 16 : i32
          %add3A_1453 = arith.addi %mul3A_1417, %add3A_1452 : i32
          %swap3A_1454 = arith.index_cast %add3A_1453 : i32 to index
          %swap3A_1455 = tpu.vector_load %arg5[%swap3A_1454] {strides = array<i32>} : memref<115712xf32, #tpu.memory_space<vmem>>, vector<16xf32>,
          %swap3A_1456 = vector.shape_cast %swap3A_1455 : vector<16xf32> to vector<16xf32>
          %swap3A_1457 = vector.shape_cast %max3A_1451 : vector<16xf32> to vector<16xf32>
          tpu.vector_store %arg5[%swap3A_1454], %swap3A_1457 {strides = array<i32>} : memref<115712xf32, #tpu.memory_space<vmem>>, vector<16xf32>,
          %add3A_1458 = arith.constant 32 : i32
          %add3A_1459 = arith.addi %mul3A_1423, %add3A_1458 : i32
          %get3A_1460 = arith.index_cast %add3A_1459 : i32 to index
          %get3A_1461 = tpu.vector_load %arg7[%get3A_1460] {strides = array<i32>} : memref<8192xf32, #tpu.memory_space<vmem>>, vector<16xf32>,
          %get3A_1462 = vector.shape_cast %get3A_1461 : vector<16xf32> to vector<16xf32>
          %add3A_1463 = arith.constant 32 : i32
          %add3A_1464 = arith.addi %mul3A_1417, %add3A_1463 : i32
          %get3A_1465 = arith.index_cast %add3A_1464 : i32 to index
          %get3A_1466 = tpu.vector_load %arg5[%get3A_1465] {strides = array<i32>} : memref<115712xf32, #tpu.memory_space<vmem>>, vector<16xf32>,
          %get3A_1467 = vector.shape_cast %get3A_1466 : vector<16xf32> to vector<16xf32>
          %max3A_1468 = arith.maximumf %get3A_1467, %get3A_1462 : vector<16xf32>
          %add3A_1469 = arith.constant 32 : i32
          %add3A_1470 = arith.addi %mul3A_1417, %add3A_1469 : i32
          %swap3A_1471 = arith.index_cast %add3A_1470 : i32 to index
          %swap3A_1472 = tpu.vector_load %arg5[%swap3A_1471] {strides = array<i32>} : memref<115712xf32, #tpu.memory_space<vmem>>, vector<16xf32>,
          %swap3A_1473 = vector.shape_cast %swap3A_1472 : vector<16xf32> to vector<16xf32>
          %swap3A_1474 = vector.shape_cast %max3A_1468 : vector<16xf32> to vector<16xf32>
          tpu.vector_store %arg5[%swap3A_1471], %swap3A_1474 {strides = array<i32>} : memref<115712xf32, #tpu.memory_space<vmem>>, vector<16xf32>,
          %add3A_1475 = arith.constant 48 : i32
          %add3A_1476 = arith.addi %mul3A_1423, %add3A_1475 : i32
          %get3A_1477 = arith.index_cast %add3A_1476 : i32 to index
          %get3A_1478 = tpu.vector_load %arg7[%get3A_1477] {strides = array<i32>} : memref<8192xf32, #tpu.memory_space<vmem>>, vector<16xf32>,
          %get3A_1479 = vector.shape_cast %get3A_1478 : vector<16xf32> to vector<16xf32>
          %add3A_1480 = arith.constant 48 : i32
          %add3A_1481 = arith.addi %mul3A_1417, %add3A_1480 : i32
          %get3A_1482 = arith.index_cast %add3A_1481 : i32 to index
          %get3A_1483 = tpu.vector_load %arg5[%get3A_1482] {strides = array<i32>} : memref<115712xf32, #tpu.memory_space<vmem>>, vector<16xf32>,
          %get3A_1484 = vector.shape_cast %get3A_1483 : vector<16xf32> to vector<16xf32>
          %max3A_1485 = arith.maximumf %get3A_1484, %get3A_1479 : vector<16xf32>
          %add3A_1486 = arith.constant 48 : i32
          %add3A_1487 = arith.addi %mul3A_1417, %add3A_1486 : i32
          %swap3A_1488 = arith.index_cast %add3A_1487 : i32 to index
          %swap3A_1489 = tpu.vector_load %arg5[%swap3A_1488] {strides = array<i32>} : memref<115712xf32, #tpu.memory_space<vmem>>, vector<16xf32>,
          %swap3A_1490 = vector.shape_cast %swap3A_1489 : vector<16xf32> to vector<16xf32>
          %swap3A_1491 = vector.shape_cast %max3A_1485 : vector<16xf32> to vector<16xf32>
          tpu.vector_store %arg5[%swap3A_1488], %swap3A_1491 {strides = array<i32>} : memref<115712xf32, #tpu.memory_space<vmem>>, vector<16xf32>,
        }
        %scan3A_112 = arith.constant 8 : i32
      }
      %scan3A_100 = arith.constant 16 : i32
    }
    %scan3A_83 = arith.constant 16 : i32
    %mul3A_84 = arith.constant 115712 : i32
    %mul3A_85 = arith.muli %add3A, %mul3A_84 : i32
    "tpu.region"() ({
      %run_scoped3A = tpu.sem_alloc : memref<!tpu.dma_semaphore, #tpu.memory_space<semaphore_mem>>
      %dma_start3A = tpu.memref_slice %arg4[%mul3A_85] : memref<3702784xf32, #tpu.memory_space<hbm>> -> memref<115712xf32, #tpu.memory_space<hbm>>
      %dma_start3A_86 = tpu.memref_slice %arg4[%mul3A_85] : memref<3702784xf32, #tpu.memory_space<hbm>> -> memref<115712xf32, #tpu.memory_space<hbm>>
      tpu.enqueue_dma source(%arg5 : memref<115712xf32, #tpu.memory_space<vmem>>) target(%dma_start3A_86 : memref<115712xf32, #tpu.memory_space<hbm>>) target_semaphore(%run_scoped3A : memref<!tpu.dma_semaphore, #tpu.memory_space<semaphore_mem>>)
      %dma_wait3A = tpu.memref_slice %arg4[%mul3A_85] : memref<3702784xf32, #tpu.memory_space<hbm>> -> memref<115712xf32, #tpu.memory_space<hbm>>
      %dma_wait3A_87 = tpu.memref_slice %arg4[%mul3A_85] : memref<3702784xf32, #tpu.memory_space<hbm>> -> memref<115712xf32, #tpu.memory_space<hbm>>
      tpu.wait_dma2 semaphore(%run_scoped3A : memref<!tpu.dma_semaphore, #tpu.memory_space<semaphore_mem>>) src(%arg5 : memref<115712xf32, #tpu.memory_space<vmem>>) dst(%dma_wait3A_87 : memref<115712xf32, #tpu.memory_space<hbm>>)
      tpu.yield
    }) : () -> ()
    return
  }
}

module attributes {stable_mosaic.version = 14 : i64} {
  func.func @_stage_c_body(%arg0: i32, %arg1: i32, %arg2: memref<1x16x2048xf32, #tpu.memory_space<vmem>>, %arg3: memref<16x16xf32, #tpu.memory_space<vmem>>, %arg4: memref<16x64xf32, #tpu.memory_space<vmem>>, %arg5: memref<8x64xf32, #tpu.memory_space<vmem>>, %arg6: memref<1x2048x64xf32, #tpu.memory_space<vmem>>) attributes {dimension_semantics = [#tpu.dimension_semantics<arbitrary>, #tpu.dimension_semantics<arbitrary>], iteration_bounds = array<i64: 4, 64>, scalar_prefetch = 0 : i64, scratch_operands = 0 : i64, tpu.core_type = #tpu.core_type<tc>, window_params = [{transform_indices = @transform_0, window_bounds = array<i64: 1, 16, 2048>}, {pipeline_mode = #tpu.pipeline_mode<synchronous>, transform_indices = @transform_1, window_bounds = array<i64: 16, 16>}, {pipeline_mode = #tpu.pipeline_mode<synchronous>, transform_indices = @transform_2, window_bounds = array<i64: 16, 64>}, {pipeline_mode = #tpu.pipeline_mode<synchronous>, transform_indices = @transform_3, window_bounds = array<i64: 8, 64>}, {transform_indices = @transform_4, window_bounds = array<i64: 1, 2048, 64>}]} {
    %get3A = arith.constant 0 : index
    %get3A_0 = arith.constant 0 : index
    %get3A_1 = vector.load %arg3[%get3A, %get3A_0] : memref<16x16xf32, #tpu.memory_space<vmem>>, vector<16x16xf32>
    %mul3A = arith.constant 1.90734863E-6 : f32
    %mul3A_2 = vector.broadcast %mul3A : f32 to vector<16x16xf32>
    %mul3A_3 = arith.mulf %get3A_1, %mul3A_2 : vector<16x16xf32>
    %get3A_4 = arith.constant 0 : index
    %get3A_5 = arith.constant 0 : index
    %get3A_6 = vector.load %arg4[%get3A_4, %get3A_5] : memref<16x64xf32, #tpu.memory_space<vmem>>, vector<16x64xf32>
    %get3A_7 = arith.constant 0 : index
    %get3A_8 = arith.constant 0 : index
    %get3A_9 = vector.load %arg5[%get3A_7, %get3A_8] : memref<8x64xf32, #tpu.memory_space<vmem>>, vector<1x64xf32>
    %get3A_10 = arith.constant 1 : index
    %get3A_11 = arith.constant 0 : index
    %get3A_12 = vector.load %arg5[%get3A_10, %get3A_11] : memref<8x64xf32, #tpu.memory_space<vmem>>, vector<1x64xf32>
    %get3A_13 = arith.constant 2 : index
    %get3A_14 = arith.constant 0 : index
    %get3A_15 = vector.load %arg5[%get3A_13, %get3A_14] : memref<8x64xf32, #tpu.memory_space<vmem>>, vector<1x64xf32>
    %dot_general3A = arith.constant dense<0.000000e+00> : vector<16x64xf32>
    %dot_general3A_16 = tpu.matmul %mul3A_3, %get3A_6, %dot_general3A {dimension_numbers = #tpu.dot_dimension_numbers<[1], [0], [0], [1], [0, 0, 1, 1], [], []>, transpose_lhs_hint = false} : vector<16x16xf32>, vector<16x64xf32>, vector<16x64xf32> -> vector<16x64xf32>
    %mul3A_17 = arith.mulf %get3A_6, %dot_general3A_16 : vector<16x64xf32>
    %reduce_sum3A = arith.constant dense<0.000000e+00> : vector<64xf32>
    %reduce_sum3A_18 = vector.multi_reduction <add>, %mul3A_17, %reduce_sum3A [0] : vector<16x64xf32> to vector<64xf32>
    %broadcast_in_dim3A = vector.shape_cast %reduce_sum3A_18 : vector<64xf32> to vector<1x64xf32>
    %iota3A = tpu.iota {dimensions = array<i32: 1>} : vector<1x16xi32>
    %lt3A = arith.constant 13 : i32
    %lt3A_19 = vector.broadcast %lt3A : i32 to vector<1x16xi32>
    %lt3A_20 = arith.cmpi slt, %iota3A, %lt3A_19 : vector<1x16xi32>
    %slice3A = vector.extract_strided_slice %mul3A_3 {offsets = [13, 0], sizes = [1, 16], strides = [1, 1]} : vector<16x16xf32> to vector<1x16xf32>
    %convert_element_type3A = arith.extui %lt3A_20 : vector<1x16xi1> to vector<1x16xi32>
    %convert_element_type3A_21 = arith.sitofp %convert_element_type3A : vector<1x16xi32> to vector<1x16xf32>
    %mul3A_22 = arith.mulf %slice3A, %convert_element_type3A_21 : vector<1x16xf32>
    %dot_general3A_23 = arith.constant dense<0.000000e+00> : vector<1x64xf32>
    %dot_general3A_24 = tpu.matmul %mul3A_22, %get3A_6, %dot_general3A_23 {dimension_numbers = #tpu.dot_dimension_numbers<[1], [0], [0], [1], [0, 0, 1, 1], [], []>, transpose_lhs_hint = false} : vector<1x16xf32>, vector<16x64xf32>, vector<1x64xf32> -> vector<1x64xf32>
    %add3A = arith.addf %dot_general3A_24, %get3A_9 : vector<1x64xf32>
    %mul3A_25 = arith.constant 2.000000e+00 : f32
    %mul3A_26 = vector.broadcast %mul3A_25 : f32 to vector<1x64xf32>
    %mul3A_27 = arith.mulf %mul3A_26, %get3A_9 : vector<1x64xf32>
    %mul3A_28 = arith.mulf %mul3A_27, %dot_general3A_24 : vector<1x64xf32>
    %add3A_29 = arith.addf %broadcast_in_dim3A, %mul3A_28 : vector<1x64xf32>
    %mul3A_30 = arith.mulf %get3A_9, %get3A_9 : vector<1x64xf32>
    %add3A_31 = arith.addf %add3A_29, %mul3A_30 : vector<1x64xf32>
    %mul3A_32 = arith.mulf %add3A, %add3A : vector<1x64xf32>
    %sub3A = arith.subf %add3A_31, %mul3A_32 : vector<1x64xf32>
    %add3A_33 = arith.constant 9.99999974E-6 : f32
    %add3A_34 = vector.broadcast %add3A_33 : f32 to vector<1x64xf32>
    %add3A_35 = arith.addf %sub3A, %add3A_34 : vector<1x64xf32>
    %rsqrt3A = math.rsqrt %add3A_35 : vector<1x64xf32>
    %mul3A_36 = arith.mulf %get3A_12, %rsqrt3A : vector<1x64xf32>
    %mul3A_37 = arith.mulf %add3A, %mul3A_36 : vector<1x64xf32>
    %sub3A_38 = arith.subf %get3A_15, %mul3A_37 : vector<1x64xf32>
    %iota3A_39 = tpu.iota {dimensions = array<i32: 0>} : vector<16x1xi32>
    %eq3A = arith.constant 13 : i32
    %eq3A_40 = vector.broadcast %eq3A : i32 to vector<16x1xi32>
    %eq3A_41 = arith.cmpi eq, %iota3A_39, %eq3A_40 : vector<16x1xi32>
    %mul3A_42 = vector.broadcast %mul3A_36 : vector<1x64xf32> to vector<16x64xf32>
    %mul3A_43 = arith.mulf %get3A_6, %mul3A_42 : vector<16x64xf32>
    %convert_element_type3A_44 = arith.extui %eq3A_41 : vector<16x1xi1> to vector<16x1xi32>
    %convert_element_type3A_45 = arith.sitofp %convert_element_type3A_44 : vector<16x1xi32> to vector<16x1xf32>
    %mul3A_46 = vector.broadcast %convert_element_type3A_45 : vector<16x1xf32> to vector<16x64xf32>
    %mul3A_47 = vector.broadcast %sub3A_38 : vector<1x64xf32> to vector<16x64xf32>
    %mul3A_48 = arith.mulf %mul3A_46, %mul3A_47 : vector<16x64xf32>
    %add3A_49 = arith.addf %mul3A_43, %mul3A_48 : vector<16x64xf32>
    %get3A_50 = arith.constant 0 : index
    %get3A_51 = arith.constant 0 : index
    %get3A_52 = arith.constant 0 : index
    %get3A_53 = vector.load %arg2[%get3A_50, %get3A_51, %get3A_52] : memref<1x16x2048xf32, #tpu.memory_space<vmem>>, vector<1x16x2048xf32>
    %get3A_54 = vector.shape_cast %get3A_53 : vector<1x16x2048xf32> to vector<16x2048xf32>
    %dot_general3A_55 = arith.constant dense<0.000000e+00> : vector<2048x64xf32>
    %dot_general3A_56 = tpu.matmul %get3A_54, %add3A_49, %dot_general3A_55 {dimension_numbers = #tpu.dot_dimension_numbers<[0], [0], [1], [1], [0, 1, 1, 1], [], []>, transpose_lhs_hint = false} : vector<16x2048xf32>, vector<16x64xf32>, vector<2048x64xf32> -> vector<2048x64xf32>
    %max3A = arith.constant 0.000000e+00 : f32
    %max3A_57 = vector.broadcast %max3A : f32 to vector<2048x64xf32>
    %max3A_58 = arith.maximumf %dot_general3A_56, %max3A_57 : vector<2048x64xf32>
    %swap3A = arith.constant 0 : index
    %swap3A_59 = arith.constant 0 : index
    %swap3A_60 = arith.constant 0 : index
    %swap3A_61 = vector.load %arg6[%swap3A, %swap3A_59, %swap3A_60] : memref<1x2048x64xf32, #tpu.memory_space<vmem>>, vector<1x2048x64xf32>
    %swap3A_62 = vector.shape_cast %swap3A_61 : vector<1x2048x64xf32> to vector<2048x64xf32>
    %swap3A_63 = vector.shape_cast %max3A_58 : vector<2048x64xf32> to vector<1x2048x64xf32>
    tpu.vector_store %arg6[%swap3A, %swap3A_59, %swap3A_60], %swap3A_63 {strides = array<i32>} : memref<1x2048x64xf32, #tpu.memory_space<vmem>>, vector<1x2048x64xf32>,
    return
  }
  func.func @transform_0(%arg0: i32, %arg1: i32) -> (i32, i32, i32) {
    %c0_i32 = arith.constant 0 : i32
    %c0_i32_0 = arith.constant 0 : i32
    return %arg0, %c0_i32, %arg1 : i32, i32, i32
  }
  func.func @transform_1(%arg0: i32, %arg1: i32) -> (i32, i32) {
    %c0_i32 = arith.constant 0 : i32
    %c0_i32_0 = arith.constant 0 : i32
    %c0_i32_1 = arith.constant 0 : i32
    return %c0_i32, %c0_i32_0 : i32, i32
  }
  func.func @transform_2(%arg0: i32, %arg1: i32) -> (i32, i32) {
    %c0_i32 = arith.constant 0 : i32
    %c0_i32_0 = arith.constant 0 : i32
    %c0_i32_1 = arith.constant 0 : i32
    return %c0_i32, %c0_i32_0 : i32, i32
  }
  func.func @transform_3(%arg0: i32, %arg1: i32) -> (i32, i32) {
    %c0_i32 = arith.constant 0 : i32
    %c0_i32_0 = arith.constant 0 : i32
    %c0_i32_1 = arith.constant 0 : i32
    return %c0_i32, %c0_i32_0 : i32, i32
  }
  func.func @transform_4(%arg0: i32, %arg1: i32) -> (i32, i32, i32) {
    %c0_i32 = arith.constant 0 : i32
    %c0_i32_0 = arith.constant 0 : i32
    return %arg0, %arg1, %c0_i32 : i32, i32, i32
  }
}

module attributes {stable_mosaic.version = 14 : i64} {
  func.func @_stage_a_body(%arg0: i32, %arg1: i32, %arg2: memref<1x8x2048xf32, #tpu.memory_space<vmem>>, %arg3: memref<1x4x64x64xf32, #tpu.memory_space<vmem>>, %arg4: memref<1x1x1x2048xi32, #tpu.memory_space<vmem>>) attributes {dimension_semantics = [#tpu.dimension_semantics<arbitrary>, #tpu.dimension_semantics<arbitrary>], iteration_bounds = array<i64: 4, 64>, scalar_prefetch = 0 : i64, scratch_operands = 0 : i64, tpu.core_type = #tpu.core_type<tc>, window_params = [{transform_indices = @transform_0, window_bounds = array<i64: 1, 8, 2048>}, {transform_indices = @transform_1, window_bounds = array<i64: 1, 4, 64, 64>}, {transform_indices = @transform_2, window_bounds = array<i64: 1, 1, 1, 2048>}]} {
    %get3A = arith.constant 0 : index
    %get3A_0 = arith.constant 0 : index
    %get3A_1 = arith.constant 0 : index
    %get3A_2 = vector.load %arg2[%get3A, %get3A_0, %get3A_1] : memref<1x8x2048xf32, #tpu.memory_space<vmem>>, vector<1x8x2048xf32>
    %get3A_3 = vector.shape_cast %get3A_2 : vector<1x8x2048xf32> to vector<8x2048xf32>
    %slice3A = vector.extract_strided_slice %get3A_3 {offsets = [0, 0], sizes = [1, 2048], strides = [1, 1]} : vector<8x2048xf32> to vector<1x2048xf32>
    %slice3A_4 = vector.extract_strided_slice %get3A_3 {offsets = [1, 0], sizes = [1, 2048], strides = [1, 1]} : vector<8x2048xf32> to vector<1x2048xf32>
    %sub3A = arith.constant -6.000000e+01 : f32
    %sub3A_5 = vector.broadcast %sub3A : f32 to vector<1x2048xf32>
    %sub3A_6 = arith.subf %slice3A, %sub3A_5 : vector<1x2048xf32>
    %div3A = arith.constant 2.000000e+00 : f32
    %div3A_7 = vector.broadcast %div3A : f32 to vector<1x2048xf32>
    %div3A_8 = arith.divf %sub3A_6, %div3A_7 : vector<1x2048xf32>
    %convert_element_type3A = arith.fptosi %div3A_8 : vector<1x2048xf32> to vector<1x2048xi32>
    %sub3A_9 = arith.constant -6.000000e+01 : f32
    %sub3A_10 = vector.broadcast %sub3A_9 : f32 to vector<1x2048xf32>
    %sub3A_11 = arith.subf %slice3A_4, %sub3A_10 : vector<1x2048xf32>
    %div3A_12 = arith.constant 2.000000e+00 : f32
    %div3A_13 = vector.broadcast %div3A_12 : f32 to vector<1x2048xf32>
    %div3A_14 = arith.divf %sub3A_11, %div3A_13 : vector<1x2048xf32>
    %convert_element_type3A_15 = arith.fptosi %div3A_14 : vector<1x2048xf32> to vector<1x2048xi32>
    %ge3A = arith.constant 0 : i32
    %ge3A_16 = vector.broadcast %ge3A : i32 to vector<1x2048xi32>
    %ge3A_17 = arith.cmpi sge, %convert_element_type3A, %ge3A_16 : vector<1x2048xi32>
    %lt3A = arith.constant 60 : i32
    %lt3A_18 = vector.broadcast %lt3A : i32 to vector<1x2048xi32>
    %lt3A_19 = arith.cmpi slt, %convert_element_type3A, %lt3A_18 : vector<1x2048xi32>
    %and3A = arith.andi %ge3A_17, %lt3A_19 : vector<1x2048xi1>
    %ge3A_20 = arith.constant 0 : i32
    %ge3A_21 = vector.broadcast %ge3A_20 : i32 to vector<1x2048xi32>
    %ge3A_22 = arith.cmpi sge, %convert_element_type3A_15, %ge3A_21 : vector<1x2048xi32>
    %and3A_23 = arith.andi %and3A, %ge3A_22 : vector<1x2048xi1>
    %lt3A_24 = arith.constant 60 : i32
    %lt3A_25 = vector.broadcast %lt3A_24 : i32 to vector<1x2048xi32>
    %lt3A_26 = arith.cmpi slt, %convert_element_type3A_15, %lt3A_25 : vector<1x2048xi32>
    %and3A_27 = arith.andi %and3A_23, %lt3A_26 : vector<1x2048xi1>
    %jit3A = arith.constant 0 : i32
    %jit3A_28 = arith.constant 59 : i32
    %max3A = vector.broadcast %jit3A : i32 to vector<1x2048xi32>
    %max3A_29 = arith.maxsi %max3A, %convert_element_type3A : vector<1x2048xi32>
    %min3A = vector.broadcast %jit3A_28 : i32 to vector<1x2048xi32>
    %min3A_30 = arith.minsi %min3A, %max3A_29 : vector<1x2048xi32>
    %jit3A_31 = arith.constant 0 : i32
    %jit3A_32 = arith.constant 59 : i32
    %max3A_33 = vector.broadcast %jit3A_31 : i32 to vector<1x2048xi32>
    %max3A_34 = arith.maxsi %max3A_33, %convert_element_type3A_15 : vector<1x2048xi32>
    %min3A_35 = vector.broadcast %jit3A_32 : i32 to vector<1x2048xi32>
    %min3A_36 = arith.minsi %min3A_35, %max3A_34 : vector<1x2048xi32>
    %iota3A = tpu.iota {dimensions = array<i32: 0>} : vector<64x1xi32>
    %eq3A = vector.broadcast %iota3A : vector<64x1xi32> to vector<64x2048xi32>
    %eq3A_37 = vector.broadcast %min3A_30 : vector<1x2048xi32> to vector<64x2048xi32>
    %eq3A_38 = arith.cmpi eq, %eq3A, %eq3A_37 : vector<64x2048xi32>
    %convert_element_type3A_39 = arith.extui %eq3A_38 : vector<64x2048xi1> to vector<64x2048xi32>
    %convert_element_type3A_40 = arith.sitofp %convert_element_type3A_39 : vector<64x2048xi32> to vector<64x2048xf32>
    %eq3A_41 = vector.broadcast %iota3A : vector<64x1xi32> to vector<64x2048xi32>
    %eq3A_42 = vector.broadcast %min3A_36 : vector<1x2048xi32> to vector<64x2048xi32>
    %eq3A_43 = arith.cmpi eq, %eq3A_41, %eq3A_42 : vector<64x2048xi32>
    %convert_element_type3A_44 = arith.extui %eq3A_43 : vector<64x2048xi1> to vector<64x2048xi32>
    %convert_element_type3A_45 = arith.sitofp %convert_element_type3A_44 : vector<64x2048xi32> to vector<64x2048xf32>
    %convert_element_type3A_46 = arith.extui %and3A_27 : vector<1x2048xi1> to vector<1x2048xi32>
    %convert_element_type3A_47 = arith.sitofp %convert_element_type3A_46 : vector<1x2048xi32> to vector<1x2048xf32>
    %mul3A = arith.constant 60 : i32
    %mul3A_48 = vector.broadcast %mul3A : i32 to vector<1x2048xi32>
    %mul3A_49 = arith.muli %min3A_36, %mul3A_48 : vector<1x2048xi32>
    %add3A = arith.addi %mul3A_49, %min3A_30 : vector<1x2048xi32>
    %swap3A = arith.constant 0 : index
    %swap3A_50 = arith.constant 0 : index
    %swap3A_51 = arith.constant 0 : index
    %swap3A_52 = arith.constant 0 : index
    %swap3A_53 = vector.load %arg4[%swap3A, %swap3A_50, %swap3A_51, %swap3A_52] : memref<1x1x1x2048xi32, #tpu.memory_space<vmem>>, vector<1x1x1x2048xi32>
    %swap3A_54 = vector.shape_cast %swap3A_53 : vector<1x1x1x2048xi32> to vector<1x2048xi32>
    %swap3A_55 = vector.shape_cast %add3A : vector<1x2048xi32> to vector<1x1x1x2048xi32>
    tpu.vector_store %arg4[%swap3A, %swap3A_50, %swap3A_51, %swap3A_52], %swap3A_55 {strides = array<i32>} : memref<1x1x1x2048xi32, #tpu.memory_space<vmem>>, vector<1x1x1x2048xi32>,
    %mul3A_56 = vector.broadcast %convert_element_type3A_47 : vector<1x2048xf32> to vector<64x2048xf32>
    %mul3A_57 = arith.mulf %convert_element_type3A_40, %mul3A_56 : vector<64x2048xf32>
    %eq3A_58 = arith.constant 0 : i32
    %eq3A_59 = arith.cmpi eq, %arg1, %eq3A_58 : i32
    %convert_element_type3A_60 = arith.extui %eq3A_59 : i1 to i32
    %cond3A = arith.constant 0 : i32
    %cond3A_61 = arith.cmpi ne, %convert_element_type3A_60, %cond3A : i32
    scf.if %cond3A_61 {
      %broadcast_in_dim3A_137 = arith.constant 0.000000e+00 : f32
      %broadcast_in_dim3A_138 = vector.broadcast %broadcast_in_dim3A_137 : f32 to vector<1x4x64x64xf32>
      %swap3A_139 = arith.constant 0 : index
      %swap3A_140 = arith.constant 0 : index
      %swap3A_141 = arith.constant 0 : index
      %swap3A_142 = arith.constant 0 : index
      %swap3A_143 = vector.load %arg3[%swap3A_139, %swap3A_140, %swap3A_141, %swap3A_142] : memref<1x4x64x64xf32, #tpu.memory_space<vmem>>, vector<1x4x64x64xf32>
      tpu.vector_store %arg3[%swap3A_139, %swap3A_140, %swap3A_141, %swap3A_142], %broadcast_in_dim3A_138 {strides = array<i32>} : memref<1x4x64x64xf32, #tpu.memory_space<vmem>>, vector<1x4x64x64xf32>,
    } else {
    }
    %slice3A_62 = vector.extract_strided_slice %get3A_3 {offsets = [0, 0], sizes = [1, 2048], strides = [1, 1]} : vector<8x2048xf32> to vector<1x2048xf32>
    %mul3A_63 = vector.broadcast %slice3A_62 : vector<1x2048xf32> to vector<64x2048xf32>
    %mul3A_64 = arith.mulf %mul3A_57, %mul3A_63 : vector<64x2048xf32>
    %dot_general3A = arith.constant dense<0.000000e+00> : vector<64x64xf32>
    %dot_general3A_65 = tpu.matmul %convert_element_type3A_45, %mul3A_64, %dot_general3A {dimension_numbers = #tpu.dot_dimension_numbers<[1], [1], [0], [0], [0, 0, 1, 0], [], []>, transpose_lhs_hint = false} : vector<64x2048xf32>, vector<64x2048xf32>, vector<64x64xf32> -> vector<64x64xf32>
    %get3A_66 = arith.constant 0 : index
    %get3A_67 = arith.constant 0 : index
    %get3A_68 = arith.constant 0 : index
    %get3A_69 = arith.constant 0 : index
    %get3A_70 = vector.load %arg3[%get3A_66, %get3A_67, %get3A_68, %get3A_69] : memref<1x4x64x64xf32, #tpu.memory_space<vmem>>, vector<1x1x64x64xf32>
    %get3A_71 = vector.shape_cast %get3A_70 : vector<1x1x64x64xf32> to vector<64x64xf32>
    %add3A_72 = arith.addf %get3A_71, %dot_general3A_65 : vector<64x64xf32>
    %swap3A_73 = arith.constant 0 : index
    %swap3A_74 = arith.constant 0 : index
    %swap3A_75 = arith.constant 0 : index
    %swap3A_76 = arith.constant 0 : index
    %swap3A_77 = vector.load %arg3[%swap3A_73, %swap3A_74, %swap3A_75, %swap3A_76] : memref<1x4x64x64xf32, #tpu.memory_space<vmem>>, vector<1x1x64x64xf32>
    %swap3A_78 = vector.shape_cast %swap3A_77 : vector<1x1x64x64xf32> to vector<64x64xf32>
    %swap3A_79 = vector.shape_cast %add3A_72 : vector<64x64xf32> to vector<1x1x64x64xf32>
    tpu.vector_store %arg3[%swap3A_73, %swap3A_74, %swap3A_75, %swap3A_76], %swap3A_79 {strides = array<i32>} : memref<1x4x64x64xf32, #tpu.memory_space<vmem>>, vector<1x1x64x64xf32>,
    %slice3A_80 = vector.extract_strided_slice %get3A_3 {offsets = [1, 0], sizes = [1, 2048], strides = [1, 1]} : vector<8x2048xf32> to vector<1x2048xf32>
    %mul3A_81 = vector.broadcast %slice3A_80 : vector<1x2048xf32> to vector<64x2048xf32>
    %mul3A_82 = arith.mulf %mul3A_57, %mul3A_81 : vector<64x2048xf32>
    %dot_general3A_83 = arith.constant dense<0.000000e+00> : vector<64x64xf32>
    %dot_general3A_84 = tpu.matmul %convert_element_type3A_45, %mul3A_82, %dot_general3A_83 {dimension_numbers = #tpu.dot_dimension_numbers<[1], [1], [0], [0], [0, 0, 1, 0], [], []>, transpose_lhs_hint = false} : vector<64x2048xf32>, vector<64x2048xf32>, vector<64x64xf32> -> vector<64x64xf32>
    %get3A_85 = arith.constant 0 : index
    %get3A_86 = arith.constant 1 : index
    %get3A_87 = arith.constant 0 : index
    %get3A_88 = arith.constant 0 : index
    %get3A_89 = vector.load %arg3[%get3A_85, %get3A_86, %get3A_87, %get3A_88] : memref<1x4x64x64xf32, #tpu.memory_space<vmem>>, vector<1x1x64x64xf32>
    %get3A_90 = vector.shape_cast %get3A_89 : vector<1x1x64x64xf32> to vector<64x64xf32>
    %add3A_91 = arith.addf %get3A_90, %dot_general3A_84 : vector<64x64xf32>
    %swap3A_92 = arith.constant 0 : index
    %swap3A_93 = arith.constant 1 : index
    %swap3A_94 = arith.constant 0 : index
    %swap3A_95 = arith.constant 0 : index
    %swap3A_96 = vector.load %arg3[%swap3A_92, %swap3A_93, %swap3A_94, %swap3A_95] : memref<1x4x64x64xf32, #tpu.memory_space<vmem>>, vector<1x1x64x64xf32>
    %swap3A_97 = vector.shape_cast %swap3A_96 : vector<1x1x64x64xf32> to vector<64x64xf32>
    %swap3A_98 = vector.shape_cast %add3A_91 : vector<64x64xf32> to vector<1x1x64x64xf32>
    tpu.vector_store %arg3[%swap3A_92, %swap3A_93, %swap3A_94, %swap3A_95], %swap3A_98 {strides = array<i32>} : memref<1x4x64x64xf32, #tpu.memory_space<vmem>>, vector<1x1x64x64xf32>,
    %slice3A_99 = vector.extract_strided_slice %get3A_3 {offsets = [2, 0], sizes = [1, 2048], strides = [1, 1]} : vector<8x2048xf32> to vector<1x2048xf32>
    %mul3A_100 = vector.broadcast %slice3A_99 : vector<1x2048xf32> to vector<64x2048xf32>
    %mul3A_101 = arith.mulf %mul3A_57, %mul3A_100 : vector<64x2048xf32>
    %dot_general3A_102 = arith.constant dense<0.000000e+00> : vector<64x64xf32>
    %dot_general3A_103 = tpu.matmul %convert_element_type3A_45, %mul3A_101, %dot_general3A_102 {dimension_numbers = #tpu.dot_dimension_numbers<[1], [1], [0], [0], [0, 0, 1, 0], [], []>, transpose_lhs_hint = false} : vector<64x2048xf32>, vector<64x2048xf32>, vector<64x64xf32> -> vector<64x64xf32>
    %get3A_104 = arith.constant 0 : index
    %get3A_105 = arith.constant 2 : index
    %get3A_106 = arith.constant 0 : index
    %get3A_107 = arith.constant 0 : index
    %get3A_108 = vector.load %arg3[%get3A_104, %get3A_105, %get3A_106, %get3A_107] : memref<1x4x64x64xf32, #tpu.memory_space<vmem>>, vector<1x1x64x64xf32>
    %get3A_109 = vector.shape_cast %get3A_108 : vector<1x1x64x64xf32> to vector<64x64xf32>
    %add3A_110 = arith.addf %get3A_109, %dot_general3A_103 : vector<64x64xf32>
    %swap3A_111 = arith.constant 0 : index
    %swap3A_112 = arith.constant 2 : index
    %swap3A_113 = arith.constant 0 : index
    %swap3A_114 = arith.constant 0 : index
    %swap3A_115 = vector.load %arg3[%swap3A_111, %swap3A_112, %swap3A_113, %swap3A_114] : memref<1x4x64x64xf32, #tpu.memory_space<vmem>>, vector<1x1x64x64xf32>
    %swap3A_116 = vector.shape_cast %swap3A_115 : vector<1x1x64x64xf32> to vector<64x64xf32>
    %swap3A_117 = vector.shape_cast %add3A_110 : vector<64x64xf32> to vector<1x1x64x64xf32>
    tpu.vector_store %arg3[%swap3A_111, %swap3A_112, %swap3A_113, %swap3A_114], %swap3A_117 {strides = array<i32>} : memref<1x4x64x64xf32, #tpu.memory_space<vmem>>, vector<1x1x64x64xf32>,
    %broadcast_in_dim3A = arith.constant 1.000000e+00 : f32
    %broadcast_in_dim3A_118 = vector.broadcast %broadcast_in_dim3A : f32 to vector<1x2048xf32>
    %mul3A_119 = vector.broadcast %broadcast_in_dim3A_118 : vector<1x2048xf32> to vector<64x2048xf32>
    %mul3A_120 = arith.mulf %mul3A_57, %mul3A_119 : vector<64x2048xf32>
    %dot_general3A_121 = arith.constant dense<0.000000e+00> : vector<64x64xf32>
    %dot_general3A_122 = tpu.matmul %convert_element_type3A_45, %mul3A_120, %dot_general3A_121 {dimension_numbers = #tpu.dot_dimension_numbers<[1], [1], [0], [0], [0, 0, 1, 0], [], []>, transpose_lhs_hint = false} : vector<64x2048xf32>, vector<64x2048xf32>, vector<64x64xf32> -> vector<64x64xf32>
    %get3A_123 = arith.constant 0 : index
    %get3A_124 = arith.constant 3 : index
    %get3A_125 = arith.constant 0 : index
    %get3A_126 = arith.constant 0 : index
    %get3A_127 = vector.load %arg3[%get3A_123, %get3A_124, %get3A_125, %get3A_126] : memref<1x4x64x64xf32, #tpu.memory_space<vmem>>, vector<1x1x64x64xf32>
    %get3A_128 = vector.shape_cast %get3A_127 : vector<1x1x64x64xf32> to vector<64x64xf32>
    %add3A_129 = arith.addf %get3A_128, %dot_general3A_122 : vector<64x64xf32>
    %swap3A_130 = arith.constant 0 : index
    %swap3A_131 = arith.constant 3 : index
    %swap3A_132 = arith.constant 0 : index
    %swap3A_133 = arith.constant 0 : index
    %swap3A_134 = vector.load %arg3[%swap3A_130, %swap3A_131, %swap3A_132, %swap3A_133] : memref<1x4x64x64xf32, #tpu.memory_space<vmem>>, vector<1x1x64x64xf32>
    %swap3A_135 = vector.shape_cast %swap3A_134 : vector<1x1x64x64xf32> to vector<64x64xf32>
    %swap3A_136 = vector.shape_cast %add3A_129 : vector<64x64xf32> to vector<1x1x64x64xf32>
    tpu.vector_store %arg3[%swap3A_130, %swap3A_131, %swap3A_132, %swap3A_133], %swap3A_136 {strides = array<i32>} : memref<1x4x64x64xf32, #tpu.memory_space<vmem>>, vector<1x1x64x64xf32>,
    return
  }
  func.func @transform_0(%arg0: i32, %arg1: i32) -> (i32, i32, i32) {
    %c0_i32 = arith.constant 0 : i32
    %c0_i32_0 = arith.constant 0 : i32
    return %arg0, %c0_i32, %arg1 : i32, i32, i32
  }
  func.func @transform_1(%arg0: i32, %arg1: i32) -> (i32, i32, i32, i32) {
    %c0_i32 = arith.constant 0 : i32
    %c0_i32_0 = arith.constant 0 : i32
    %c0_i32_1 = arith.constant 0 : i32
    %c0_i32_2 = arith.constant 0 : i32
    return %arg0, %c0_i32, %c0_i32_0, %c0_i32_1 : i32, i32, i32, i32
  }
  func.func @transform_2(%arg0: i32, %arg1: i32) -> (i32, i32, i32, i32) {
    %c0_i32 = arith.constant 0 : i32
    %c0_i32_0 = arith.constant 0 : i32
    %c0_i32_1 = arith.constant 0 : i32
    return %arg0, %arg1, %c0_i32, %c0_i32_0 : i32, i32, i32, i32
  }
}

module attributes {stable_mosaic.version = 14 : i64} {
  func.func @_stage_b_body(%arg0: i32, %arg1: i32, %arg2: memref<1x8x2048xf32, #tpu.memory_space<vmem>>, %arg3: memref<1x4x64x64xf32, #tpu.memory_space<vmem>>, %arg4: memref<1x16x2048xf32, #tpu.memory_space<vmem>>, %arg5: memref<16x16xf32, #tpu.memory_space<vmem>>) attributes {dimension_semantics = [#tpu.dimension_semantics<arbitrary>, #tpu.dimension_semantics<arbitrary>], iteration_bounds = array<i64: 4, 64>, scalar_prefetch = 0 : i64, scratch_operands = 0 : i64, tpu.core_type = #tpu.core_type<tc>, window_params = [{transform_indices = @transform_0, window_bounds = array<i64: 1, 8, 2048>}, {transform_indices = @transform_1, window_bounds = array<i64: 1, 4, 64, 64>}, {transform_indices = @transform_2, window_bounds = array<i64: 1, 16, 2048>}, {pipeline_mode = #tpu.pipeline_mode<synchronous>, transform_indices = @transform_3, window_bounds = array<i64: 16, 16>}]} {
    %get3A = arith.constant 0 : index
    %get3A_0 = arith.constant 0 : index
    %get3A_1 = arith.constant 0 : index
    %get3A_2 = vector.load %arg2[%get3A, %get3A_0, %get3A_1] : memref<1x8x2048xf32, #tpu.memory_space<vmem>>, vector<1x8x2048xf32>
    %get3A_3 = vector.shape_cast %get3A_2 : vector<1x8x2048xf32> to vector<8x2048xf32>
    %slice3A = vector.extract_strided_slice %get3A_3 {offsets = [0, 0], sizes = [1, 2048], strides = [1, 1]} : vector<8x2048xf32> to vector<1x2048xf32>
    %slice3A_4 = vector.extract_strided_slice %get3A_3 {offsets = [1, 0], sizes = [1, 2048], strides = [1, 1]} : vector<8x2048xf32> to vector<1x2048xf32>
    %sub3A = arith.constant -6.000000e+01 : f32
    %sub3A_5 = vector.broadcast %sub3A : f32 to vector<1x2048xf32>
    %sub3A_6 = arith.subf %slice3A, %sub3A_5 : vector<1x2048xf32>
    %div3A = arith.constant 2.000000e+00 : f32
    %div3A_7 = vector.broadcast %div3A : f32 to vector<1x2048xf32>
    %div3A_8 = arith.divf %sub3A_6, %div3A_7 : vector<1x2048xf32>
    %convert_element_type3A = arith.fptosi %div3A_8 : vector<1x2048xf32> to vector<1x2048xi32>
    %sub3A_9 = arith.constant -6.000000e+01 : f32
    %sub3A_10 = vector.broadcast %sub3A_9 : f32 to vector<1x2048xf32>
    %sub3A_11 = arith.subf %slice3A_4, %sub3A_10 : vector<1x2048xf32>
    %div3A_12 = arith.constant 2.000000e+00 : f32
    %div3A_13 = vector.broadcast %div3A_12 : f32 to vector<1x2048xf32>
    %div3A_14 = arith.divf %sub3A_11, %div3A_13 : vector<1x2048xf32>
    %convert_element_type3A_15 = arith.fptosi %div3A_14 : vector<1x2048xf32> to vector<1x2048xi32>
    %ge3A = arith.constant 0 : i32
    %ge3A_16 = vector.broadcast %ge3A : i32 to vector<1x2048xi32>
    %ge3A_17 = arith.cmpi sge, %convert_element_type3A, %ge3A_16 : vector<1x2048xi32>
    %lt3A = arith.constant 60 : i32
    %lt3A_18 = vector.broadcast %lt3A : i32 to vector<1x2048xi32>
    %lt3A_19 = arith.cmpi slt, %convert_element_type3A, %lt3A_18 : vector<1x2048xi32>
    %and3A = arith.andi %ge3A_17, %lt3A_19 : vector<1x2048xi1>
    %ge3A_20 = arith.constant 0 : i32
    %ge3A_21 = vector.broadcast %ge3A_20 : i32 to vector<1x2048xi32>
    %ge3A_22 = arith.cmpi sge, %convert_element_type3A_15, %ge3A_21 : vector<1x2048xi32>
    %and3A_23 = arith.andi %and3A, %ge3A_22 : vector<1x2048xi1>
    %lt3A_24 = arith.constant 60 : i32
    %lt3A_25 = vector.broadcast %lt3A_24 : i32 to vector<1x2048xi32>
    %lt3A_26 = arith.cmpi slt, %convert_element_type3A_15, %lt3A_25 : vector<1x2048xi32>
    %and3A_27 = arith.andi %and3A_23, %lt3A_26 : vector<1x2048xi1>
    %jit3A = arith.constant 0 : i32
    %jit3A_28 = arith.constant 59 : i32
    %max3A = vector.broadcast %jit3A : i32 to vector<1x2048xi32>
    %max3A_29 = arith.maxsi %max3A, %convert_element_type3A : vector<1x2048xi32>
    %min3A = vector.broadcast %jit3A_28 : i32 to vector<1x2048xi32>
    %min3A_30 = arith.minsi %min3A, %max3A_29 : vector<1x2048xi32>
    %jit3A_31 = arith.constant 0 : i32
    %jit3A_32 = arith.constant 59 : i32
    %max3A_33 = vector.broadcast %jit3A_31 : i32 to vector<1x2048xi32>
    %max3A_34 = arith.maxsi %max3A_33, %convert_element_type3A_15 : vector<1x2048xi32>
    %min3A_35 = vector.broadcast %jit3A_32 : i32 to vector<1x2048xi32>
    %min3A_36 = arith.minsi %min3A_35, %max3A_34 : vector<1x2048xi32>
    %iota3A = tpu.iota {dimensions = array<i32: 0>} : vector<64x1xi32>
    %eq3A = vector.broadcast %iota3A : vector<64x1xi32> to vector<64x2048xi32>
    %eq3A_37 = vector.broadcast %min3A_30 : vector<1x2048xi32> to vector<64x2048xi32>
    %eq3A_38 = arith.cmpi eq, %eq3A, %eq3A_37 : vector<64x2048xi32>
    %convert_element_type3A_39 = arith.extui %eq3A_38 : vector<64x2048xi1> to vector<64x2048xi32>
    %convert_element_type3A_40 = arith.sitofp %convert_element_type3A_39 : vector<64x2048xi32> to vector<64x2048xf32>
    %eq3A_41 = vector.broadcast %iota3A : vector<64x1xi32> to vector<64x2048xi32>
    %eq3A_42 = vector.broadcast %min3A_36 : vector<1x2048xi32> to vector<64x2048xi32>
    %eq3A_43 = arith.cmpi eq, %eq3A_41, %eq3A_42 : vector<64x2048xi32>
    %convert_element_type3A_44 = arith.extui %eq3A_43 : vector<64x2048xi1> to vector<64x2048xi32>
    %convert_element_type3A_45 = arith.sitofp %convert_element_type3A_44 : vector<64x2048xi32> to vector<64x2048xf32>
    %convert_element_type3A_46 = arith.extui %and3A_27 : vector<1x2048xi1> to vector<1x2048xi32>
    %convert_element_type3A_47 = arith.sitofp %convert_element_type3A_46 : vector<1x2048xi32> to vector<1x2048xf32>
    %get3A_48 = arith.constant 0 : index
    %get3A_49 = arith.constant 3 : index
    %get3A_50 = arith.constant 0 : index
    %get3A_51 = arith.constant 0 : index
    %get3A_52 = vector.load %arg3[%get3A_48, %get3A_49, %get3A_50, %get3A_51] : memref<1x4x64x64xf32, #tpu.memory_space<vmem>>, vector<1x1x64x64xf32>
    %get3A_53 = vector.shape_cast %get3A_52 : vector<1x1x64x64xf32> to vector<64x64xf32>
    %max3A_54 = arith.constant 1.000000e+00 : f32
    %max3A_55 = vector.broadcast %max3A_54 : f32 to vector<64x64xf32>
    %max3A_56 = arith.maximumf %get3A_53, %max3A_55 : vector<64x64xf32>
    %div3A_57 = arith.constant 1.000000e+00 : f32
    %div3A_58 = vector.broadcast %div3A_57 : f32 to vector<64x64xf32>
    %div3A_59 = arith.divf %div3A_58, %max3A_56 : vector<64x64xf32>
    %get3A_60 = arith.constant 0 : index
    %get3A_61 = arith.constant 0 : index
    %get3A_62 = arith.constant 0 : index
    %get3A_63 = arith.constant 0 : index
    %get3A_64 = vector.load %arg3[%get3A_60, %get3A_61, %get3A_62, %get3A_63] : memref<1x4x64x64xf32, #tpu.memory_space<vmem>>, vector<1x1x64x64xf32>
    %get3A_65 = vector.shape_cast %get3A_64 : vector<1x1x64x64xf32> to vector<64x64xf32>
    %mul3A = arith.mulf %get3A_65, %div3A_59 : vector<64x64xf32>
    %dot_general3A = arith.constant dense<0.000000e+00> : vector<64x2048xf32>
    %dot_general3A_66 = tpu.matmul %mul3A, %convert_element_type3A_45, %dot_general3A {dimension_numbers = #tpu.dot_dimension_numbers<[0], [0], [1], [1], [0, 1, 1, 1], [], []>, transpose_lhs_hint = false} : vector<64x64xf32>, vector<64x2048xf32>, vector<64x2048xf32> -> vector<64x2048xf32>
    %mul3A_67 = arith.mulf %convert_element_type3A_40, %dot_general3A_66 : vector<64x2048xf32>
    %reduce_sum3A = arith.constant dense<0.000000e+00> : vector<2048xf32>
    %reduce_sum3A_68 = vector.multi_reduction <add>, %mul3A_67, %reduce_sum3A [0] : vector<64x2048xf32> to vector<2048xf32>
    %broadcast_in_dim3A = vector.shape_cast %reduce_sum3A_68 : vector<2048xf32> to vector<1x2048xf32>
    %get3A_69 = arith.constant 0 : index
    %get3A_70 = arith.constant 1 : index
    %get3A_71 = arith.constant 0 : index
    %get3A_72 = arith.constant 0 : index
    %get3A_73 = vector.load %arg3[%get3A_69, %get3A_70, %get3A_71, %get3A_72] : memref<1x4x64x64xf32, #tpu.memory_space<vmem>>, vector<1x1x64x64xf32>
    %get3A_74 = vector.shape_cast %get3A_73 : vector<1x1x64x64xf32> to vector<64x64xf32>
    %mul3A_75 = arith.mulf %get3A_74, %div3A_59 : vector<64x64xf32>
    %dot_general3A_76 = arith.constant dense<0.000000e+00> : vector<64x2048xf32>
    %dot_general3A_77 = tpu.matmul %mul3A_75, %convert_element_type3A_45, %dot_general3A_76 {dimension_numbers = #tpu.dot_dimension_numbers<[0], [0], [1], [1], [0, 1, 1, 1], [], []>, transpose_lhs_hint = false} : vector<64x64xf32>, vector<64x2048xf32>, vector<64x2048xf32> -> vector<64x2048xf32>
    %mul3A_78 = arith.mulf %convert_element_type3A_40, %dot_general3A_77 : vector<64x2048xf32>
    %reduce_sum3A_79 = arith.constant dense<0.000000e+00> : vector<2048xf32>
    %reduce_sum3A_80 = vector.multi_reduction <add>, %mul3A_78, %reduce_sum3A_79 [0] : vector<64x2048xf32> to vector<2048xf32>
    %broadcast_in_dim3A_81 = vector.shape_cast %reduce_sum3A_80 : vector<2048xf32> to vector<1x2048xf32>
    %get3A_82 = arith.constant 0 : index
    %get3A_83 = arith.constant 2 : index
    %get3A_84 = arith.constant 0 : index
    %get3A_85 = arith.constant 0 : index
    %get3A_86 = vector.load %arg3[%get3A_82, %get3A_83, %get3A_84, %get3A_85] : memref<1x4x64x64xf32, #tpu.memory_space<vmem>>, vector<1x1x64x64xf32>
    %get3A_87 = vector.shape_cast %get3A_86 : vector<1x1x64x64xf32> to vector<64x64xf32>
    %mul3A_88 = arith.mulf %get3A_87, %div3A_59 : vector<64x64xf32>
    %dot_general3A_89 = arith.constant dense<0.000000e+00> : vector<64x2048xf32>
    %dot_general3A_90 = tpu.matmul %mul3A_88, %convert_element_type3A_45, %dot_general3A_89 {dimension_numbers = #tpu.dot_dimension_numbers<[0], [0], [1], [1], [0, 1, 1, 1], [], []>, transpose_lhs_hint = false} : vector<64x64xf32>, vector<64x2048xf32>, vector<64x2048xf32> -> vector<64x2048xf32>
    %mul3A_91 = arith.mulf %convert_element_type3A_40, %dot_general3A_90 : vector<64x2048xf32>
    %reduce_sum3A_92 = arith.constant dense<0.000000e+00> : vector<2048xf32>
    %reduce_sum3A_93 = vector.multi_reduction <add>, %mul3A_91, %reduce_sum3A_92 [0] : vector<64x2048xf32> to vector<2048xf32>
    %broadcast_in_dim3A_94 = vector.shape_cast %reduce_sum3A_93 : vector<2048xf32> to vector<1x2048xf32>
    %convert_element_type3A_95 = arith.sitofp %min3A_30 : vector<1x2048xi32> to vector<1x2048xf32>
    %add3A = arith.constant 5.000000e-01 : f32
    %add3A_96 = vector.broadcast %add3A : f32 to vector<1x2048xf32>
    %add3A_97 = arith.addf %convert_element_type3A_95, %add3A_96 : vector<1x2048xf32>
    %mul3A_98 = arith.constant 2.000000e+00 : f32
    %mul3A_99 = vector.broadcast %mul3A_98 : f32 to vector<1x2048xf32>
    %mul3A_100 = arith.mulf %add3A_97, %mul3A_99 : vector<1x2048xf32>
    %add3A_101 = arith.constant -6.000000e+01 : f32
    %add3A_102 = vector.broadcast %add3A_101 : f32 to vector<1x2048xf32>
    %add3A_103 = arith.addf %add3A_102, %mul3A_100 : vector<1x2048xf32>
    %convert_element_type3A_104 = arith.sitofp %min3A_36 : vector<1x2048xi32> to vector<1x2048xf32>
    %add3A_105 = arith.constant 5.000000e-01 : f32
    %add3A_106 = vector.broadcast %add3A_105 : f32 to vector<1x2048xf32>
    %add3A_107 = arith.addf %convert_element_type3A_104, %add3A_106 : vector<1x2048xf32>
    %mul3A_108 = arith.constant 2.000000e+00 : f32
    %mul3A_109 = vector.broadcast %mul3A_108 : f32 to vector<1x2048xf32>
    %mul3A_110 = arith.mulf %add3A_107, %mul3A_109 : vector<1x2048xf32>
    %add3A_111 = arith.constant -6.000000e+01 : f32
    %add3A_112 = vector.broadcast %add3A_111 : f32 to vector<1x2048xf32>
    %add3A_113 = arith.addf %add3A_112, %mul3A_110 : vector<1x2048xf32>
    %slice3A_114 = vector.extract_strided_slice %get3A_3 {offsets = [0, 0], sizes = [3, 2048], strides = [1, 1]} : vector<8x2048xf32> to vector<3x2048xf32>
    %concatenate3A = tpu.concatenate %broadcast_in_dim3A, %broadcast_in_dim3A_81, %broadcast_in_dim3A_94 in 0 : vector<1x2048xf32>, vector<1x2048xf32>, vector<1x2048xf32> -> vector<3x2048xf32>
    %sub3A_115 = arith.subf %slice3A_114, %concatenate3A : vector<3x2048xf32>
    %slice3A_116 = vector.extract_strided_slice %get3A_3 {offsets = [0, 0], sizes = [2, 2048], strides = [1, 1]} : vector<8x2048xf32> to vector<2x2048xf32>
    %concatenate3A_117 = tpu.concatenate %add3A_103, %add3A_113 in 0 : vector<1x2048xf32>, vector<1x2048xf32> -> vector<2x2048xf32>
    %sub3A_118 = arith.subf %slice3A_116, %concatenate3A_117 : vector<2x2048xf32>
    %broadcast_in_dim3A_119 = arith.constant 0.000000e+00 : f32
    %broadcast_in_dim3A_120 = vector.broadcast %broadcast_in_dim3A_119 : f32 to vector<2x2048xf32>
    %concatenate3A_121 = tpu.concatenate %get3A_3, %sub3A_115, %sub3A_118, %convert_element_type3A_47, %broadcast_in_dim3A_120 in 0 : vector<8x2048xf32>, vector<3x2048xf32>, vector<2x2048xf32>, vector<1x2048xf32>, vector<2x2048xf32> -> vector<16x2048xf32>
    %mul3A_122 = vector.broadcast %convert_element_type3A_47 : vector<1x2048xf32> to vector<16x2048xf32>
    %mul3A_123 = arith.mulf %concatenate3A_121, %mul3A_122 : vector<16x2048xf32>
    %swap3A = arith.constant 0 : index
    %swap3A_124 = arith.constant 0 : index
    %swap3A_125 = arith.constant 0 : index
    %swap3A_126 = vector.load %arg4[%swap3A, %swap3A_124, %swap3A_125] : memref<1x16x2048xf32, #tpu.memory_space<vmem>>, vector<1x16x2048xf32>
    %swap3A_127 = vector.shape_cast %swap3A_126 : vector<1x16x2048xf32> to vector<16x2048xf32>
    %swap3A_128 = vector.shape_cast %mul3A_123 : vector<16x2048xf32> to vector<1x16x2048xf32>
    tpu.vector_store %arg4[%swap3A, %swap3A_124, %swap3A_125], %swap3A_128 {strides = array<i32>} : memref<1x16x2048xf32, #tpu.memory_space<vmem>>, vector<1x16x2048xf32>,
    %dot_general3A_129 = arith.constant dense<0.000000e+00> : vector<16x16xf32>
    %dot_general3A_130 = tpu.matmul %mul3A_123, %mul3A_123, %dot_general3A_129 {dimension_numbers = #tpu.dot_dimension_numbers<[1], [1], [0], [0], [0, 0, 1, 0], [], []>, transpose_lhs_hint = false} : vector<16x2048xf32>, vector<16x2048xf32>, vector<16x16xf32> -> vector<16x16xf32>
    %eq3A_131 = arith.constant 0 : i32
    %eq3A_132 = arith.cmpi eq, %arg0, %eq3A_131 : i32
    %eq3A_133 = arith.constant 0 : i32
    %eq3A_134 = arith.cmpi eq, %arg1, %eq3A_133 : i32
    %and3A_135 = arith.andi %eq3A_132, %eq3A_134 : i1
    %convert_element_type3A_136 = arith.extui %and3A_135 : i1 to i32
    %cond3A = arith.constant 0 : i32
    %cond3A_137 = arith.cmpi ne, %convert_element_type3A_136, %cond3A : i32
    scf.if %cond3A_137 {
      %broadcast_in_dim3A_145 = arith.constant 0.000000e+00 : f32
      %broadcast_in_dim3A_146 = vector.broadcast %broadcast_in_dim3A_145 : f32 to vector<16x16xf32>
      %swap3A_147 = arith.constant 0 : index
      %swap3A_148 = arith.constant 0 : index
      %swap3A_149 = vector.load %arg5[%swap3A_147, %swap3A_148] : memref<16x16xf32, #tpu.memory_space<vmem>>, vector<16x16xf32>
      tpu.vector_store %arg5[%swap3A_147, %swap3A_148], %broadcast_in_dim3A_146 {strides = array<i32>} : memref<16x16xf32, #tpu.memory_space<vmem>>, vector<16x16xf32>,
    } else {
    }
    %get3A_138 = arith.constant 0 : index
    %get3A_139 = arith.constant 0 : index
    %get3A_140 = vector.load %arg5[%get3A_138, %get3A_139] : memref<16x16xf32, #tpu.memory_space<vmem>>, vector<16x16xf32>
    %add3A_141 = arith.addf %get3A_140, %dot_general3A_130 : vector<16x16xf32>
    %swap3A_142 = arith.constant 0 : index
    %swap3A_143 = arith.constant 0 : index
    %swap3A_144 = vector.load %arg5[%swap3A_142, %swap3A_143] : memref<16x16xf32, #tpu.memory_space<vmem>>, vector<16x16xf32>
    tpu.vector_store %arg5[%swap3A_142, %swap3A_143], %add3A_141 {strides = array<i32>} : memref<16x16xf32, #tpu.memory_space<vmem>>, vector<16x16xf32>,
    return
  }
  func.func @transform_0(%arg0: i32, %arg1: i32) -> (i32, i32, i32) {
    %c0_i32 = arith.constant 0 : i32
    %c0_i32_0 = arith.constant 0 : i32
    return %arg0, %c0_i32, %arg1 : i32, i32, i32
  }
  func.func @transform_1(%arg0: i32, %arg1: i32) -> (i32, i32, i32, i32) {
    %c0_i32 = arith.constant 0 : i32
    %c0_i32_0 = arith.constant 0 : i32
    %c0_i32_1 = arith.constant 0 : i32
    %c0_i32_2 = arith.constant 0 : i32
    return %arg0, %c0_i32, %c0_i32_0, %c0_i32_1 : i32, i32, i32, i32
  }
  func.func @transform_2(%arg0: i32, %arg1: i32) -> (i32, i32, i32) {
    %c0_i32 = arith.constant 0 : i32
    %c0_i32_0 = arith.constant 0 : i32
    return %arg0, %c0_i32, %arg1 : i32, i32, i32
  }
  func.func @transform_3(%arg0: i32, %arg1: i32) -> (i32, i32) {
    %c0_i32 = arith.constant 0 : i32
    %c0_i32_0 = arith.constant 0 : i32
    %c0_i32_1 = arith.constant 0 : i32
    return %c0_i32, %c0_i32_0 : i32, i32
  }
}

module attributes {stable_mosaic.version = 14 : i64} {
  func.func @_stage_merge_body(%arg0: memref<4x4x3600x64xf32, #tpu.memory_space<vmem>>, %arg1: memref<4x60x60x64xf32, #tpu.memory_space<vmem>>) attributes {dimension_semantics = [], scalar_prefetch = 0 : i64, scratch_operands = 0 : i64, tpu.core_type = #tpu.core_type<tc>} {
    %get3A = arith.constant 0 : index
    %get3A_0 = arith.constant 0 : index
    %get3A_1 = arith.constant 0 : index
    %get3A_2 = arith.constant 0 : index
    %get3A_3 = vector.load %arg0[%get3A, %get3A_0, %get3A_1, %get3A_2] : memref<4x4x3600x64xf32, #tpu.memory_space<vmem>>, vector<4x4x3600x64xf32>
    %reduce_max3A = arith.constant dense<0xFF800000> : vector<4x3600x64xf32>
    %reduce_max3A_4 = vector.multi_reduction <maximumf>, %get3A_3, %reduce_max3A [0] : vector<4x4x3600x64xf32> to vector<4x3600x64xf32>
    %reshape3A = vector.shape_cast %reduce_max3A_4 : vector<4x3600x64xf32> to vector<4x60x60x64xf32>
    %swap3A = arith.constant 0 : index
    %swap3A_5 = arith.constant 0 : index
    %swap3A_6 = arith.constant 0 : index
    %swap3A_7 = arith.constant 0 : index
    %swap3A_8 = vector.load %arg1[%swap3A, %swap3A_5, %swap3A_6, %swap3A_7] : memref<4x60x60x64xf32, #tpu.memory_space<vmem>>, vector<4x60x60x64xf32>
    tpu.vector_store %arg1[%swap3A, %swap3A_5, %swap3A_6, %swap3A_7], %reshape3A {strides = array<i32>} : memref<4x60x60x64xf32, #tpu.memory_space<vmem>>, vector<4x60x60x64xf32>,
    return
  }
}

module attributes {stable_mosaic.version = 14 : i64} {
  func.func @_conv_taps_body(%arg0: i32, %arg1: memref<1x60x60x64xf32, #tpu.memory_space<vmem>>, %arg2: memref<9x64x64xf32, #tpu.memory_space<vmem>>, %arg3: memref<1x3600x64xf32, #tpu.memory_space<vmem>>, %arg4: memref<1x62x62x64xf32, #tpu.memory_space<vmem>>) attributes {dimension_semantics = [#tpu.dimension_semantics<arbitrary>], iteration_bounds = array<i64: 4>, scalar_prefetch = 0 : i64, scratch_operands = 1 : i64, tpu.core_type = #tpu.core_type<tc>, window_params = [{transform_indices = @transform_0, window_bounds = array<i64: 1, 60, 60, 64>}, {pipeline_mode = #tpu.pipeline_mode<synchronous>, transform_indices = @transform_1, window_bounds = array<i64: 9, 64, 64>}, {transform_indices = @transform_2, window_bounds = array<i64: 1, 3600, 64>}]} {
    %broadcast_in_dim3A = arith.constant 0.000000e+00 : f32
    %broadcast_in_dim3A_0 = vector.broadcast %broadcast_in_dim3A : f32 to vector<1x62x62x64xf32>
    %swap3A = arith.constant 0 : index
    %swap3A_1 = arith.constant 0 : index
    %swap3A_2 = arith.constant 0 : index
    %swap3A_3 = arith.constant 0 : index
    %swap3A_4 = vector.load %arg4[%swap3A, %swap3A_1, %swap3A_2, %swap3A_3] : memref<1x62x62x64xf32, #tpu.memory_space<vmem>>, vector<1x62x62x64xf32>
    tpu.vector_store %arg4[%swap3A, %swap3A_1, %swap3A_2, %swap3A_3], %broadcast_in_dim3A_0 {strides = array<i32>} : memref<1x62x62x64xf32, #tpu.memory_space<vmem>>, vector<1x62x62x64xf32>,
    %get3A = arith.constant 0 : index
    %get3A_5 = arith.constant 0 : index
    %get3A_6 = arith.constant 0 : index
    %get3A_7 = arith.constant 0 : index
    %get3A_8 = vector.load %arg1[%get3A, %get3A_5, %get3A_6, %get3A_7] : memref<1x60x60x64xf32, #tpu.memory_space<vmem>>, vector<1x60x60x64xf32>
    %swap3A_9 = arith.constant 0 : index
    %swap3A_10 = arith.constant 1 : index
    %swap3A_11 = arith.constant 1 : index
    %swap3A_12 = arith.constant 0 : index
    %swap3A_13 = vector.load %arg4[%swap3A_9, %swap3A_10, %swap3A_11, %swap3A_12] : memref<1x62x62x64xf32, #tpu.memory_space<vmem>>, vector<1x60x60x64xf32>
    tpu.vector_store %arg4[%swap3A_9, %swap3A_10, %swap3A_11, %swap3A_12], %get3A_8 {strides = array<i32>} : memref<1x62x62x64xf32, #tpu.memory_space<vmem>>, vector<1x60x60x64xf32>,
    %get3A_14 = arith.constant 0 : index
    %get3A_15 = arith.constant 0 : index
    %get3A_16 = arith.constant 0 : index
    %get3A_17 = arith.constant 0 : index
    %get3A_18 = vector.load %arg4[%get3A_14, %get3A_15, %get3A_16, %get3A_17] : memref<1x62x62x64xf32, #tpu.memory_space<vmem>>, vector<1x62x62x64xf32>
    %broadcast_in_dim3A_19 = arith.constant 0.000000e+00 : f32
    %broadcast_in_dim3A_20 = vector.broadcast %broadcast_in_dim3A_19 : f32 to vector<3600x64xf32>
    %slice3A = vector.extract_strided_slice %get3A_18 {offsets = [0, 0, 0, 0], sizes = [1, 60, 60, 64], strides = [1, 1, 1, 1]} : vector<1x62x62x64xf32> to vector<1x60x60x64xf32>
    %reshape3A = vector.shape_cast %slice3A : vector<1x60x60x64xf32> to vector<3600x64xf32>
    %get3A_21 = arith.constant 0 : index
    %get3A_22 = arith.constant 0 : index
    %get3A_23 = arith.constant 0 : index
    %get3A_24 = vector.load %arg2[%get3A_21, %get3A_22, %get3A_23] : memref<9x64x64xf32, #tpu.memory_space<vmem>>, vector<1x64x64xf32>
    %get3A_25 = vector.shape_cast %get3A_24 : vector<1x64x64xf32> to vector<64x64xf32>
    %dot_general3A = arith.constant dense<0.000000e+00> : vector<3600x64xf32>
    %dot_general3A_26 = tpu.matmul %reshape3A, %get3A_25, %dot_general3A {dimension_numbers = #tpu.dot_dimension_numbers<[1], [0], [0], [1], [0, 0, 1, 1], [], []>, transpose_lhs_hint = false} : vector<3600x64xf32>, vector<64x64xf32>, vector<3600x64xf32> -> vector<3600x64xf32>
    %add3A = arith.addf %broadcast_in_dim3A_20, %dot_general3A_26 : vector<3600x64xf32>
    %slice3A_27 = vector.extract_strided_slice %get3A_18 {offsets = [0, 0, 1, 0], sizes = [1, 60, 60, 64], strides = [1, 1, 1, 1]} : vector<1x62x62x64xf32> to vector<1x60x60x64xf32>
    %reshape3A_28 = vector.shape_cast %slice3A_27 : vector<1x60x60x64xf32> to vector<3600x64xf32>
    %get3A_29 = arith.constant 1 : index
    %get3A_30 = arith.constant 0 : index
    %get3A_31 = arith.constant 0 : index
    %get3A_32 = vector.load %arg2[%get3A_29, %get3A_30, %get3A_31] : memref<9x64x64xf32, #tpu.memory_space<vmem>>, vector<1x64x64xf32>
    %get3A_33 = vector.shape_cast %get3A_32 : vector<1x64x64xf32> to vector<64x64xf32>
    %dot_general3A_34 = arith.constant dense<0.000000e+00> : vector<3600x64xf32>
    %dot_general3A_35 = tpu.matmul %reshape3A_28, %get3A_33, %dot_general3A_34 {dimension_numbers = #tpu.dot_dimension_numbers<[1], [0], [0], [1], [0, 0, 1, 1], [], []>, transpose_lhs_hint = false} : vector<3600x64xf32>, vector<64x64xf32>, vector<3600x64xf32> -> vector<3600x64xf32>
    %add3A_36 = arith.addf %add3A, %dot_general3A_35 : vector<3600x64xf32>
    %slice3A_37 = vector.extract_strided_slice %get3A_18 {offsets = [0, 0, 2, 0], sizes = [1, 60, 60, 64], strides = [1, 1, 1, 1]} : vector<1x62x62x64xf32> to vector<1x60x60x64xf32>
    %reshape3A_38 = vector.shape_cast %slice3A_37 : vector<1x60x60x64xf32> to vector<3600x64xf32>
    %get3A_39 = arith.constant 2 : index
    %get3A_40 = arith.constant 0 : index
    %get3A_41 = arith.constant 0 : index
    %get3A_42 = vector.load %arg2[%get3A_39, %get3A_40, %get3A_41] : memref<9x64x64xf32, #tpu.memory_space<vmem>>, vector<1x64x64xf32>
    %get3A_43 = vector.shape_cast %get3A_42 : vector<1x64x64xf32> to vector<64x64xf32>
    %dot_general3A_44 = arith.constant dense<0.000000e+00> : vector<3600x64xf32>
    %dot_general3A_45 = tpu.matmul %reshape3A_38, %get3A_43, %dot_general3A_44 {dimension_numbers = #tpu.dot_dimension_numbers<[1], [0], [0], [1], [0, 0, 1, 1], [], []>, transpose_lhs_hint = false} : vector<3600x64xf32>, vector<64x64xf32>, vector<3600x64xf32> -> vector<3600x64xf32>
    %add3A_46 = arith.addf %add3A_36, %dot_general3A_45 : vector<3600x64xf32>
    %slice3A_47 = vector.extract_strided_slice %get3A_18 {offsets = [0, 1, 0, 0], sizes = [1, 60, 60, 64], strides = [1, 1, 1, 1]} : vector<1x62x62x64xf32> to vector<1x60x60x64xf32>
    %reshape3A_48 = vector.shape_cast %slice3A_47 : vector<1x60x60x64xf32> to vector<3600x64xf32>
    %get3A_49 = arith.constant 3 : index
    %get3A_50 = arith.constant 0 : index
    %get3A_51 = arith.constant 0 : index
    %get3A_52 = vector.load %arg2[%get3A_49, %get3A_50, %get3A_51] : memref<9x64x64xf32, #tpu.memory_space<vmem>>, vector<1x64x64xf32>
    %get3A_53 = vector.shape_cast %get3A_52 : vector<1x64x64xf32> to vector<64x64xf32>
    %dot_general3A_54 = arith.constant dense<0.000000e+00> : vector<3600x64xf32>
    %dot_general3A_55 = tpu.matmul %reshape3A_48, %get3A_53, %dot_general3A_54 {dimension_numbers = #tpu.dot_dimension_numbers<[1], [0], [0], [1], [0, 0, 1, 1], [], []>, transpose_lhs_hint = false} : vector<3600x64xf32>, vector<64x64xf32>, vector<3600x64xf32> -> vector<3600x64xf32>
    %add3A_56 = arith.addf %add3A_46, %dot_general3A_55 : vector<3600x64xf32>
    %slice3A_57 = vector.extract_strided_slice %get3A_18 {offsets = [0, 1, 1, 0], sizes = [1, 60, 60, 64], strides = [1, 1, 1, 1]} : vector<1x62x62x64xf32> to vector<1x60x60x64xf32>
    %reshape3A_58 = vector.shape_cast %slice3A_57 : vector<1x60x60x64xf32> to vector<3600x64xf32>
    %get3A_59 = arith.constant 4 : index
    %get3A_60 = arith.constant 0 : index
    %get3A_61 = arith.constant 0 : index
    %get3A_62 = vector.load %arg2[%get3A_59, %get3A_60, %get3A_61] : memref<9x64x64xf32, #tpu.memory_space<vmem>>, vector<1x64x64xf32>
    %get3A_63 = vector.shape_cast %get3A_62 : vector<1x64x64xf32> to vector<64x64xf32>
    %dot_general3A_64 = arith.constant dense<0.000000e+00> : vector<3600x64xf32>
    %dot_general3A_65 = tpu.matmul %reshape3A_58, %get3A_63, %dot_general3A_64 {dimension_numbers = #tpu.dot_dimension_numbers<[1], [0], [0], [1], [0, 0, 1, 1], [], []>, transpose_lhs_hint = false} : vector<3600x64xf32>, vector<64x64xf32>, vector<3600x64xf32> -> vector<3600x64xf32>
    %add3A_66 = arith.addf %add3A_56, %dot_general3A_65 : vector<3600x64xf32>
    %slice3A_67 = vector.extract_strided_slice %get3A_18 {offsets = [0, 1, 2, 0], sizes = [1, 60, 60, 64], strides = [1, 1, 1, 1]} : vector<1x62x62x64xf32> to vector<1x60x60x64xf32>
    %reshape3A_68 = vector.shape_cast %slice3A_67 : vector<1x60x60x64xf32> to vector<3600x64xf32>
    %get3A_69 = arith.constant 5 : index
    %get3A_70 = arith.constant 0 : index
    %get3A_71 = arith.constant 0 : index
    %get3A_72 = vector.load %arg2[%get3A_69, %get3A_70, %get3A_71] : memref<9x64x64xf32, #tpu.memory_space<vmem>>, vector<1x64x64xf32>
    %get3A_73 = vector.shape_cast %get3A_72 : vector<1x64x64xf32> to vector<64x64xf32>
    %dot_general3A_74 = arith.constant dense<0.000000e+00> : vector<3600x64xf32>
    %dot_general3A_75 = tpu.matmul %reshape3A_68, %get3A_73, %dot_general3A_74 {dimension_numbers = #tpu.dot_dimension_numbers<[1], [0], [0], [1], [0, 0, 1, 1], [], []>, transpose_lhs_hint = false} : vector<3600x64xf32>, vector<64x64xf32>, vector<3600x64xf32> -> vector<3600x64xf32>
    %add3A_76 = arith.addf %add3A_66, %dot_general3A_75 : vector<3600x64xf32>
    %slice3A_77 = vector.extract_strided_slice %get3A_18 {offsets = [0, 2, 0, 0], sizes = [1, 60, 60, 64], strides = [1, 1, 1, 1]} : vector<1x62x62x64xf32> to vector<1x60x60x64xf32>
    %reshape3A_78 = vector.shape_cast %slice3A_77 : vector<1x60x60x64xf32> to vector<3600x64xf32>
    %get3A_79 = arith.constant 6 : index
    %get3A_80 = arith.constant 0 : index
    %get3A_81 = arith.constant 0 : index
    %get3A_82 = vector.load %arg2[%get3A_79, %get3A_80, %get3A_81] : memref<9x64x64xf32, #tpu.memory_space<vmem>>, vector<1x64x64xf32>
    %get3A_83 = vector.shape_cast %get3A_82 : vector<1x64x64xf32> to vector<64x64xf32>
    %dot_general3A_84 = arith.constant dense<0.000000e+00> : vector<3600x64xf32>
    %dot_general3A_85 = tpu.matmul %reshape3A_78, %get3A_83, %dot_general3A_84 {dimension_numbers = #tpu.dot_dimension_numbers<[1], [0], [0], [1], [0, 0, 1, 1], [], []>, transpose_lhs_hint = false} : vector<3600x64xf32>, vector<64x64xf32>, vector<3600x64xf32> -> vector<3600x64xf32>
    %add3A_86 = arith.addf %add3A_76, %dot_general3A_85 : vector<3600x64xf32>
    %slice3A_87 = vector.extract_strided_slice %get3A_18 {offsets = [0, 2, 1, 0], sizes = [1, 60, 60, 64], strides = [1, 1, 1, 1]} : vector<1x62x62x64xf32> to vector<1x60x60x64xf32>
    %reshape3A_88 = vector.shape_cast %slice3A_87 : vector<1x60x60x64xf32> to vector<3600x64xf32>
    %get3A_89 = arith.constant 7 : index
    %get3A_90 = arith.constant 0 : index
    %get3A_91 = arith.constant 0 : index
    %get3A_92 = vector.load %arg2[%get3A_89, %get3A_90, %get3A_91] : memref<9x64x64xf32, #tpu.memory_space<vmem>>, vector<1x64x64xf32>
    %get3A_93 = vector.shape_cast %get3A_92 : vector<1x64x64xf32> to vector<64x64xf32>
    %dot_general3A_94 = arith.constant dense<0.000000e+00> : vector<3600x64xf32>
    %dot_general3A_95 = tpu.matmul %reshape3A_88, %get3A_93, %dot_general3A_94 {dimension_numbers = #tpu.dot_dimension_numbers<[1], [0], [0], [1], [0, 0, 1, 1], [], []>, transpose_lhs_hint = false} : vector<3600x64xf32>, vector<64x64xf32>, vector<3600x64xf32> -> vector<3600x64xf32>
    %add3A_96 = arith.addf %add3A_86, %dot_general3A_95 : vector<3600x64xf32>
    %slice3A_97 = vector.extract_strided_slice %get3A_18 {offsets = [0, 2, 2, 0], sizes = [1, 60, 60, 64], strides = [1, 1, 1, 1]} : vector<1x62x62x64xf32> to vector<1x60x60x64xf32>
    %reshape3A_98 = vector.shape_cast %slice3A_97 : vector<1x60x60x64xf32> to vector<3600x64xf32>
    %get3A_99 = arith.constant 8 : index
    %get3A_100 = arith.constant 0 : index
    %get3A_101 = arith.constant 0 : index
    %get3A_102 = vector.load %arg2[%get3A_99, %get3A_100, %get3A_101] : memref<9x64x64xf32, #tpu.memory_space<vmem>>, vector<1x64x64xf32>
    %get3A_103 = vector.shape_cast %get3A_102 : vector<1x64x64xf32> to vector<64x64xf32>
    %dot_general3A_104 = arith.constant dense<0.000000e+00> : vector<3600x64xf32>
    %dot_general3A_105 = tpu.matmul %reshape3A_98, %get3A_103, %dot_general3A_104 {dimension_numbers = #tpu.dot_dimension_numbers<[1], [0], [0], [1], [0, 0, 1, 1], [], []>, transpose_lhs_hint = false} : vector<3600x64xf32>, vector<64x64xf32>, vector<3600x64xf32> -> vector<3600x64xf32>
    %add3A_106 = arith.addf %add3A_96, %dot_general3A_105 : vector<3600x64xf32>
    %swap3A_107 = arith.constant 0 : index
    %swap3A_108 = arith.constant 0 : index
    %swap3A_109 = arith.constant 0 : index
    %swap3A_110 = vector.load %arg3[%swap3A_107, %swap3A_108, %swap3A_109] : memref<1x3600x64xf32, #tpu.memory_space<vmem>>, vector<1x3600x64xf32>
    %swap3A_111 = vector.shape_cast %swap3A_110 : vector<1x3600x64xf32> to vector<3600x64xf32>
    %swap3A_112 = vector.shape_cast %add3A_106 : vector<3600x64xf32> to vector<1x3600x64xf32>
    tpu.vector_store %arg3[%swap3A_107, %swap3A_108, %swap3A_109], %swap3A_112 {strides = array<i32>} : memref<1x3600x64xf32, #tpu.memory_space<vmem>>, vector<1x3600x64xf32>,
    return
  }
  func.func @transform_0(%arg0: i32) -> (i32, i32, i32, i32) {
    %c0_i32 = arith.constant 0 : i32
    %c0_i32_0 = arith.constant 0 : i32
    %c0_i32_1 = arith.constant 0 : i32
    %c0_i32_2 = arith.constant 0 : i32
    return %arg0, %c0_i32, %c0_i32_0, %c0_i32_1 : i32, i32, i32, i32
  }
  func.func @transform_1(%arg0: i32) -> (i32, i32, i32) {
    %c0_i32 = arith.constant 0 : i32
    %c0_i32_0 = arith.constant 0 : i32
    %c0_i32_1 = arith.constant 0 : i32
    %c0_i32_2 = arith.constant 0 : i32
    return %c0_i32, %c0_i32_0, %c0_i32_1 : i32, i32, i32
  }
  func.func @transform_2(%arg0: i32) -> (i32, i32, i32) {
    %c0_i32 = arith.constant 0 : i32
    %c0_i32_0 = arith.constant 0 : i32
    %c0_i32_1 = arith.constant 0 : i32
    return %arg0, %c0_i32, %c0_i32_0 : i32, i32, i32
  }
}

module attributes {stable_mosaic.version = 14 : i64} {
  func.func @_bn_relu_body(%arg0: memref<4x3600x64xf32, #tpu.memory_space<vmem>>, %arg1: memref<8x64xf32, #tpu.memory_space<vmem>>, %arg2: memref<4x3600x64xf32, #tpu.memory_space<vmem>>) attributes {dimension_semantics = [], scalar_prefetch = 0 : i64, scratch_operands = 0 : i64, tpu.core_type = #tpu.core_type<tc>} {
    %get3A = arith.constant 0 : index
    %get3A_0 = arith.constant 0 : index
    %get3A_1 = vector.load %arg1[%get3A, %get3A_0] : memref<8x64xf32, #tpu.memory_space<vmem>>, vector<8x64xf32>
    %get3A_2 = arith.constant 0 : index
    %get3A_3 = arith.constant 0 : index
    %get3A_4 = arith.constant 0 : index
    %get3A_5 = vector.load %arg0[%get3A_2, %get3A_3, %get3A_4] : memref<4x3600x64xf32, #tpu.memory_space<vmem>>, vector<4x3600x64xf32>
    %reshape3A = vector.shape_cast %get3A_5 : vector<4x3600x64xf32> to vector<14400x64xf32>
    %slice3A = vector.extract_strided_slice %get3A_1 {offsets = [0, 0], sizes = [1, 64], strides = [1, 1]} : vector<8x64xf32> to vector<1x64xf32>
    %add3A = vector.broadcast %slice3A : vector<1x64xf32> to vector<14400x64xf32>
    %add3A_6 = arith.addf %reshape3A, %add3A : vector<14400x64xf32>
    %reduce_sum3A = arith.constant dense<0.000000e+00> : vector<64xf32>
    %reduce_sum3A_7 = vector.multi_reduction <add>, %add3A_6, %reduce_sum3A [0] : vector<14400x64xf32> to vector<64xf32>
    %broadcast_in_dim3A = vector.shape_cast %reduce_sum3A_7 : vector<64xf32> to vector<1x64xf32>
    %div3A = arith.constant 1.440000e+04 : f32
    %div3A_8 = vector.broadcast %div3A : f32 to vector<1x64xf32>
    %div3A_9 = arith.divf %broadcast_in_dim3A, %div3A_8 : vector<1x64xf32>
    %sub3A = vector.broadcast %div3A_9 : vector<1x64xf32> to vector<14400x64xf32>
    %sub3A_10 = arith.subf %add3A_6, %sub3A : vector<14400x64xf32>
    %sub3A_11 = vector.broadcast %div3A_9 : vector<1x64xf32> to vector<14400x64xf32>
    %sub3A_12 = arith.subf %add3A_6, %sub3A_11 : vector<14400x64xf32>
    %mul3A = arith.mulf %sub3A_10, %sub3A_12 : vector<14400x64xf32>
    %reduce_sum3A_13 = arith.constant dense<0.000000e+00> : vector<64xf32>
    %reduce_sum3A_14 = vector.multi_reduction <add>, %mul3A, %reduce_sum3A_13 [0] : vector<14400x64xf32> to vector<64xf32>
    %broadcast_in_dim3A_15 = vector.shape_cast %reduce_sum3A_14 : vector<64xf32> to vector<1x64xf32>
    %div3A_16 = arith.constant 1.440000e+04 : f32
    %div3A_17 = vector.broadcast %div3A_16 : f32 to vector<1x64xf32>
    %div3A_18 = arith.divf %broadcast_in_dim3A_15, %div3A_17 : vector<1x64xf32>
    %sub3A_19 = vector.broadcast %div3A_9 : vector<1x64xf32> to vector<14400x64xf32>
    %sub3A_20 = arith.subf %add3A_6, %sub3A_19 : vector<14400x64xf32>
    %add3A_21 = arith.constant 9.99999974E-6 : f32
    %add3A_22 = vector.broadcast %add3A_21 : f32 to vector<1x64xf32>
    %add3A_23 = arith.addf %div3A_18, %add3A_22 : vector<1x64xf32>
    %rsqrt3A = math.rsqrt %add3A_23 : vector<1x64xf32>
    %mul3A_24 = vector.broadcast %rsqrt3A : vector<1x64xf32> to vector<14400x64xf32>
    %mul3A_25 = arith.mulf %sub3A_20, %mul3A_24 : vector<14400x64xf32>
    %slice3A_26 = vector.extract_strided_slice %get3A_1 {offsets = [1, 0], sizes = [1, 64], strides = [1, 1]} : vector<8x64xf32> to vector<1x64xf32>
    %mul3A_27 = vector.broadcast %slice3A_26 : vector<1x64xf32> to vector<14400x64xf32>
    %mul3A_28 = arith.mulf %mul3A_25, %mul3A_27 : vector<14400x64xf32>
    %slice3A_29 = vector.extract_strided_slice %get3A_1 {offsets = [2, 0], sizes = [1, 64], strides = [1, 1]} : vector<8x64xf32> to vector<1x64xf32>
    %add3A_30 = vector.broadcast %slice3A_29 : vector<1x64xf32> to vector<14400x64xf32>
    %add3A_31 = arith.addf %mul3A_28, %add3A_30 : vector<14400x64xf32>
    %max3A = arith.constant 0.000000e+00 : f32
    %max3A_32 = vector.broadcast %max3A : f32 to vector<14400x64xf32>
    %max3A_33 = arith.maximumf %add3A_31, %max3A_32 : vector<14400x64xf32>
    %reshape3A_34 = vector.shape_cast %max3A_33 : vector<14400x64xf32> to vector<4x3600x64xf32>
    %swap3A = arith.constant 0 : index
    %swap3A_35 = arith.constant 0 : index
    %swap3A_36 = arith.constant 0 : index
    %swap3A_37 = vector.load %arg2[%swap3A, %swap3A_35, %swap3A_36] : memref<4x3600x64xf32, #tpu.memory_space<vmem>>, vector<4x3600x64xf32>
    tpu.vector_store %arg2[%swap3A, %swap3A_35, %swap3A_36], %reshape3A_34 {strides = array<i32>} : memref<4x3600x64xf32, #tpu.memory_space<vmem>>, vector<4x3600x64xf32>,
    return
  }
}

module attributes {stable_mosaic.version = 14 : i64} {
  func.func @_conv_taps_body(%arg0: i32, %arg1: memref<1x60x60x64xf32, #tpu.memory_space<vmem>>, %arg2: memref<9x64x128xf32, #tpu.memory_space<vmem>>, %arg3: memref<1x900x128xf32, #tpu.memory_space<vmem>>, %arg4: memref<1x62x62x64xf32, #tpu.memory_space<vmem>>) attributes {dimension_semantics = [#tpu.dimension_semantics<arbitrary>], iteration_bounds = array<i64: 4>, scalar_prefetch = 0 : i64, scratch_operands = 1 : i64, tpu.core_type = #tpu.core_type<tc>, window_params = [{transform_indices = @transform_0, window_bounds = array<i64: 1, 60, 60, 64>}, {pipeline_mode = #tpu.pipeline_mode<synchronous>, transform_indices = @transform_1, window_bounds = array<i64: 9, 64, 128>}, {transform_indices = @transform_2, window_bounds = array<i64: 1, 900, 128>}]} {
    %broadcast_in_dim3A = arith.constant 0.000000e+00 : f32
    %broadcast_in_dim3A_0 = vector.broadcast %broadcast_in_dim3A : f32 to vector<1x62x62x64xf32>
    %swap3A = arith.constant 0 : index
    %swap3A_1 = arith.constant 0 : index
    %swap3A_2 = arith.constant 0 : index
    %swap3A_3 = arith.constant 0 : index
    %swap3A_4 = vector.load %arg4[%swap3A, %swap3A_1, %swap3A_2, %swap3A_3] : memref<1x62x62x64xf32, #tpu.memory_space<vmem>>, vector<1x62x62x64xf32>
    tpu.vector_store %arg4[%swap3A, %swap3A_1, %swap3A_2, %swap3A_3], %broadcast_in_dim3A_0 {strides = array<i32>} : memref<1x62x62x64xf32, #tpu.memory_space<vmem>>, vector<1x62x62x64xf32>,
    %get3A = arith.constant 0 : index
    %get3A_5 = arith.constant 0 : index
    %get3A_6 = arith.constant 0 : index
    %get3A_7 = arith.constant 0 : index
    %get3A_8 = vector.load %arg1[%get3A, %get3A_5, %get3A_6, %get3A_7] : memref<1x60x60x64xf32, #tpu.memory_space<vmem>>, vector<1x60x60x64xf32>
    %swap3A_9 = arith.constant 0 : index
    %swap3A_10 = arith.constant 1 : index
    %swap3A_11 = arith.constant 1 : index
    %swap3A_12 = arith.constant 0 : index
    %swap3A_13 = vector.load %arg4[%swap3A_9, %swap3A_10, %swap3A_11, %swap3A_12] : memref<1x62x62x64xf32, #tpu.memory_space<vmem>>, vector<1x60x60x64xf32>
    tpu.vector_store %arg4[%swap3A_9, %swap3A_10, %swap3A_11, %swap3A_12], %get3A_8 {strides = array<i32>} : memref<1x62x62x64xf32, #tpu.memory_space<vmem>>, vector<1x60x60x64xf32>,
    %get3A_14 = arith.constant 0 : index
    %get3A_15 = arith.constant 0 : index
    %get3A_16 = arith.constant 0 : index
    %get3A_17 = arith.constant 0 : index
    %get3A_18 = vector.load %arg4[%get3A_14, %get3A_15, %get3A_16, %get3A_17] : memref<1x62x62x64xf32, #tpu.memory_space<vmem>>, vector<1x62x62x64xf32>
    %broadcast_in_dim3A_19 = arith.constant 0.000000e+00 : f32
    %broadcast_in_dim3A_20 = vector.broadcast %broadcast_in_dim3A_19 : f32 to vector<1800x128xf32>
    %slice3A = vector.extract_strided_slice %get3A_18 {offsets = [0, 0, 0, 0], sizes = [1, 60, 60, 64], strides = [1, 1, 1, 1]} : vector<1x62x62x64xf32> to vector<1x60x60x64xf32>
    %reshape3A = vector.shape_cast %slice3A : vector<1x60x60x64xf32> to vector<1x30x2x60x64xf32>
    %slice3A_21 = vector.extract_strided_slice %reshape3A {offsets = [0, 0, 0, 0, 0], sizes = [1, 30, 1, 60, 64], strides = [1, 1, 1, 1, 1]} : vector<1x30x2x60x64xf32> to vector<1x30x1x60x64xf32>
    %squeeze3A = vector.shape_cast %slice3A_21 : vector<1x30x1x60x64xf32> to vector<1x30x60x64xf32>
    %reshape3A_22 = vector.shape_cast %squeeze3A : vector<1x30x60x64xf32> to vector<1800x64xf32>
    %get3A_23 = arith.constant 0 : index
    %get3A_24 = arith.constant 0 : index
    %get3A_25 = arith.constant 0 : index
    %get3A_26 = vector.load %arg2[%get3A_23, %get3A_24, %get3A_25] : memref<9x64x128xf32, #tpu.memory_space<vmem>>, vector<1x64x128xf32>
    %get3A_27 = vector.shape_cast %get3A_26 : vector<1x64x128xf32> to vector<64x128xf32>
    %dot_general3A = arith.constant dense<0.000000e+00> : vector<1800x128xf32>
    %dot_general3A_28 = tpu.matmul %reshape3A_22, %get3A_27, %dot_general3A {dimension_numbers = #tpu.dot_dimension_numbers<[1], [0], [0], [1], [0, 0, 1, 1], [], []>, transpose_lhs_hint = false} : vector<1800x64xf32>, vector<64x128xf32>, vector<1800x128xf32> -> vector<1800x128xf32>
    %add3A = arith.addf %broadcast_in_dim3A_20, %dot_general3A_28 : vector<1800x128xf32>
    %slice3A_29 = vector.extract_strided_slice %get3A_18 {offsets = [0, 0, 1, 0], sizes = [1, 60, 60, 64], strides = [1, 1, 1, 1]} : vector<1x62x62x64xf32> to vector<1x60x60x64xf32>
    %reshape3A_30 = vector.shape_cast %slice3A_29 : vector<1x60x60x64xf32> to vector<1x30x2x60x64xf32>
    %slice3A_31 = vector.extract_strided_slice %reshape3A_30 {offsets = [0, 0, 0, 0, 0], sizes = [1, 30, 1, 60, 64], strides = [1, 1, 1, 1, 1]} : vector<1x30x2x60x64xf32> to vector<1x30x1x60x64xf32>
    %squeeze3A_32 = vector.shape_cast %slice3A_31 : vector<1x30x1x60x64xf32> to vector<1x30x60x64xf32>
    %reshape3A_33 = vector.shape_cast %squeeze3A_32 : vector<1x30x60x64xf32> to vector<1800x64xf32>
    %get3A_34 = arith.constant 1 : index
    %get3A_35 = arith.constant 0 : index
    %get3A_36 = arith.constant 0 : index
    %get3A_37 = vector.load %arg2[%get3A_34, %get3A_35, %get3A_36] : memref<9x64x128xf32, #tpu.memory_space<vmem>>, vector<1x64x128xf32>
    %get3A_38 = vector.shape_cast %get3A_37 : vector<1x64x128xf32> to vector<64x128xf32>
    %dot_general3A_39 = arith.constant dense<0.000000e+00> : vector<1800x128xf32>
    %dot_general3A_40 = tpu.matmul %reshape3A_33, %get3A_38, %dot_general3A_39 {dimension_numbers = #tpu.dot_dimension_numbers<[1], [0], [0], [1], [0, 0, 1, 1], [], []>, transpose_lhs_hint = false} : vector<1800x64xf32>, vector<64x128xf32>, vector<1800x128xf32> -> vector<1800x128xf32>
    %add3A_41 = arith.addf %add3A, %dot_general3A_40 : vector<1800x128xf32>
    %slice3A_42 = vector.extract_strided_slice %get3A_18 {offsets = [0, 0, 2, 0], sizes = [1, 60, 60, 64], strides = [1, 1, 1, 1]} : vector<1x62x62x64xf32> to vector<1x60x60x64xf32>
    %reshape3A_43 = vector.shape_cast %slice3A_42 : vector<1x60x60x64xf32> to vector<1x30x2x60x64xf32>
    %slice3A_44 = vector.extract_strided_slice %reshape3A_43 {offsets = [0, 0, 0, 0, 0], sizes = [1, 30, 1, 60, 64], strides = [1, 1, 1, 1, 1]} : vector<1x30x2x60x64xf32> to vector<1x30x1x60x64xf32>
    %squeeze3A_45 = vector.shape_cast %slice3A_44 : vector<1x30x1x60x64xf32> to vector<1x30x60x64xf32>
    %reshape3A_46 = vector.shape_cast %squeeze3A_45 : vector<1x30x60x64xf32> to vector<1800x64xf32>
    %get3A_47 = arith.constant 2 : index
    %get3A_48 = arith.constant 0 : index
    %get3A_49 = arith.constant 0 : index
    %get3A_50 = vector.load %arg2[%get3A_47, %get3A_48, %get3A_49] : memref<9x64x128xf32, #tpu.memory_space<vmem>>, vector<1x64x128xf32>
    %get3A_51 = vector.shape_cast %get3A_50 : vector<1x64x128xf32> to vector<64x128xf32>
    %dot_general3A_52 = arith.constant dense<0.000000e+00> : vector<1800x128xf32>
    %dot_general3A_53 = tpu.matmul %reshape3A_46, %get3A_51, %dot_general3A_52 {dimension_numbers = #tpu.dot_dimension_numbers<[1], [0], [0], [1], [0, 0, 1, 1], [], []>, transpose_lhs_hint = false} : vector<1800x64xf32>, vector<64x128xf32>, vector<1800x128xf32> -> vector<1800x128xf32>
    %add3A_54 = arith.addf %add3A_41, %dot_general3A_53 : vector<1800x128xf32>
    %slice3A_55 = vector.extract_strided_slice %get3A_18 {offsets = [0, 1, 0, 0], sizes = [1, 60, 60, 64], strides = [1, 1, 1, 1]} : vector<1x62x62x64xf32> to vector<1x60x60x64xf32>
    %reshape3A_56 = vector.shape_cast %slice3A_55 : vector<1x60x60x64xf32> to vector<1x30x2x60x64xf32>
    %slice3A_57 = vector.extract_strided_slice %reshape3A_56 {offsets = [0, 0, 0, 0, 0], sizes = [1, 30, 1, 60, 64], strides = [1, 1, 1, 1, 1]} : vector<1x30x2x60x64xf32> to vector<1x30x1x60x64xf32>
    %squeeze3A_58 = vector.shape_cast %slice3A_57 : vector<1x30x1x60x64xf32> to vector<1x30x60x64xf32>
    %reshape3A_59 = vector.shape_cast %squeeze3A_58 : vector<1x30x60x64xf32> to vector<1800x64xf32>
    %get3A_60 = arith.constant 3 : index
    %get3A_61 = arith.constant 0 : index
    %get3A_62 = arith.constant 0 : index
    %get3A_63 = vector.load %arg2[%get3A_60, %get3A_61, %get3A_62] : memref<9x64x128xf32, #tpu.memory_space<vmem>>, vector<1x64x128xf32>
    %get3A_64 = vector.shape_cast %get3A_63 : vector<1x64x128xf32> to vector<64x128xf32>
    %dot_general3A_65 = arith.constant dense<0.000000e+00> : vector<1800x128xf32>
    %dot_general3A_66 = tpu.matmul %reshape3A_59, %get3A_64, %dot_general3A_65 {dimension_numbers = #tpu.dot_dimension_numbers<[1], [0], [0], [1], [0, 0, 1, 1], [], []>, transpose_lhs_hint = false} : vector<1800x64xf32>, vector<64x128xf32>, vector<1800x128xf32> -> vector<1800x128xf32>
    %add3A_67 = arith.addf %add3A_54, %dot_general3A_66 : vector<1800x128xf32>
    %slice3A_68 = vector.extract_strided_slice %get3A_18 {offsets = [0, 1, 1, 0], sizes = [1, 60, 60, 64], strides = [1, 1, 1, 1]} : vector<1x62x62x64xf32> to vector<1x60x60x64xf32>
    %reshape3A_69 = vector.shape_cast %slice3A_68 : vector<1x60x60x64xf32> to vector<1x30x2x60x64xf32>
    %slice3A_70 = vector.extract_strided_slice %reshape3A_69 {offsets = [0, 0, 0, 0, 0], sizes = [1, 30, 1, 60, 64], strides = [1, 1, 1, 1, 1]} : vector<1x30x2x60x64xf32> to vector<1x30x1x60x64xf32>
    %squeeze3A_71 = vector.shape_cast %slice3A_70 : vector<1x30x1x60x64xf32> to vector<1x30x60x64xf32>
    %reshape3A_72 = vector.shape_cast %squeeze3A_71 : vector<1x30x60x64xf32> to vector<1800x64xf32>
    %get3A_73 = arith.constant 4 : index
    %get3A_74 = arith.constant 0 : index
    %get3A_75 = arith.constant 0 : index
    %get3A_76 = vector.load %arg2[%get3A_73, %get3A_74, %get3A_75] : memref<9x64x128xf32, #tpu.memory_space<vmem>>, vector<1x64x128xf32>
    %get3A_77 = vector.shape_cast %get3A_76 : vector<1x64x128xf32> to vector<64x128xf32>
    %dot_general3A_78 = arith.constant dense<0.000000e+00> : vector<1800x128xf32>
    %dot_general3A_79 = tpu.matmul %reshape3A_72, %get3A_77, %dot_general3A_78 {dimension_numbers = #tpu.dot_dimension_numbers<[1], [0], [0], [1], [0, 0, 1, 1], [], []>, transpose_lhs_hint = false} : vector<1800x64xf32>, vector<64x128xf32>, vector<1800x128xf32> -> vector<1800x128xf32>
    %add3A_80 = arith.addf %add3A_67, %dot_general3A_79 : vector<1800x128xf32>
    %slice3A_81 = vector.extract_strided_slice %get3A_18 {offsets = [0, 1, 2, 0], sizes = [1, 60, 60, 64], strides = [1, 1, 1, 1]} : vector<1x62x62x64xf32> to vector<1x60x60x64xf32>
    %reshape3A_82 = vector.shape_cast %slice3A_81 : vector<1x60x60x64xf32> to vector<1x30x2x60x64xf32>
    %slice3A_83 = vector.extract_strided_slice %reshape3A_82 {offsets = [0, 0, 0, 0, 0], sizes = [1, 30, 1, 60, 64], strides = [1, 1, 1, 1, 1]} : vector<1x30x2x60x64xf32> to vector<1x30x1x60x64xf32>
    %squeeze3A_84 = vector.shape_cast %slice3A_83 : vector<1x30x1x60x64xf32> to vector<1x30x60x64xf32>
    %reshape3A_85 = vector.shape_cast %squeeze3A_84 : vector<1x30x60x64xf32> to vector<1800x64xf32>
    %get3A_86 = arith.constant 5 : index
    %get3A_87 = arith.constant 0 : index
    %get3A_88 = arith.constant 0 : index
    %get3A_89 = vector.load %arg2[%get3A_86, %get3A_87, %get3A_88] : memref<9x64x128xf32, #tpu.memory_space<vmem>>, vector<1x64x128xf32>
    %get3A_90 = vector.shape_cast %get3A_89 : vector<1x64x128xf32> to vector<64x128xf32>
    %dot_general3A_91 = arith.constant dense<0.000000e+00> : vector<1800x128xf32>
    %dot_general3A_92 = tpu.matmul %reshape3A_85, %get3A_90, %dot_general3A_91 {dimension_numbers = #tpu.dot_dimension_numbers<[1], [0], [0], [1], [0, 0, 1, 1], [], []>, transpose_lhs_hint = false} : vector<1800x64xf32>, vector<64x128xf32>, vector<1800x128xf32> -> vector<1800x128xf32>
    %add3A_93 = arith.addf %add3A_80, %dot_general3A_92 : vector<1800x128xf32>
    %slice3A_94 = vector.extract_strided_slice %get3A_18 {offsets = [0, 2, 0, 0], sizes = [1, 60, 60, 64], strides = [1, 1, 1, 1]} : vector<1x62x62x64xf32> to vector<1x60x60x64xf32>
    %reshape3A_95 = vector.shape_cast %slice3A_94 : vector<1x60x60x64xf32> to vector<1x30x2x60x64xf32>
    %slice3A_96 = vector.extract_strided_slice %reshape3A_95 {offsets = [0, 0, 0, 0, 0], sizes = [1, 30, 1, 60, 64], strides = [1, 1, 1, 1, 1]} : vector<1x30x2x60x64xf32> to vector<1x30x1x60x64xf32>
    %squeeze3A_97 = vector.shape_cast %slice3A_96 : vector<1x30x1x60x64xf32> to vector<1x30x60x64xf32>
    %reshape3A_98 = vector.shape_cast %squeeze3A_97 : vector<1x30x60x64xf32> to vector<1800x64xf32>
    %get3A_99 = arith.constant 6 : index
    %get3A_100 = arith.constant 0 : index
    %get3A_101 = arith.constant 0 : index
    %get3A_102 = vector.load %arg2[%get3A_99, %get3A_100, %get3A_101] : memref<9x64x128xf32, #tpu.memory_space<vmem>>, vector<1x64x128xf32>
    %get3A_103 = vector.shape_cast %get3A_102 : vector<1x64x128xf32> to vector<64x128xf32>
    %dot_general3A_104 = arith.constant dense<0.000000e+00> : vector<1800x128xf32>
    %dot_general3A_105 = tpu.matmul %reshape3A_98, %get3A_103, %dot_general3A_104 {dimension_numbers = #tpu.dot_dimension_numbers<[1], [0], [0], [1], [0, 0, 1, 1], [], []>, transpose_lhs_hint = false} : vector<1800x64xf32>, vector<64x128xf32>, vector<1800x128xf32> -> vector<1800x128xf32>
    %add3A_106 = arith.addf %add3A_93, %dot_general3A_105 : vector<1800x128xf32>
    %slice3A_107 = vector.extract_strided_slice %get3A_18 {offsets = [0, 2, 1, 0], sizes = [1, 60, 60, 64], strides = [1, 1, 1, 1]} : vector<1x62x62x64xf32> to vector<1x60x60x64xf32>
    %reshape3A_108 = vector.shape_cast %slice3A_107 : vector<1x60x60x64xf32> to vector<1x30x2x60x64xf32>
    %slice3A_109 = vector.extract_strided_slice %reshape3A_108 {offsets = [0, 0, 0, 0, 0], sizes = [1, 30, 1, 60, 64], strides = [1, 1, 1, 1, 1]} : vector<1x30x2x60x64xf32> to vector<1x30x1x60x64xf32>
    %squeeze3A_110 = vector.shape_cast %slice3A_109 : vector<1x30x1x60x64xf32> to vector<1x30x60x64xf32>
    %reshape3A_111 = vector.shape_cast %squeeze3A_110 : vector<1x30x60x64xf32> to vector<1800x64xf32>
    %get3A_112 = arith.constant 7 : index
    %get3A_113 = arith.constant 0 : index
    %get3A_114 = arith.constant 0 : index
    %get3A_115 = vector.load %arg2[%get3A_112, %get3A_113, %get3A_114] : memref<9x64x128xf32, #tpu.memory_space<vmem>>, vector<1x64x128xf32>
    %get3A_116 = vector.shape_cast %get3A_115 : vector<1x64x128xf32> to vector<64x128xf32>
    %dot_general3A_117 = arith.constant dense<0.000000e+00> : vector<1800x128xf32>
    %dot_general3A_118 = tpu.matmul %reshape3A_111, %get3A_116, %dot_general3A_117 {dimension_numbers = #tpu.dot_dimension_numbers<[1], [0], [0], [1], [0, 0, 1, 1], [], []>, transpose_lhs_hint = false} : vector<1800x64xf32>, vector<64x128xf32>, vector<1800x128xf32> -> vector<1800x128xf32>
    %add3A_119 = arith.addf %add3A_106, %dot_general3A_118 : vector<1800x128xf32>
    %slice3A_120 = vector.extract_strided_slice %get3A_18 {offsets = [0, 2, 2, 0], sizes = [1, 60, 60, 64], strides = [1, 1, 1, 1]} : vector<1x62x62x64xf32> to vector<1x60x60x64xf32>
    %reshape3A_121 = vector.shape_cast %slice3A_120 : vector<1x60x60x64xf32> to vector<1x30x2x60x64xf32>
    %slice3A_122 = vector.extract_strided_slice %reshape3A_121 {offsets = [0, 0, 0, 0, 0], sizes = [1, 30, 1, 60, 64], strides = [1, 1, 1, 1, 1]} : vector<1x30x2x60x64xf32> to vector<1x30x1x60x64xf32>
    %squeeze3A_123 = vector.shape_cast %slice3A_122 : vector<1x30x1x60x64xf32> to vector<1x30x60x64xf32>
    %reshape3A_124 = vector.shape_cast %squeeze3A_123 : vector<1x30x60x64xf32> to vector<1800x64xf32>
    %get3A_125 = arith.constant 8 : index
    %get3A_126 = arith.constant 0 : index
    %get3A_127 = arith.constant 0 : index
    %get3A_128 = vector.load %arg2[%get3A_125, %get3A_126, %get3A_127] : memref<9x64x128xf32, #tpu.memory_space<vmem>>, vector<1x64x128xf32>
    %get3A_129 = vector.shape_cast %get3A_128 : vector<1x64x128xf32> to vector<64x128xf32>
    %dot_general3A_130 = arith.constant dense<0.000000e+00> : vector<1800x128xf32>
    %dot_general3A_131 = tpu.matmul %reshape3A_124, %get3A_129, %dot_general3A_130 {dimension_numbers = #tpu.dot_dimension_numbers<[1], [0], [0], [1], [0, 0, 1, 1], [], []>, transpose_lhs_hint = false} : vector<1800x64xf32>, vector<64x128xf32>, vector<1800x128xf32> -> vector<1800x128xf32>
    %add3A_132 = arith.addf %add3A_119, %dot_general3A_131 : vector<1800x128xf32>
    %iota3A = tpu.iota {dimensions = array<i32: 0>} : vector<900x1xi32>
    %iota3A_133 = tpu.iota {dimensions = array<i32: 1>} : vector<1x1800xi32>
    %jit3A = arith.constant 30 : i32
    %div3A = vector.broadcast %jit3A : i32 to vector<900x1xi32>
    %div3A_134 = arith.divsi %iota3A, %div3A : vector<900x1xi32>
    %sign3A = arith.constant 0 : i32
    %sign3A_135 = vector.broadcast %sign3A : i32 to vector<900x1xi32>
    %sign3A_136 = arith.cmpi sgt, %iota3A, %sign3A_135 : vector<900x1xi32>
    %sign3A_137 = arith.extui %sign3A_136 : vector<900x1xi1> to vector<900x1xi32>
    %sign3A_138 = arith.constant 0 : i32
    %sign3A_139 = vector.broadcast %sign3A_138 : i32 to vector<900x1xi32>
    %sign3A_140 = arith.cmpi slt, %iota3A, %sign3A_139 : vector<900x1xi32>
    %sign3A_141 = arith.extui %sign3A_140 : vector<900x1xi1> to vector<900x1xi32>
    %sign3A_142 = arith.subi %sign3A_137, %sign3A_141 : vector<900x1xi32>
    %sign3A_143 = arith.constant 0 : i32
    %sign3A_144 = arith.cmpi sgt, %jit3A, %sign3A_143 : i32
    %sign3A_145 = arith.extui %sign3A_144 : i1 to i32
    %sign3A_146 = arith.constant 0 : i32
    %sign3A_147 = arith.cmpi slt, %jit3A, %sign3A_146 : i32
    %sign3A_148 = arith.extui %sign3A_147 : i1 to i32
    %sign3A_149 = arith.subi %sign3A_145, %sign3A_148 : i32
    %ne3A = vector.broadcast %sign3A_149 : i32 to vector<900x1xi32>
    %ne3A_150 = arith.cmpi ne, %sign3A_142, %ne3A : vector<900x1xi32>
    %rem3A = vector.broadcast %jit3A : i32 to vector<900x1xi32>
    %rem3A_151 = arith.remsi %iota3A, %rem3A : vector<900x1xi32>
    %ne3A_152 = arith.constant 0 : i32
    %ne3A_153 = vector.broadcast %ne3A_152 : i32 to vector<900x1xi32>
    %ne3A_154 = arith.cmpi ne, %rem3A_151, %ne3A_153 : vector<900x1xi32>
    %and3A = arith.andi %ne3A_150, %ne3A_154 : vector<900x1xi1>
    %sub3A = arith.constant 1 : i32
    %sub3A_155 = vector.broadcast %sub3A : i32 to vector<900x1xi32>
    %sub3A_156 = arith.subi %div3A_134, %sub3A_155 : vector<900x1xi32>
    %select_n3A = arith.select %and3A, %sub3A_156, %div3A_134 : vector<900x1xi1>, vector<900x1xi32>
    %mul3A = arith.constant 60 : i32
    %mul3A_157 = vector.broadcast %mul3A : i32 to vector<900x1xi32>
    %mul3A_158 = arith.muli %select_n3A, %mul3A_157 : vector<900x1xi32>
    %jit3A_159 = arith.constant 30 : i32
    %eq3A = arith.constant 0 : i32
    %eq3A_160 = arith.cmpi eq, %jit3A_159, %eq3A : i32
    %jit3A_161 = arith.constant 1 : i32
    %select_n3A_162 = arith.select %eq3A_160, %jit3A_161, %jit3A_159 : i32
    %rem3A_163 = vector.broadcast %select_n3A_162 : i32 to vector<900x1xi32>
    %rem3A_164 = arith.remsi %iota3A, %rem3A_163 : vector<900x1xi32>
    %ne3A_165 = arith.constant 0 : i32
    %ne3A_166 = vector.broadcast %ne3A_165 : i32 to vector<900x1xi32>
    %ne3A_167 = arith.cmpi ne, %rem3A_164, %ne3A_166 : vector<900x1xi32>
    %lt3A = arith.constant 0 : i32
    %lt3A_168 = vector.broadcast %lt3A : i32 to vector<900x1xi32>
    %lt3A_169 = arith.cmpi slt, %rem3A_164, %lt3A_168 : vector<900x1xi32>
    %lt3A_170 = arith.constant 0 : i32
    %lt3A_171 = arith.cmpi slt, %select_n3A_162, %lt3A_170 : i32
    %ne3A_172 = vector.broadcast %lt3A_171 : i1 to vector<900x1xi1>
    %ne3A_173 = vector.broadcast %ne3A_172 : vector<900x1xi1> to vector<900x1xi1>
    %ne3A_174 = arith.xori %lt3A_169, %ne3A_173 : vector<900x1xi1>
    %and3A_175 = arith.andi %ne3A_174, %ne3A_167 : vector<900x1xi1>
    %add3A_176 = vector.broadcast %select_n3A_162 : i32 to vector<900x1xi32>
    %add3A_177 = arith.addi %rem3A_164, %add3A_176 : vector<900x1xi32>
    %select_n3A_178 = arith.select %and3A_175, %add3A_177, %rem3A_164 : vector<900x1xi1>, vector<900x1xi32>
    %mul3A_179 = arith.constant 2 : i32
    %mul3A_180 = vector.broadcast %mul3A_179 : i32 to vector<900x1xi32>
    %mul3A_181 = arith.muli %mul3A_180, %select_n3A_178 : vector<900x1xi32>
    %add3A_182 = arith.addi %mul3A_158, %mul3A_181 : vector<900x1xi32>
    %eq3A_183 = vector.broadcast %iota3A_133 : vector<1x1800xi32> to vector<900x1800xi32>
    %eq3A_184 = vector.broadcast %add3A_182 : vector<900x1xi32> to vector<900x1800xi32>
    %eq3A_185 = arith.cmpi eq, %eq3A_183, %eq3A_184 : vector<900x1800xi32>
    %convert_element_type3A = arith.extui %eq3A_185 : vector<900x1800xi1> to vector<900x1800xi32>
    %convert_element_type3A_186 = arith.sitofp %convert_element_type3A : vector<900x1800xi32> to vector<900x1800xf32>
    %dot_general3A_187 = arith.constant dense<0.000000e+00> : vector<900x128xf32>
    %dot_general3A_188 = tpu.matmul %convert_element_type3A_186, %add3A_132, %dot_general3A_187 {dimension_numbers = #tpu.dot_dimension_numbers<[1], [0], [0], [1], [0, 0, 1, 1], [], []>, transpose_lhs_hint = false} : vector<900x1800xf32>, vector<1800x128xf32>, vector<900x128xf32> -> vector<900x128xf32>
    %swap3A_189 = arith.constant 0 : index
    %swap3A_190 = arith.constant 0 : index
    %swap3A_191 = arith.constant 0 : index
    %swap3A_192 = vector.load %arg3[%swap3A_189, %swap3A_190, %swap3A_191] : memref<1x900x128xf32, #tpu.memory_space<vmem>>, vector<1x900x128xf32>
    %swap3A_193 = vector.shape_cast %swap3A_192 : vector<1x900x128xf32> to vector<900x128xf32>
    %swap3A_194 = vector.shape_cast %dot_general3A_188 : vector<900x128xf32> to vector<1x900x128xf32>
    tpu.vector_store %arg3[%swap3A_189, %swap3A_190, %swap3A_191], %swap3A_194 {strides = array<i32>} : memref<1x900x128xf32, #tpu.memory_space<vmem>>, vector<1x900x128xf32>,
    return
  }
  func.func @transform_0(%arg0: i32) -> (i32, i32, i32, i32) {
    %c0_i32 = arith.constant 0 : i32
    %c0_i32_0 = arith.constant 0 : i32
    %c0_i32_1 = arith.constant 0 : i32
    %c0_i32_2 = arith.constant 0 : i32
    return %arg0, %c0_i32, %c0_i32_0, %c0_i32_1 : i32, i32, i32, i32
  }
  func.func @transform_1(%arg0: i32) -> (i32, i32, i32) {
    %c0_i32 = arith.constant 0 : i32
    %c0_i32_0 = arith.constant 0 : i32
    %c0_i32_1 = arith.constant 0 : i32
    %c0_i32_2 = arith.constant 0 : i32
    return %c0_i32, %c0_i32_0, %c0_i32_1 : i32, i32, i32
  }
  func.func @transform_2(%arg0: i32) -> (i32, i32, i32) {
    %c0_i32 = arith.constant 0 : i32
    %c0_i32_0 = arith.constant 0 : i32
    %c0_i32_1 = arith.constant 0 : i32
    return %arg0, %c0_i32, %c0_i32_0 : i32, i32, i32
  }
}

module attributes {stable_mosaic.version = 14 : i64} {
  func.func @_bn_relu_body(%arg0: memref<4x900x128xf32, #tpu.memory_space<vmem>>, %arg1: memref<8x128xf32, #tpu.memory_space<vmem>>, %arg2: memref<4x900x128xf32, #tpu.memory_space<vmem>>) attributes {dimension_semantics = [], scalar_prefetch = 0 : i64, scratch_operands = 0 : i64, tpu.core_type = #tpu.core_type<tc>} {
    %get3A = arith.constant 0 : index
    %get3A_0 = arith.constant 0 : index
    %get3A_1 = vector.load %arg1[%get3A, %get3A_0] : memref<8x128xf32, #tpu.memory_space<vmem>>, vector<8x128xf32>
    %get3A_2 = arith.constant 0 : index
    %get3A_3 = arith.constant 0 : index
    %get3A_4 = arith.constant 0 : index
    %get3A_5 = vector.load %arg0[%get3A_2, %get3A_3, %get3A_4] : memref<4x900x128xf32, #tpu.memory_space<vmem>>, vector<4x900x128xf32>
    %reshape3A = vector.shape_cast %get3A_5 : vector<4x900x128xf32> to vector<3600x128xf32>
    %slice3A = vector.extract_strided_slice %get3A_1 {offsets = [0, 0], sizes = [1, 128], strides = [1, 1]} : vector<8x128xf32> to vector<1x128xf32>
    %add3A = vector.broadcast %slice3A : vector<1x128xf32> to vector<3600x128xf32>
    %add3A_6 = arith.addf %reshape3A, %add3A : vector<3600x128xf32>
    %reduce_sum3A = arith.constant dense<0.000000e+00> : vector<128xf32>
    %reduce_sum3A_7 = vector.multi_reduction <add>, %add3A_6, %reduce_sum3A [0] : vector<3600x128xf32> to vector<128xf32>
    %broadcast_in_dim3A = vector.shape_cast %reduce_sum3A_7 : vector<128xf32> to vector<1x128xf32>
    %div3A = arith.constant 3.600000e+03 : f32
    %div3A_8 = vector.broadcast %div3A : f32 to vector<1x128xf32>
    %div3A_9 = arith.divf %broadcast_in_dim3A, %div3A_8 : vector<1x128xf32>
    %sub3A = vector.broadcast %div3A_9 : vector<1x128xf32> to vector<3600x128xf32>
    %sub3A_10 = arith.subf %add3A_6, %sub3A : vector<3600x128xf32>
    %sub3A_11 = vector.broadcast %div3A_9 : vector<1x128xf32> to vector<3600x128xf32>
    %sub3A_12 = arith.subf %add3A_6, %sub3A_11 : vector<3600x128xf32>
    %mul3A = arith.mulf %sub3A_10, %sub3A_12 : vector<3600x128xf32>
    %reduce_sum3A_13 = arith.constant dense<0.000000e+00> : vector<128xf32>
    %reduce_sum3A_14 = vector.multi_reduction <add>, %mul3A, %reduce_sum3A_13 [0] : vector<3600x128xf32> to vector<128xf32>
    %broadcast_in_dim3A_15 = vector.shape_cast %reduce_sum3A_14 : vector<128xf32> to vector<1x128xf32>
    %div3A_16 = arith.constant 3.600000e+03 : f32
    %div3A_17 = vector.broadcast %div3A_16 : f32 to vector<1x128xf32>
    %div3A_18 = arith.divf %broadcast_in_dim3A_15, %div3A_17 : vector<1x128xf32>
    %sub3A_19 = vector.broadcast %div3A_9 : vector<1x128xf32> to vector<3600x128xf32>
    %sub3A_20 = arith.subf %add3A_6, %sub3A_19 : vector<3600x128xf32>
    %add3A_21 = arith.constant 9.99999974E-6 : f32
    %add3A_22 = vector.broadcast %add3A_21 : f32 to vector<1x128xf32>
    %add3A_23 = arith.addf %div3A_18, %add3A_22 : vector<1x128xf32>
    %rsqrt3A = math.rsqrt %add3A_23 : vector<1x128xf32>
    %mul3A_24 = vector.broadcast %rsqrt3A : vector<1x128xf32> to vector<3600x128xf32>
    %mul3A_25 = arith.mulf %sub3A_20, %mul3A_24 : vector<3600x128xf32>
    %slice3A_26 = vector.extract_strided_slice %get3A_1 {offsets = [1, 0], sizes = [1, 128], strides = [1, 1]} : vector<8x128xf32> to vector<1x128xf32>
    %mul3A_27 = vector.broadcast %slice3A_26 : vector<1x128xf32> to vector<3600x128xf32>
    %mul3A_28 = arith.mulf %mul3A_25, %mul3A_27 : vector<3600x128xf32>
    %slice3A_29 = vector.extract_strided_slice %get3A_1 {offsets = [2, 0], sizes = [1, 128], strides = [1, 1]} : vector<8x128xf32> to vector<1x128xf32>
    %add3A_30 = vector.broadcast %slice3A_29 : vector<1x128xf32> to vector<3600x128xf32>
    %add3A_31 = arith.addf %mul3A_28, %add3A_30 : vector<3600x128xf32>
    %max3A = arith.constant 0.000000e+00 : f32
    %max3A_32 = vector.broadcast %max3A : f32 to vector<3600x128xf32>
    %max3A_33 = arith.maximumf %add3A_31, %max3A_32 : vector<3600x128xf32>
    %reshape3A_34 = vector.shape_cast %max3A_33 : vector<3600x128xf32> to vector<4x900x128xf32>
    %swap3A = arith.constant 0 : index
    %swap3A_35 = arith.constant 0 : index
    %swap3A_36 = arith.constant 0 : index
    %swap3A_37 = vector.load %arg2[%swap3A, %swap3A_35, %swap3A_36] : memref<4x900x128xf32, #tpu.memory_space<vmem>>, vector<4x900x128xf32>
    tpu.vector_store %arg2[%swap3A, %swap3A_35, %swap3A_36], %reshape3A_34 {strides = array<i32>} : memref<4x900x128xf32, #tpu.memory_space<vmem>>, vector<4x900x128xf32>,
    return
  }
}

module attributes {stable_mosaic.version = 14 : i64} {
  func.func @_stage_e2_body(%arg0: memref<4x30x30x128xf32, #tpu.memory_space<vmem>>, %arg1: memref<9x128x256xf32, #tpu.memory_space<vmem>>, %arg2: memref<9x256x256xf32, #tpu.memory_space<vmem>>, %arg3: memref<8x256xf32, #tpu.memory_space<vmem>>, %arg4: memref<8x256xf32, #tpu.memory_space<vmem>>, %arg5: memref<256x256xf32, #tpu.memory_space<vmem>>, %arg6: memref<8x256xf32, #tpu.memory_space<vmem>>, %arg7: memref<4x256xf32, #tpu.memory_space<vmem>>, %arg8: memref<4x32x32x128xf32, #tpu.memory_space<vmem>>, %arg9: memref<4x18x18x256xf32, #tpu.memory_space<vmem>>) attributes {dimension_semantics = [], scalar_prefetch = 0 : i64, scratch_operands = 2 : i64, tpu.core_type = #tpu.core_type<tc>} {
    %get3A = arith.constant 0 : index
    %get3A_0 = arith.constant 0 : index
    %get3A_1 = arith.constant 0 : index
    %get3A_2 = arith.constant 0 : index
    %get3A_3 = vector.load %arg0[%get3A, %get3A_0, %get3A_1, %get3A_2] : memref<4x30x30x128xf32, #tpu.memory_space<vmem>>, vector<4x30x30x128xf32>
    %broadcast_in_dim3A = arith.constant 0.000000e+00 : f32
    %broadcast_in_dim3A_4 = vector.broadcast %broadcast_in_dim3A : f32 to vector<4x32x32x128xf32>
    %swap3A = arith.constant 0 : index
    %swap3A_5 = arith.constant 0 : index
    %swap3A_6 = arith.constant 0 : index
    %swap3A_7 = arith.constant 0 : index
    %swap3A_8 = vector.load %arg8[%swap3A, %swap3A_5, %swap3A_6, %swap3A_7] : memref<4x32x32x128xf32, #tpu.memory_space<vmem>>, vector<4x32x32x128xf32>
    tpu.vector_store %arg8[%swap3A, %swap3A_5, %swap3A_6, %swap3A_7], %broadcast_in_dim3A_4 {strides = array<i32>} : memref<4x32x32x128xf32, #tpu.memory_space<vmem>>, vector<4x32x32x128xf32>,
    %swap3A_9 = arith.constant 0 : index
    %swap3A_10 = arith.constant 1 : index
    %swap3A_11 = arith.constant 1 : index
    %swap3A_12 = arith.constant 0 : index
    %swap3A_13 = vector.load %arg8[%swap3A_9, %swap3A_10, %swap3A_11, %swap3A_12] : memref<4x32x32x128xf32, #tpu.memory_space<vmem>>, vector<4x30x30x128xf32>
    tpu.vector_store %arg8[%swap3A_9, %swap3A_10, %swap3A_11, %swap3A_12], %get3A_3 {strides = array<i32>} : memref<4x32x32x128xf32, #tpu.memory_space<vmem>>, vector<4x30x30x128xf32>,
    %get3A_14 = arith.constant 0 : index
    %get3A_15 = arith.constant 0 : index
    %get3A_16 = arith.constant 0 : index
    %get3A_17 = arith.constant 0 : index
    %get3A_18 = vector.load %arg8[%get3A_14, %get3A_15, %get3A_16, %get3A_17] : memref<4x32x32x128xf32, #tpu.memory_space<vmem>>, vector<4x32x32x128xf32>
    %get3A_19 = arith.constant 0 : index
    %get3A_20 = arith.constant 0 : index
    %get3A_21 = vector.load %arg3[%get3A_19, %get3A_20] : memref<8x256xf32, #tpu.memory_space<vmem>>, vector<8x256xf32>
    %broadcast_in_dim3A_22 = arith.constant 0.000000e+00 : f32
    %broadcast_in_dim3A_23 = vector.broadcast %broadcast_in_dim3A_22 : f32 to vector<1800x256xf32>
    %slice3A = vector.extract_strided_slice %get3A_18 {offsets = [0, 0, 0, 0], sizes = [4, 30, 30, 128], strides = [1, 1, 1, 1]} : vector<4x32x32x128xf32> to vector<4x30x30x128xf32>
    %reshape3A = vector.shape_cast %slice3A : vector<4x30x30x128xf32> to vector<4x15x2x30x128xf32>
    %slice3A_24 = vector.extract_strided_slice %reshape3A {offsets = [0, 0, 0, 0, 0], sizes = [4, 15, 1, 30, 128], strides = [1, 1, 1, 1, 1]} : vector<4x15x2x30x128xf32> to vector<4x15x1x30x128xf32>
    %squeeze3A = vector.shape_cast %slice3A_24 : vector<4x15x1x30x128xf32> to vector<4x15x30x128xf32>
    %reshape3A_25 = vector.shape_cast %squeeze3A : vector<4x15x30x128xf32> to vector<1800x128xf32>
    %get3A_26 = arith.constant 0 : index
    %get3A_27 = arith.constant 0 : index
    %get3A_28 = arith.constant 0 : index
    %get3A_29 = vector.load %arg1[%get3A_26, %get3A_27, %get3A_28] : memref<9x128x256xf32, #tpu.memory_space<vmem>>, vector<1x128x256xf32>
    %get3A_30 = vector.shape_cast %get3A_29 : vector<1x128x256xf32> to vector<128x256xf32>
    %dot_general3A = arith.constant dense<0.000000e+00> : vector<1800x256xf32>
    %dot_general3A_31 = tpu.matmul %reshape3A_25, %get3A_30, %dot_general3A {dimension_numbers = #tpu.dot_dimension_numbers<[1], [0], [0], [1], [0, 0, 1, 1], [], []>, transpose_lhs_hint = false} : vector<1800x128xf32>, vector<128x256xf32>, vector<1800x256xf32> -> vector<1800x256xf32>
    %add3A = arith.addf %broadcast_in_dim3A_23, %dot_general3A_31 : vector<1800x256xf32>
    %slice3A_32 = vector.extract_strided_slice %get3A_18 {offsets = [0, 0, 1, 0], sizes = [4, 30, 30, 128], strides = [1, 1, 1, 1]} : vector<4x32x32x128xf32> to vector<4x30x30x128xf32>
    %reshape3A_33 = vector.shape_cast %slice3A_32 : vector<4x30x30x128xf32> to vector<4x15x2x30x128xf32>
    %slice3A_34 = vector.extract_strided_slice %reshape3A_33 {offsets = [0, 0, 0, 0, 0], sizes = [4, 15, 1, 30, 128], strides = [1, 1, 1, 1, 1]} : vector<4x15x2x30x128xf32> to vector<4x15x1x30x128xf32>
    %squeeze3A_35 = vector.shape_cast %slice3A_34 : vector<4x15x1x30x128xf32> to vector<4x15x30x128xf32>
    %reshape3A_36 = vector.shape_cast %squeeze3A_35 : vector<4x15x30x128xf32> to vector<1800x128xf32>
    %get3A_37 = arith.constant 1 : index
    %get3A_38 = arith.constant 0 : index
    %get3A_39 = arith.constant 0 : index
    %get3A_40 = vector.load %arg1[%get3A_37, %get3A_38, %get3A_39] : memref<9x128x256xf32, #tpu.memory_space<vmem>>, vector<1x128x256xf32>
    %get3A_41 = vector.shape_cast %get3A_40 : vector<1x128x256xf32> to vector<128x256xf32>
    %dot_general3A_42 = arith.constant dense<0.000000e+00> : vector<1800x256xf32>
    %dot_general3A_43 = tpu.matmul %reshape3A_36, %get3A_41, %dot_general3A_42 {dimension_numbers = #tpu.dot_dimension_numbers<[1], [0], [0], [1], [0, 0, 1, 1], [], []>, transpose_lhs_hint = false} : vector<1800x128xf32>, vector<128x256xf32>, vector<1800x256xf32> -> vector<1800x256xf32>
    %add3A_44 = arith.addf %add3A, %dot_general3A_43 : vector<1800x256xf32>
    %slice3A_45 = vector.extract_strided_slice %get3A_18 {offsets = [0, 0, 2, 0], sizes = [4, 30, 30, 128], strides = [1, 1, 1, 1]} : vector<4x32x32x128xf32> to vector<4x30x30x128xf32>
    %reshape3A_46 = vector.shape_cast %slice3A_45 : vector<4x30x30x128xf32> to vector<4x15x2x30x128xf32>
    %slice3A_47 = vector.extract_strided_slice %reshape3A_46 {offsets = [0, 0, 0, 0, 0], sizes = [4, 15, 1, 30, 128], strides = [1, 1, 1, 1, 1]} : vector<4x15x2x30x128xf32> to vector<4x15x1x30x128xf32>
    %squeeze3A_48 = vector.shape_cast %slice3A_47 : vector<4x15x1x30x128xf32> to vector<4x15x30x128xf32>
    %reshape3A_49 = vector.shape_cast %squeeze3A_48 : vector<4x15x30x128xf32> to vector<1800x128xf32>
    %get3A_50 = arith.constant 2 : index
    %get3A_51 = arith.constant 0 : index
    %get3A_52 = arith.constant 0 : index
    %get3A_53 = vector.load %arg1[%get3A_50, %get3A_51, %get3A_52] : memref<9x128x256xf32, #tpu.memory_space<vmem>>, vector<1x128x256xf32>
    %get3A_54 = vector.shape_cast %get3A_53 : vector<1x128x256xf32> to vector<128x256xf32>
    %dot_general3A_55 = arith.constant dense<0.000000e+00> : vector<1800x256xf32>
    %dot_general3A_56 = tpu.matmul %reshape3A_49, %get3A_54, %dot_general3A_55 {dimension_numbers = #tpu.dot_dimension_numbers<[1], [0], [0], [1], [0, 0, 1, 1], [], []>, transpose_lhs_hint = false} : vector<1800x128xf32>, vector<128x256xf32>, vector<1800x256xf32> -> vector<1800x256xf32>
    %add3A_57 = arith.addf %add3A_44, %dot_general3A_56 : vector<1800x256xf32>
    %slice3A_58 = vector.extract_strided_slice %get3A_18 {offsets = [0, 1, 0, 0], sizes = [4, 30, 30, 128], strides = [1, 1, 1, 1]} : vector<4x32x32x128xf32> to vector<4x30x30x128xf32>
    %reshape3A_59 = vector.shape_cast %slice3A_58 : vector<4x30x30x128xf32> to vector<4x15x2x30x128xf32>
    %slice3A_60 = vector.extract_strided_slice %reshape3A_59 {offsets = [0, 0, 0, 0, 0], sizes = [4, 15, 1, 30, 128], strides = [1, 1, 1, 1, 1]} : vector<4x15x2x30x128xf32> to vector<4x15x1x30x128xf32>
    %squeeze3A_61 = vector.shape_cast %slice3A_60 : vector<4x15x1x30x128xf32> to vector<4x15x30x128xf32>
    %reshape3A_62 = vector.shape_cast %squeeze3A_61 : vector<4x15x30x128xf32> to vector<1800x128xf32>
    %get3A_63 = arith.constant 3 : index
    %get3A_64 = arith.constant 0 : index
    %get3A_65 = arith.constant 0 : index
    %get3A_66 = vector.load %arg1[%get3A_63, %get3A_64, %get3A_65] : memref<9x128x256xf32, #tpu.memory_space<vmem>>, vector<1x128x256xf32>
    %get3A_67 = vector.shape_cast %get3A_66 : vector<1x128x256xf32> to vector<128x256xf32>
    %dot_general3A_68 = arith.constant dense<0.000000e+00> : vector<1800x256xf32>
    %dot_general3A_69 = tpu.matmul %reshape3A_62, %get3A_67, %dot_general3A_68 {dimension_numbers = #tpu.dot_dimension_numbers<[1], [0], [0], [1], [0, 0, 1, 1], [], []>, transpose_lhs_hint = false} : vector<1800x128xf32>, vector<128x256xf32>, vector<1800x256xf32> -> vector<1800x256xf32>
    %add3A_70 = arith.addf %add3A_57, %dot_general3A_69 : vector<1800x256xf32>
    %slice3A_71 = vector.extract_strided_slice %get3A_18 {offsets = [0, 1, 1, 0], sizes = [4, 30, 30, 128], strides = [1, 1, 1, 1]} : vector<4x32x32x128xf32> to vector<4x30x30x128xf32>
    %reshape3A_72 = vector.shape_cast %slice3A_71 : vector<4x30x30x128xf32> to vector<4x15x2x30x128xf32>
    %slice3A_73 = vector.extract_strided_slice %reshape3A_72 {offsets = [0, 0, 0, 0, 0], sizes = [4, 15, 1, 30, 128], strides = [1, 1, 1, 1, 1]} : vector<4x15x2x30x128xf32> to vector<4x15x1x30x128xf32>
    %squeeze3A_74 = vector.shape_cast %slice3A_73 : vector<4x15x1x30x128xf32> to vector<4x15x30x128xf32>
    %reshape3A_75 = vector.shape_cast %squeeze3A_74 : vector<4x15x30x128xf32> to vector<1800x128xf32>
    %get3A_76 = arith.constant 4 : index
    %get3A_77 = arith.constant 0 : index
    %get3A_78 = arith.constant 0 : index
    %get3A_79 = vector.load %arg1[%get3A_76, %get3A_77, %get3A_78] : memref<9x128x256xf32, #tpu.memory_space<vmem>>, vector<1x128x256xf32>
    %get3A_80 = vector.shape_cast %get3A_79 : vector<1x128x256xf32> to vector<128x256xf32>
    %dot_general3A_81 = arith.constant dense<0.000000e+00> : vector<1800x256xf32>
    %dot_general3A_82 = tpu.matmul %reshape3A_75, %get3A_80, %dot_general3A_81 {dimension_numbers = #tpu.dot_dimension_numbers<[1], [0], [0], [1], [0, 0, 1, 1], [], []>, transpose_lhs_hint = false} : vector<1800x128xf32>, vector<128x256xf32>, vector<1800x256xf32> -> vector<1800x256xf32>
    %add3A_83 = arith.addf %add3A_70, %dot_general3A_82 : vector<1800x256xf32>
    %slice3A_84 = vector.extract_strided_slice %get3A_18 {offsets = [0, 1, 2, 0], sizes = [4, 30, 30, 128], strides = [1, 1, 1, 1]} : vector<4x32x32x128xf32> to vector<4x30x30x128xf32>
    %reshape3A_85 = vector.shape_cast %slice3A_84 : vector<4x30x30x128xf32> to vector<4x15x2x30x128xf32>
    %slice3A_86 = vector.extract_strided_slice %reshape3A_85 {offsets = [0, 0, 0, 0, 0], sizes = [4, 15, 1, 30, 128], strides = [1, 1, 1, 1, 1]} : vector<4x15x2x30x128xf32> to vector<4x15x1x30x128xf32>
    %squeeze3A_87 = vector.shape_cast %slice3A_86 : vector<4x15x1x30x128xf32> to vector<4x15x30x128xf32>
    %reshape3A_88 = vector.shape_cast %squeeze3A_87 : vector<4x15x30x128xf32> to vector<1800x128xf32>
    %get3A_89 = arith.constant 5 : index
    %get3A_90 = arith.constant 0 : index
    %get3A_91 = arith.constant 0 : index
    %get3A_92 = vector.load %arg1[%get3A_89, %get3A_90, %get3A_91] : memref<9x128x256xf32, #tpu.memory_space<vmem>>, vector<1x128x256xf32>
    %get3A_93 = vector.shape_cast %get3A_92 : vector<1x128x256xf32> to vector<128x256xf32>
    %dot_general3A_94 = arith.constant dense<0.000000e+00> : vector<1800x256xf32>
    %dot_general3A_95 = tpu.matmul %reshape3A_88, %get3A_93, %dot_general3A_94 {dimension_numbers = #tpu.dot_dimension_numbers<[1], [0], [0], [1], [0, 0, 1, 1], [], []>, transpose_lhs_hint = false} : vector<1800x128xf32>, vector<128x256xf32>, vector<1800x256xf32> -> vector<1800x256xf32>
    %add3A_96 = arith.addf %add3A_83, %dot_general3A_95 : vector<1800x256xf32>
    %slice3A_97 = vector.extract_strided_slice %get3A_18 {offsets = [0, 2, 0, 0], sizes = [4, 30, 30, 128], strides = [1, 1, 1, 1]} : vector<4x32x32x128xf32> to vector<4x30x30x128xf32>
    %reshape3A_98 = vector.shape_cast %slice3A_97 : vector<4x30x30x128xf32> to vector<4x15x2x30x128xf32>
    %slice3A_99 = vector.extract_strided_slice %reshape3A_98 {offsets = [0, 0, 0, 0, 0], sizes = [4, 15, 1, 30, 128], strides = [1, 1, 1, 1, 1]} : vector<4x15x2x30x128xf32> to vector<4x15x1x30x128xf32>
    %squeeze3A_100 = vector.shape_cast %slice3A_99 : vector<4x15x1x30x128xf32> to vector<4x15x30x128xf32>
    %reshape3A_101 = vector.shape_cast %squeeze3A_100 : vector<4x15x30x128xf32> to vector<1800x128xf32>
    %get3A_102 = arith.constant 6 : index
    %get3A_103 = arith.constant 0 : index
    %get3A_104 = arith.constant 0 : index
    %get3A_105 = vector.load %arg1[%get3A_102, %get3A_103, %get3A_104] : memref<9x128x256xf32, #tpu.memory_space<vmem>>, vector<1x128x256xf32>
    %get3A_106 = vector.shape_cast %get3A_105 : vector<1x128x256xf32> to vector<128x256xf32>
    %dot_general3A_107 = arith.constant dense<0.000000e+00> : vector<1800x256xf32>
    %dot_general3A_108 = tpu.matmul %reshape3A_101, %get3A_106, %dot_general3A_107 {dimension_numbers = #tpu.dot_dimension_numbers<[1], [0], [0], [1], [0, 0, 1, 1], [], []>, transpose_lhs_hint = false} : vector<1800x128xf32>, vector<128x256xf32>, vector<1800x256xf32> -> vector<1800x256xf32>
    %add3A_109 = arith.addf %add3A_96, %dot_general3A_108 : vector<1800x256xf32>
    %slice3A_110 = vector.extract_strided_slice %get3A_18 {offsets = [0, 2, 1, 0], sizes = [4, 30, 30, 128], strides = [1, 1, 1, 1]} : vector<4x32x32x128xf32> to vector<4x30x30x128xf32>
    %reshape3A_111 = vector.shape_cast %slice3A_110 : vector<4x30x30x128xf32> to vector<4x15x2x30x128xf32>
    %slice3A_112 = vector.extract_strided_slice %reshape3A_111 {offsets = [0, 0, 0, 0, 0], sizes = [4, 15, 1, 30, 128], strides = [1, 1, 1, 1, 1]} : vector<4x15x2x30x128xf32> to vector<4x15x1x30x128xf32>
    %squeeze3A_113 = vector.shape_cast %slice3A_112 : vector<4x15x1x30x128xf32> to vector<4x15x30x128xf32>
    %reshape3A_114 = vector.shape_cast %squeeze3A_113 : vector<4x15x30x128xf32> to vector<1800x128xf32>
    %get3A_115 = arith.constant 7 : index
    %get3A_116 = arith.constant 0 : index
    %get3A_117 = arith.constant 0 : index
    %get3A_118 = vector.load %arg1[%get3A_115, %get3A_116, %get3A_117] : memref<9x128x256xf32, #tpu.memory_space<vmem>>, vector<1x128x256xf32>
    %get3A_119 = vector.shape_cast %get3A_118 : vector<1x128x256xf32> to vector<128x256xf32>
    %dot_general3A_120 = arith.constant dense<0.000000e+00> : vector<1800x256xf32>
    %dot_general3A_121 = tpu.matmul %reshape3A_114, %get3A_119, %dot_general3A_120 {dimension_numbers = #tpu.dot_dimension_numbers<[1], [0], [0], [1], [0, 0, 1, 1], [], []>, transpose_lhs_hint = false} : vector<1800x128xf32>, vector<128x256xf32>, vector<1800x256xf32> -> vector<1800x256xf32>
    %add3A_122 = arith.addf %add3A_109, %dot_general3A_121 : vector<1800x256xf32>
    %slice3A_123 = vector.extract_strided_slice %get3A_18 {offsets = [0, 2, 2, 0], sizes = [4, 30, 30, 128], strides = [1, 1, 1, 1]} : vector<4x32x32x128xf32> to vector<4x30x30x128xf32>
    %reshape3A_124 = vector.shape_cast %slice3A_123 : vector<4x30x30x128xf32> to vector<4x15x2x30x128xf32>
    %slice3A_125 = vector.extract_strided_slice %reshape3A_124 {offsets = [0, 0, 0, 0, 0], sizes = [4, 15, 1, 30, 128], strides = [1, 1, 1, 1, 1]} : vector<4x15x2x30x128xf32> to vector<4x15x1x30x128xf32>
    %squeeze3A_126 = vector.shape_cast %slice3A_125 : vector<4x15x1x30x128xf32> to vector<4x15x30x128xf32>
    %reshape3A_127 = vector.shape_cast %squeeze3A_126 : vector<4x15x30x128xf32> to vector<1800x128xf32>
    %get3A_128 = arith.constant 8 : index
    %get3A_129 = arith.constant 0 : index
    %get3A_130 = arith.constant 0 : index
    %get3A_131 = vector.load %arg1[%get3A_128, %get3A_129, %get3A_130] : memref<9x128x256xf32, #tpu.memory_space<vmem>>, vector<1x128x256xf32>
    %get3A_132 = vector.shape_cast %get3A_131 : vector<1x128x256xf32> to vector<128x256xf32>
    %dot_general3A_133 = arith.constant dense<0.000000e+00> : vector<1800x256xf32>
    %dot_general3A_134 = tpu.matmul %reshape3A_127, %get3A_132, %dot_general3A_133 {dimension_numbers = #tpu.dot_dimension_numbers<[1], [0], [0], [1], [0, 0, 1, 1], [], []>, transpose_lhs_hint = false} : vector<1800x128xf32>, vector<128x256xf32>, vector<1800x256xf32> -> vector<1800x256xf32>
    %add3A_135 = arith.addf %add3A_122, %dot_general3A_134 : vector<1800x256xf32>
    %iota3A = tpu.iota {dimensions = array<i32: 0>} : vector<225x1xi32>
    %iota3A_136 = tpu.iota {dimensions = array<i32: 1>} : vector<1x450xi32>
    %jit3A = arith.constant 15 : i32
    %div3A = vector.broadcast %jit3A : i32 to vector<225x1xi32>
    %div3A_137 = arith.divsi %iota3A, %div3A : vector<225x1xi32>
    %sign3A = arith.constant 0 : i32
    %sign3A_138 = vector.broadcast %sign3A : i32 to vector<225x1xi32>
    %sign3A_139 = arith.cmpi sgt, %iota3A, %sign3A_138 : vector<225x1xi32>
    %sign3A_140 = arith.extui %sign3A_139 : vector<225x1xi1> to vector<225x1xi32>
    %sign3A_141 = arith.constant 0 : i32
    %sign3A_142 = vector.broadcast %sign3A_141 : i32 to vector<225x1xi32>
    %sign3A_143 = arith.cmpi slt, %iota3A, %sign3A_142 : vector<225x1xi32>
    %sign3A_144 = arith.extui %sign3A_143 : vector<225x1xi1> to vector<225x1xi32>
    %sign3A_145 = arith.subi %sign3A_140, %sign3A_144 : vector<225x1xi32>
    %sign3A_146 = arith.constant 0 : i32
    %sign3A_147 = arith.cmpi sgt, %jit3A, %sign3A_146 : i32
    %sign3A_148 = arith.extui %sign3A_147 : i1 to i32
    %sign3A_149 = arith.constant 0 : i32
    %sign3A_150 = arith.cmpi slt, %jit3A, %sign3A_149 : i32
    %sign3A_151 = arith.extui %sign3A_150 : i1 to i32
    %sign3A_152 = arith.subi %sign3A_148, %sign3A_151 : i32
    %ne3A = vector.broadcast %sign3A_152 : i32 to vector<225x1xi32>
    %ne3A_153 = arith.cmpi ne, %sign3A_145, %ne3A : vector<225x1xi32>
    %rem3A = vector.broadcast %jit3A : i32 to vector<225x1xi32>
    %rem3A_154 = arith.remsi %iota3A, %rem3A : vector<225x1xi32>
    %ne3A_155 = arith.constant 0 : i32
    %ne3A_156 = vector.broadcast %ne3A_155 : i32 to vector<225x1xi32>
    %ne3A_157 = arith.cmpi ne, %rem3A_154, %ne3A_156 : vector<225x1xi32>
    %and3A = arith.andi %ne3A_153, %ne3A_157 : vector<225x1xi1>
    %sub3A = arith.constant 1 : i32
    %sub3A_158 = vector.broadcast %sub3A : i32 to vector<225x1xi32>
    %sub3A_159 = arith.subi %div3A_137, %sub3A_158 : vector<225x1xi32>
    %select_n3A = arith.select %and3A, %sub3A_159, %div3A_137 : vector<225x1xi1>, vector<225x1xi32>
    %mul3A = arith.constant 30 : i32
    %mul3A_160 = vector.broadcast %mul3A : i32 to vector<225x1xi32>
    %mul3A_161 = arith.muli %select_n3A, %mul3A_160 : vector<225x1xi32>
    %jit3A_162 = arith.constant 15 : i32
    %eq3A = arith.constant 0 : i32
    %eq3A_163 = arith.cmpi eq, %jit3A_162, %eq3A : i32
    %jit3A_164 = arith.constant 1 : i32
    %select_n3A_165 = arith.select %eq3A_163, %jit3A_164, %jit3A_162 : i32
    %rem3A_166 = vector.broadcast %select_n3A_165 : i32 to vector<225x1xi32>
    %rem3A_167 = arith.remsi %iota3A, %rem3A_166 : vector<225x1xi32>
    %ne3A_168 = arith.constant 0 : i32
    %ne3A_169 = vector.broadcast %ne3A_168 : i32 to vector<225x1xi32>
    %ne3A_170 = arith.cmpi ne, %rem3A_167, %ne3A_169 : vector<225x1xi32>
    %lt3A = arith.constant 0 : i32
    %lt3A_171 = vector.broadcast %lt3A : i32 to vector<225x1xi32>
    %lt3A_172 = arith.cmpi slt, %rem3A_167, %lt3A_171 : vector<225x1xi32>
    %lt3A_173 = arith.constant 0 : i32
    %lt3A_174 = arith.cmpi slt, %select_n3A_165, %lt3A_173 : i32
    %ne3A_175 = vector.broadcast %lt3A_174 : i1 to vector<225x1xi1>
    %ne3A_176 = vector.broadcast %ne3A_175 : vector<225x1xi1> to vector<225x1xi1>
    %ne3A_177 = arith.xori %lt3A_172, %ne3A_176 : vector<225x1xi1>
    %and3A_178 = arith.andi %ne3A_177, %ne3A_170 : vector<225x1xi1>
    %add3A_179 = vector.broadcast %select_n3A_165 : i32 to vector<225x1xi32>
    %add3A_180 = arith.addi %rem3A_167, %add3A_179 : vector<225x1xi32>
    %select_n3A_181 = arith.select %and3A_178, %add3A_180, %rem3A_167 : vector<225x1xi1>, vector<225x1xi32>
    %mul3A_182 = arith.constant 2 : i32
    %mul3A_183 = vector.broadcast %mul3A_182 : i32 to vector<225x1xi32>
    %mul3A_184 = arith.muli %mul3A_183, %select_n3A_181 : vector<225x1xi32>
    %add3A_185 = arith.addi %mul3A_161, %mul3A_184 : vector<225x1xi32>
    %eq3A_186 = vector.broadcast %iota3A_136 : vector<1x450xi32> to vector<225x450xi32>
    %eq3A_187 = vector.broadcast %add3A_185 : vector<225x1xi32> to vector<225x450xi32>
    %eq3A_188 = arith.cmpi eq, %eq3A_186, %eq3A_187 : vector<225x450xi32>
    %convert_element_type3A = arith.extui %eq3A_188 : vector<225x450xi1> to vector<225x450xi32>
    %convert_element_type3A_189 = arith.sitofp %convert_element_type3A : vector<225x450xi32> to vector<225x450xf32>
    %reshape3A_190 = vector.shape_cast %add3A_135 : vector<1800x256xf32> to vector<4x450x256xf32>
    %slice3A_191 = vector.extract_strided_slice %reshape3A_190 {offsets = [0, 0, 0], sizes = [1, 450, 256], strides = [1, 1, 1]} : vector<4x450x256xf32> to vector<1x450x256xf32>
    %squeeze3A_192 = vector.shape_cast %slice3A_191 : vector<1x450x256xf32> to vector<450x256xf32>
    %dot_general3A_193 = arith.constant dense<0.000000e+00> : vector<225x256xf32>
    %dot_general3A_194 = tpu.matmul %convert_element_type3A_189, %squeeze3A_192, %dot_general3A_193 {dimension_numbers = #tpu.dot_dimension_numbers<[1], [0], [0], [1], [0, 0, 1, 1], [], []>, transpose_lhs_hint = false} : vector<225x450xf32>, vector<450x256xf32>, vector<225x256xf32> -> vector<225x256xf32>
    %reshape3A_195 = vector.shape_cast %dot_general3A_194 : vector<225x256xf32> to vector<1x225x256xf32>
    %slice3A_196 = vector.extract_strided_slice %reshape3A_190 {offsets = [1, 0, 0], sizes = [1, 450, 256], strides = [1, 1, 1]} : vector<4x450x256xf32> to vector<1x450x256xf32>
    %squeeze3A_197 = vector.shape_cast %slice3A_196 : vector<1x450x256xf32> to vector<450x256xf32>
    %dot_general3A_198 = arith.constant dense<0.000000e+00> : vector<225x256xf32>
    %dot_general3A_199 = tpu.matmul %convert_element_type3A_189, %squeeze3A_197, %dot_general3A_198 {dimension_numbers = #tpu.dot_dimension_numbers<[1], [0], [0], [1], [0, 0, 1, 1], [], []>, transpose_lhs_hint = false} : vector<225x450xf32>, vector<450x256xf32>, vector<225x256xf32> -> vector<225x256xf32>
    %reshape3A_200 = vector.shape_cast %dot_general3A_199 : vector<225x256xf32> to vector<1x225x256xf32>
    %slice3A_201 = vector.extract_strided_slice %reshape3A_190 {offsets = [2, 0, 0], sizes = [1, 450, 256], strides = [1, 1, 1]} : vector<4x450x256xf32> to vector<1x450x256xf32>
    %squeeze3A_202 = vector.shape_cast %slice3A_201 : vector<1x450x256xf32> to vector<450x256xf32>
    %dot_general3A_203 = arith.constant dense<0.000000e+00> : vector<225x256xf32>
    %dot_general3A_204 = tpu.matmul %convert_element_type3A_189, %squeeze3A_202, %dot_general3A_203 {dimension_numbers = #tpu.dot_dimension_numbers<[1], [0], [0], [1], [0, 0, 1, 1], [], []>, transpose_lhs_hint = false} : vector<225x450xf32>, vector<450x256xf32>, vector<225x256xf32> -> vector<225x256xf32>
    %reshape3A_205 = vector.shape_cast %dot_general3A_204 : vector<225x256xf32> to vector<1x225x256xf32>
    %slice3A_206 = vector.extract_strided_slice %reshape3A_190 {offsets = [3, 0, 0], sizes = [1, 450, 256], strides = [1, 1, 1]} : vector<4x450x256xf32> to vector<1x450x256xf32>
    %squeeze3A_207 = vector.shape_cast %slice3A_206 : vector<1x450x256xf32> to vector<450x256xf32>
    %dot_general3A_208 = arith.constant dense<0.000000e+00> : vector<225x256xf32>
    %dot_general3A_209 = tpu.matmul %convert_element_type3A_189, %squeeze3A_207, %dot_general3A_208 {dimension_numbers = #tpu.dot_dimension_numbers<[1], [0], [0], [1], [0, 0, 1, 1], [], []>, transpose_lhs_hint = false} : vector<225x450xf32>, vector<450x256xf32>, vector<225x256xf32> -> vector<225x256xf32>
    %reshape3A_210 = vector.shape_cast %dot_general3A_209 : vector<225x256xf32> to vector<1x225x256xf32>
    %concatenate3A = tpu.concatenate %reshape3A_195, %reshape3A_200, %reshape3A_205, %reshape3A_210 in 0 : vector<1x225x256xf32>, vector<1x225x256xf32>, vector<1x225x256xf32>, vector<1x225x256xf32> -> vector<4x225x256xf32>
    %reshape3A_211 = vector.shape_cast %concatenate3A : vector<4x225x256xf32> to vector<900x256xf32>
    %slice3A_212 = vector.extract_strided_slice %get3A_21 {offsets = [0, 0], sizes = [1, 256], strides = [1, 1]} : vector<8x256xf32> to vector<1x256xf32>
    %add3A_213 = vector.broadcast %slice3A_212 : vector<1x256xf32> to vector<900x256xf32>
    %add3A_214 = arith.addf %reshape3A_211, %add3A_213 : vector<900x256xf32>
    %reduce_sum3A = arith.constant dense<0.000000e+00> : vector<256xf32>
    %reduce_sum3A_215 = vector.multi_reduction <add>, %add3A_214, %reduce_sum3A [0] : vector<900x256xf32> to vector<256xf32>
    %broadcast_in_dim3A_216 = vector.shape_cast %reduce_sum3A_215 : vector<256xf32> to vector<1x256xf32>
    %div3A_217 = arith.constant 9.000000e+02 : f32
    %div3A_218 = vector.broadcast %div3A_217 : f32 to vector<1x256xf32>
    %div3A_219 = arith.divf %broadcast_in_dim3A_216, %div3A_218 : vector<1x256xf32>
    %sub3A_220 = vector.broadcast %div3A_219 : vector<1x256xf32> to vector<900x256xf32>
    %sub3A_221 = arith.subf %add3A_214, %sub3A_220 : vector<900x256xf32>
    %sub3A_222 = vector.broadcast %div3A_219 : vector<1x256xf32> to vector<900x256xf32>
    %sub3A_223 = arith.subf %add3A_214, %sub3A_222 : vector<900x256xf32>
    %mul3A_224 = arith.mulf %sub3A_221, %sub3A_223 : vector<900x256xf32>
    %reduce_sum3A_225 = arith.constant dense<0.000000e+00> : vector<256xf32>
    %reduce_sum3A_226 = vector.multi_reduction <add>, %mul3A_224, %reduce_sum3A_225 [0] : vector<900x256xf32> to vector<256xf32>
    %broadcast_in_dim3A_227 = vector.shape_cast %reduce_sum3A_226 : vector<256xf32> to vector<1x256xf32>
    %div3A_228 = arith.constant 9.000000e+02 : f32
    %div3A_229 = vector.broadcast %div3A_228 : f32 to vector<1x256xf32>
    %div3A_230 = arith.divf %broadcast_in_dim3A_227, %div3A_229 : vector<1x256xf32>
    %sub3A_231 = vector.broadcast %div3A_219 : vector<1x256xf32> to vector<900x256xf32>
    %sub3A_232 = arith.subf %add3A_214, %sub3A_231 : vector<900x256xf32>
    %add3A_233 = arith.constant 9.99999974E-6 : f32
    %add3A_234 = vector.broadcast %add3A_233 : f32 to vector<1x256xf32>
    %add3A_235 = arith.addf %div3A_230, %add3A_234 : vector<1x256xf32>
    %rsqrt3A = math.rsqrt %add3A_235 : vector<1x256xf32>
    %mul3A_236 = vector.broadcast %rsqrt3A : vector<1x256xf32> to vector<900x256xf32>
    %mul3A_237 = arith.mulf %sub3A_232, %mul3A_236 : vector<900x256xf32>
    %slice3A_238 = vector.extract_strided_slice %get3A_21 {offsets = [1, 0], sizes = [1, 256], strides = [1, 1]} : vector<8x256xf32> to vector<1x256xf32>
    %mul3A_239 = vector.broadcast %slice3A_238 : vector<1x256xf32> to vector<900x256xf32>
    %mul3A_240 = arith.mulf %mul3A_237, %mul3A_239 : vector<900x256xf32>
    %slice3A_241 = vector.extract_strided_slice %get3A_21 {offsets = [2, 0], sizes = [1, 256], strides = [1, 1]} : vector<8x256xf32> to vector<1x256xf32>
    %add3A_242 = vector.broadcast %slice3A_241 : vector<1x256xf32> to vector<900x256xf32>
    %add3A_243 = arith.addf %mul3A_240, %add3A_242 : vector<900x256xf32>
    %max3A = arith.constant 0.000000e+00 : f32
    %max3A_244 = vector.broadcast %max3A : f32 to vector<900x256xf32>
    %max3A_245 = arith.maximumf %add3A_243, %max3A_244 : vector<900x256xf32>
    %reshape3A_246 = vector.shape_cast %max3A_245 : vector<900x256xf32> to vector<4x15x15x256xf32>
    %broadcast_in_dim3A_247 = arith.constant 0.000000e+00 : f32
    %broadcast_in_dim3A_248 = vector.broadcast %broadcast_in_dim3A_247 : f32 to vector<4x18x18x256xf32>
    %swap3A_249 = arith.constant 0 : index
    %swap3A_250 = arith.constant 0 : index
    %swap3A_251 = arith.constant 0 : index
    %swap3A_252 = arith.constant 0 : index
    %swap3A_253 = vector.load %arg9[%swap3A_249, %swap3A_250, %swap3A_251, %swap3A_252] : memref<4x18x18x256xf32, #tpu.memory_space<vmem>>, vector<4x18x18x256xf32>
    tpu.vector_store %arg9[%swap3A_249, %swap3A_250, %swap3A_251, %swap3A_252], %broadcast_in_dim3A_248 {strides = array<i32>} : memref<4x18x18x256xf32, #tpu.memory_space<vmem>>, vector<4x18x18x256xf32>,
    %swap3A_254 = arith.constant 0 : index
    %swap3A_255 = arith.constant 1 : index
    %swap3A_256 = arith.constant 1 : index
    %swap3A_257 = arith.constant 0 : index
    %swap3A_258 = vector.load %arg9[%swap3A_254, %swap3A_255, %swap3A_256, %swap3A_257] : memref<4x18x18x256xf32, #tpu.memory_space<vmem>>, vector<4x15x15x256xf32>
    tpu.vector_store %arg9[%swap3A_254, %swap3A_255, %swap3A_256, %swap3A_257], %reshape3A_246 {strides = array<i32>} : memref<4x18x18x256xf32, #tpu.memory_space<vmem>>, vector<4x15x15x256xf32>,
    %get3A_259 = arith.constant 0 : index
    %get3A_260 = arith.constant 0 : index
    %get3A_261 = arith.constant 0 : index
    %get3A_262 = arith.constant 0 : index
    %get3A_263 = vector.load %arg9[%get3A_259, %get3A_260, %get3A_261, %get3A_262] : memref<4x18x18x256xf32, #tpu.memory_space<vmem>>, vector<4x18x18x256xf32>
    %get3A_264 = arith.constant 0 : index
    %get3A_265 = arith.constant 0 : index
    %get3A_266 = vector.load %arg4[%get3A_264, %get3A_265] : memref<8x256xf32, #tpu.memory_space<vmem>>, vector<8x256xf32>
    %broadcast_in_dim3A_267 = arith.constant 0.000000e+00 : f32
    %broadcast_in_dim3A_268 = vector.broadcast %broadcast_in_dim3A_267 : f32 to vector<512x256xf32>
    %slice3A_269 = vector.extract_strided_slice %get3A_263 {offsets = [0, 0, 0, 0], sizes = [4, 16, 16, 256], strides = [1, 1, 1, 1]} : vector<4x18x18x256xf32> to vector<4x16x16x256xf32>
    %reshape3A_270 = vector.shape_cast %slice3A_269 : vector<4x16x16x256xf32> to vector<4x8x2x16x256xf32>
    %slice3A_271 = vector.extract_strided_slice %reshape3A_270 {offsets = [0, 0, 0, 0, 0], sizes = [4, 8, 1, 16, 256], strides = [1, 1, 1, 1, 1]} : vector<4x8x2x16x256xf32> to vector<4x8x1x16x256xf32>
    %squeeze3A_272 = vector.shape_cast %slice3A_271 : vector<4x8x1x16x256xf32> to vector<4x8x16x256xf32>
    %reshape3A_273 = vector.shape_cast %squeeze3A_272 : vector<4x8x16x256xf32> to vector<512x256xf32>
    %get3A_274 = arith.constant 0 : index
    %get3A_275 = arith.constant 0 : index
    %get3A_276 = arith.constant 0 : index
    %get3A_277 = vector.load %arg2[%get3A_274, %get3A_275, %get3A_276] : memref<9x256x256xf32, #tpu.memory_space<vmem>>, vector<1x256x256xf32>
    %get3A_278 = vector.shape_cast %get3A_277 : vector<1x256x256xf32> to vector<256x256xf32>
    %dot_general3A_279 = arith.constant dense<0.000000e+00> : vector<512x256xf32>
    %dot_general3A_280 = tpu.matmul %reshape3A_273, %get3A_278, %dot_general3A_279 {dimension_numbers = #tpu.dot_dimension_numbers<[1], [0], [0], [1], [0, 0, 1, 1], [], []>, transpose_lhs_hint = false} : vector<512x256xf32>, vector<256x256xf32>, vector<512x256xf32> -> vector<512x256xf32>
    %add3A_281 = arith.addf %broadcast_in_dim3A_268, %dot_general3A_280 : vector<512x256xf32>
    %slice3A_282 = vector.extract_strided_slice %get3A_263 {offsets = [0, 0, 1, 0], sizes = [4, 16, 16, 256], strides = [1, 1, 1, 1]} : vector<4x18x18x256xf32> to vector<4x16x16x256xf32>
    %reshape3A_283 = vector.shape_cast %slice3A_282 : vector<4x16x16x256xf32> to vector<4x8x2x16x256xf32>
    %slice3A_284 = vector.extract_strided_slice %reshape3A_283 {offsets = [0, 0, 0, 0, 0], sizes = [4, 8, 1, 16, 256], strides = [1, 1, 1, 1, 1]} : vector<4x8x2x16x256xf32> to vector<4x8x1x16x256xf32>
    %squeeze3A_285 = vector.shape_cast %slice3A_284 : vector<4x8x1x16x256xf32> to vector<4x8x16x256xf32>
    %reshape3A_286 = vector.shape_cast %squeeze3A_285 : vector<4x8x16x256xf32> to vector<512x256xf32>
    %get3A_287 = arith.constant 1 : index
    %get3A_288 = arith.constant 0 : index
    %get3A_289 = arith.constant 0 : index
    %get3A_290 = vector.load %arg2[%get3A_287, %get3A_288, %get3A_289] : memref<9x256x256xf32, #tpu.memory_space<vmem>>, vector<1x256x256xf32>
    %get3A_291 = vector.shape_cast %get3A_290 : vector<1x256x256xf32> to vector<256x256xf32>
    %dot_general3A_292 = arith.constant dense<0.000000e+00> : vector<512x256xf32>
    %dot_general3A_293 = tpu.matmul %reshape3A_286, %get3A_291, %dot_general3A_292 {dimension_numbers = #tpu.dot_dimension_numbers<[1], [0], [0], [1], [0, 0, 1, 1], [], []>, transpose_lhs_hint = false} : vector<512x256xf32>, vector<256x256xf32>, vector<512x256xf32> -> vector<512x256xf32>
    %add3A_294 = arith.addf %add3A_281, %dot_general3A_293 : vector<512x256xf32>
    %slice3A_295 = vector.extract_strided_slice %get3A_263 {offsets = [0, 0, 2, 0], sizes = [4, 16, 16, 256], strides = [1, 1, 1, 1]} : vector<4x18x18x256xf32> to vector<4x16x16x256xf32>
    %reshape3A_296 = vector.shape_cast %slice3A_295 : vector<4x16x16x256xf32> to vector<4x8x2x16x256xf32>
    %slice3A_297 = vector.extract_strided_slice %reshape3A_296 {offsets = [0, 0, 0, 0, 0], sizes = [4, 8, 1, 16, 256], strides = [1, 1, 1, 1, 1]} : vector<4x8x2x16x256xf32> to vector<4x8x1x16x256xf32>
    %squeeze3A_298 = vector.shape_cast %slice3A_297 : vector<4x8x1x16x256xf32> to vector<4x8x16x256xf32>
    %reshape3A_299 = vector.shape_cast %squeeze3A_298 : vector<4x8x16x256xf32> to vector<512x256xf32>
    %get3A_300 = arith.constant 2 : index
    %get3A_301 = arith.constant 0 : index
    %get3A_302 = arith.constant 0 : index
    %get3A_303 = vector.load %arg2[%get3A_300, %get3A_301, %get3A_302] : memref<9x256x256xf32, #tpu.memory_space<vmem>>, vector<1x256x256xf32>
    %get3A_304 = vector.shape_cast %get3A_303 : vector<1x256x256xf32> to vector<256x256xf32>
    %dot_general3A_305 = arith.constant dense<0.000000e+00> : vector<512x256xf32>
    %dot_general3A_306 = tpu.matmul %reshape3A_299, %get3A_304, %dot_general3A_305 {dimension_numbers = #tpu.dot_dimension_numbers<[1], [0], [0], [1], [0, 0, 1, 1], [], []>, transpose_lhs_hint = false} : vector<512x256xf32>, vector<256x256xf32>, vector<512x256xf32> -> vector<512x256xf32>
    %add3A_307 = arith.addf %add3A_294, %dot_general3A_306 : vector<512x256xf32>
    %slice3A_308 = vector.extract_strided_slice %get3A_263 {offsets = [0, 1, 0, 0], sizes = [4, 16, 16, 256], strides = [1, 1, 1, 1]} : vector<4x18x18x256xf32> to vector<4x16x16x256xf32>
    %reshape3A_309 = vector.shape_cast %slice3A_308 : vector<4x16x16x256xf32> to vector<4x8x2x16x256xf32>
    %slice3A_310 = vector.extract_strided_slice %reshape3A_309 {offsets = [0, 0, 0, 0, 0], sizes = [4, 8, 1, 16, 256], strides = [1, 1, 1, 1, 1]} : vector<4x8x2x16x256xf32> to vector<4x8x1x16x256xf32>
    %squeeze3A_311 = vector.shape_cast %slice3A_310 : vector<4x8x1x16x256xf32> to vector<4x8x16x256xf32>
    %reshape3A_312 = vector.shape_cast %squeeze3A_311 : vector<4x8x16x256xf32> to vector<512x256xf32>
    %get3A_313 = arith.constant 3 : index
    %get3A_314 = arith.constant 0 : index
    %get3A_315 = arith.constant 0 : index
    %get3A_316 = vector.load %arg2[%get3A_313, %get3A_314, %get3A_315] : memref<9x256x256xf32, #tpu.memory_space<vmem>>, vector<1x256x256xf32>
    %get3A_317 = vector.shape_cast %get3A_316 : vector<1x256x256xf32> to vector<256x256xf32>
    %dot_general3A_318 = arith.constant dense<0.000000e+00> : vector<512x256xf32>
    %dot_general3A_319 = tpu.matmul %reshape3A_312, %get3A_317, %dot_general3A_318 {dimension_numbers = #tpu.dot_dimension_numbers<[1], [0], [0], [1], [0, 0, 1, 1], [], []>, transpose_lhs_hint = false} : vector<512x256xf32>, vector<256x256xf32>, vector<512x256xf32> -> vector<512x256xf32>
    %add3A_320 = arith.addf %add3A_307, %dot_general3A_319 : vector<512x256xf32>
    %slice3A_321 = vector.extract_strided_slice %get3A_263 {offsets = [0, 1, 1, 0], sizes = [4, 16, 16, 256], strides = [1, 1, 1, 1]} : vector<4x18x18x256xf32> to vector<4x16x16x256xf32>
    %reshape3A_322 = vector.shape_cast %slice3A_321 : vector<4x16x16x256xf32> to vector<4x8x2x16x256xf32>
    %slice3A_323 = vector.extract_strided_slice %reshape3A_322 {offsets = [0, 0, 0, 0, 0], sizes = [4, 8, 1, 16, 256], strides = [1, 1, 1, 1, 1]} : vector<4x8x2x16x256xf32> to vector<4x8x1x16x256xf32>
    %squeeze3A_324 = vector.shape_cast %slice3A_323 : vector<4x8x1x16x256xf32> to vector<4x8x16x256xf32>
    %reshape3A_325 = vector.shape_cast %squeeze3A_324 : vector<4x8x16x256xf32> to vector<512x256xf32>
    %get3A_326 = arith.constant 4 : index
    %get3A_327 = arith.constant 0 : index
    %get3A_328 = arith.constant 0 : index
    %get3A_329 = vector.load %arg2[%get3A_326, %get3A_327, %get3A_328] : memref<9x256x256xf32, #tpu.memory_space<vmem>>, vector<1x256x256xf32>
    %get3A_330 = vector.shape_cast %get3A_329 : vector<1x256x256xf32> to vector<256x256xf32>
    %dot_general3A_331 = arith.constant dense<0.000000e+00> : vector<512x256xf32>
    %dot_general3A_332 = tpu.matmul %reshape3A_325, %get3A_330, %dot_general3A_331 {dimension_numbers = #tpu.dot_dimension_numbers<[1], [0], [0], [1], [0, 0, 1, 1], [], []>, transpose_lhs_hint = false} : vector<512x256xf32>, vector<256x256xf32>, vector<512x256xf32> -> vector<512x256xf32>
    %add3A_333 = arith.addf %add3A_320, %dot_general3A_332 : vector<512x256xf32>
    %slice3A_334 = vector.extract_strided_slice %get3A_263 {offsets = [0, 1, 2, 0], sizes = [4, 16, 16, 256], strides = [1, 1, 1, 1]} : vector<4x18x18x256xf32> to vector<4x16x16x256xf32>
    %reshape3A_335 = vector.shape_cast %slice3A_334 : vector<4x16x16x256xf32> to vector<4x8x2x16x256xf32>
    %slice3A_336 = vector.extract_strided_slice %reshape3A_335 {offsets = [0, 0, 0, 0, 0], sizes = [4, 8, 1, 16, 256], strides = [1, 1, 1, 1, 1]} : vector<4x8x2x16x256xf32> to vector<4x8x1x16x256xf32>
    %squeeze3A_337 = vector.shape_cast %slice3A_336 : vector<4x8x1x16x256xf32> to vector<4x8x16x256xf32>
    %reshape3A_338 = vector.shape_cast %squeeze3A_337 : vector<4x8x16x256xf32> to vector<512x256xf32>
    %get3A_339 = arith.constant 5 : index
    %get3A_340 = arith.constant 0 : index
    %get3A_341 = arith.constant 0 : index
    %get3A_342 = vector.load %arg2[%get3A_339, %get3A_340, %get3A_341] : memref<9x256x256xf32, #tpu.memory_space<vmem>>, vector<1x256x256xf32>
    %get3A_343 = vector.shape_cast %get3A_342 : vector<1x256x256xf32> to vector<256x256xf32>
    %dot_general3A_344 = arith.constant dense<0.000000e+00> : vector<512x256xf32>
    %dot_general3A_345 = tpu.matmul %reshape3A_338, %get3A_343, %dot_general3A_344 {dimension_numbers = #tpu.dot_dimension_numbers<[1], [0], [0], [1], [0, 0, 1, 1], [], []>, transpose_lhs_hint = false} : vector<512x256xf32>, vector<256x256xf32>, vector<512x256xf32> -> vector<512x256xf32>
    %add3A_346 = arith.addf %add3A_333, %dot_general3A_345 : vector<512x256xf32>
    %slice3A_347 = vector.extract_strided_slice %get3A_263 {offsets = [0, 2, 0, 0], sizes = [4, 16, 16, 256], strides = [1, 1, 1, 1]} : vector<4x18x18x256xf32> to vector<4x16x16x256xf32>
    %reshape3A_348 = vector.shape_cast %slice3A_347 : vector<4x16x16x256xf32> to vector<4x8x2x16x256xf32>
    %slice3A_349 = vector.extract_strided_slice %reshape3A_348 {offsets = [0, 0, 0, 0, 0], sizes = [4, 8, 1, 16, 256], strides = [1, 1, 1, 1, 1]} : vector<4x8x2x16x256xf32> to vector<4x8x1x16x256xf32>
    %squeeze3A_350 = vector.shape_cast %slice3A_349 : vector<4x8x1x16x256xf32> to vector<4x8x16x256xf32>
    %reshape3A_351 = vector.shape_cast %squeeze3A_350 : vector<4x8x16x256xf32> to vector<512x256xf32>
    %get3A_352 = arith.constant 6 : index
    %get3A_353 = arith.constant 0 : index
    %get3A_354 = arith.constant 0 : index
    %get3A_355 = vector.load %arg2[%get3A_352, %get3A_353, %get3A_354] : memref<9x256x256xf32, #tpu.memory_space<vmem>>, vector<1x256x256xf32>
    %get3A_356 = vector.shape_cast %get3A_355 : vector<1x256x256xf32> to vector<256x256xf32>
    %dot_general3A_357 = arith.constant dense<0.000000e+00> : vector<512x256xf32>
    %dot_general3A_358 = tpu.matmul %reshape3A_351, %get3A_356, %dot_general3A_357 {dimension_numbers = #tpu.dot_dimension_numbers<[1], [0], [0], [1], [0, 0, 1, 1], [], []>, transpose_lhs_hint = false} : vector<512x256xf32>, vector<256x256xf32>, vector<512x256xf32> -> vector<512x256xf32>
    %add3A_359 = arith.addf %add3A_346, %dot_general3A_358 : vector<512x256xf32>
    %slice3A_360 = vector.extract_strided_slice %get3A_263 {offsets = [0, 2, 1, 0], sizes = [4, 16, 16, 256], strides = [1, 1, 1, 1]} : vector<4x18x18x256xf32> to vector<4x16x16x256xf32>
    %reshape3A_361 = vector.shape_cast %slice3A_360 : vector<4x16x16x256xf32> to vector<4x8x2x16x256xf32>
    %slice3A_362 = vector.extract_strided_slice %reshape3A_361 {offsets = [0, 0, 0, 0, 0], sizes = [4, 8, 1, 16, 256], strides = [1, 1, 1, 1, 1]} : vector<4x8x2x16x256xf32> to vector<4x8x1x16x256xf32>
    %squeeze3A_363 = vector.shape_cast %slice3A_362 : vector<4x8x1x16x256xf32> to vector<4x8x16x256xf32>
    %reshape3A_364 = vector.shape_cast %squeeze3A_363 : vector<4x8x16x256xf32> to vector<512x256xf32>
    %get3A_365 = arith.constant 7 : index
    %get3A_366 = arith.constant 0 : index
    %get3A_367 = arith.constant 0 : index
    %get3A_368 = vector.load %arg2[%get3A_365, %get3A_366, %get3A_367] : memref<9x256x256xf32, #tpu.memory_space<vmem>>, vector<1x256x256xf32>
    %get3A_369 = vector.shape_cast %get3A_368 : vector<1x256x256xf32> to vector<256x256xf32>
    %dot_general3A_370 = arith.constant dense<0.000000e+00> : vector<512x256xf32>
    %dot_general3A_371 = tpu.matmul %reshape3A_364, %get3A_369, %dot_general3A_370 {dimension_numbers = #tpu.dot_dimension_numbers<[1], [0], [0], [1], [0, 0, 1, 1], [], []>, transpose_lhs_hint = false} : vector<512x256xf32>, vector<256x256xf32>, vector<512x256xf32> -> vector<512x256xf32>
    %add3A_372 = arith.addf %add3A_359, %dot_general3A_371 : vector<512x256xf32>
    %slice3A_373 = vector.extract_strided_slice %get3A_263 {offsets = [0, 2, 2, 0], sizes = [4, 16, 16, 256], strides = [1, 1, 1, 1]} : vector<4x18x18x256xf32> to vector<4x16x16x256xf32>
    %reshape3A_374 = vector.shape_cast %slice3A_373 : vector<4x16x16x256xf32> to vector<4x8x2x16x256xf32>
    %slice3A_375 = vector.extract_strided_slice %reshape3A_374 {offsets = [0, 0, 0, 0, 0], sizes = [4, 8, 1, 16, 256], strides = [1, 1, 1, 1, 1]} : vector<4x8x2x16x256xf32> to vector<4x8x1x16x256xf32>
    %squeeze3A_376 = vector.shape_cast %slice3A_375 : vector<4x8x1x16x256xf32> to vector<4x8x16x256xf32>
    %reshape3A_377 = vector.shape_cast %squeeze3A_376 : vector<4x8x16x256xf32> to vector<512x256xf32>
    %get3A_378 = arith.constant 8 : index
    %get3A_379 = arith.constant 0 : index
    %get3A_380 = arith.constant 0 : index
    %get3A_381 = vector.load %arg2[%get3A_378, %get3A_379, %get3A_380] : memref<9x256x256xf32, #tpu.memory_space<vmem>>, vector<1x256x256xf32>
    %get3A_382 = vector.shape_cast %get3A_381 : vector<1x256x256xf32> to vector<256x256xf32>
    %dot_general3A_383 = arith.constant dense<0.000000e+00> : vector<512x256xf32>
    %dot_general3A_384 = tpu.matmul %reshape3A_377, %get3A_382, %dot_general3A_383 {dimension_numbers = #tpu.dot_dimension_numbers<[1], [0], [0], [1], [0, 0, 1, 1], [], []>, transpose_lhs_hint = false} : vector<512x256xf32>, vector<256x256xf32>, vector<512x256xf32> -> vector<512x256xf32>
    %add3A_385 = arith.addf %add3A_372, %dot_general3A_384 : vector<512x256xf32>
    %iota3A_386 = tpu.iota {dimensions = array<i32: 0>} : vector<64x1xi32>
    %iota3A_387 = tpu.iota {dimensions = array<i32: 1>} : vector<1x128xi32>
    %jit3A_388 = arith.constant 8 : i32
    %div3A_389 = vector.broadcast %jit3A_388 : i32 to vector<64x1xi32>
    %div3A_390 = arith.divsi %iota3A_386, %div3A_389 : vector<64x1xi32>
    %sign3A_391 = arith.constant 0 : i32
    %sign3A_392 = vector.broadcast %sign3A_391 : i32 to vector<64x1xi32>
    %sign3A_393 = arith.cmpi sgt, %iota3A_386, %sign3A_392 : vector<64x1xi32>
    %sign3A_394 = arith.extui %sign3A_393 : vector<64x1xi1> to vector<64x1xi32>
    %sign3A_395 = arith.constant 0 : i32
    %sign3A_396 = vector.broadcast %sign3A_395 : i32 to vector<64x1xi32>
    %sign3A_397 = arith.cmpi slt, %iota3A_386, %sign3A_396 : vector<64x1xi32>
    %sign3A_398 = arith.extui %sign3A_397 : vector<64x1xi1> to vector<64x1xi32>
    %sign3A_399 = arith.subi %sign3A_394, %sign3A_398 : vector<64x1xi32>
    %sign3A_400 = arith.constant 0 : i32
    %sign3A_401 = arith.cmpi sgt, %jit3A_388, %sign3A_400 : i32
    %sign3A_402 = arith.extui %sign3A_401 : i1 to i32
    %sign3A_403 = arith.constant 0 : i32
    %sign3A_404 = arith.cmpi slt, %jit3A_388, %sign3A_403 : i32
    %sign3A_405 = arith.extui %sign3A_404 : i1 to i32
    %sign3A_406 = arith.subi %sign3A_402, %sign3A_405 : i32
    %ne3A_407 = vector.broadcast %sign3A_406 : i32 to vector<64x1xi32>
    %ne3A_408 = arith.cmpi ne, %sign3A_399, %ne3A_407 : vector<64x1xi32>
    %rem3A_409 = vector.broadcast %jit3A_388 : i32 to vector<64x1xi32>
    %rem3A_410 = arith.remsi %iota3A_386, %rem3A_409 : vector<64x1xi32>
    %ne3A_411 = arith.constant 0 : i32
    %ne3A_412 = vector.broadcast %ne3A_411 : i32 to vector<64x1xi32>
    %ne3A_413 = arith.cmpi ne, %rem3A_410, %ne3A_412 : vector<64x1xi32>
    %and3A_414 = arith.andi %ne3A_408, %ne3A_413 : vector<64x1xi1>
    %sub3A_415 = arith.constant 1 : i32
    %sub3A_416 = vector.broadcast %sub3A_415 : i32 to vector<64x1xi32>
    %sub3A_417 = arith.subi %div3A_390, %sub3A_416 : vector<64x1xi32>
    %select_n3A_418 = arith.select %and3A_414, %sub3A_417, %div3A_390 : vector<64x1xi1>, vector<64x1xi32>
    %mul3A_419 = arith.constant 16 : i32
    %mul3A_420 = vector.broadcast %mul3A_419 : i32 to vector<64x1xi32>
    %mul3A_421 = arith.muli %select_n3A_418, %mul3A_420 : vector<64x1xi32>
    %jit3A_422 = arith.constant 8 : i32
    %eq3A_423 = arith.constant 0 : i32
    %eq3A_424 = arith.cmpi eq, %jit3A_422, %eq3A_423 : i32
    %jit3A_425 = arith.constant 1 : i32
    %select_n3A_426 = arith.select %eq3A_424, %jit3A_425, %jit3A_422 : i32
    %rem3A_427 = vector.broadcast %select_n3A_426 : i32 to vector<64x1xi32>
    %rem3A_428 = arith.remsi %iota3A_386, %rem3A_427 : vector<64x1xi32>
    %ne3A_429 = arith.constant 0 : i32
    %ne3A_430 = vector.broadcast %ne3A_429 : i32 to vector<64x1xi32>
    %ne3A_431 = arith.cmpi ne, %rem3A_428, %ne3A_430 : vector<64x1xi32>
    %lt3A_432 = arith.constant 0 : i32
    %lt3A_433 = vector.broadcast %lt3A_432 : i32 to vector<64x1xi32>
    %lt3A_434 = arith.cmpi slt, %rem3A_428, %lt3A_433 : vector<64x1xi32>
    %lt3A_435 = arith.constant 0 : i32
    %lt3A_436 = arith.cmpi slt, %select_n3A_426, %lt3A_435 : i32
    %ne3A_437 = vector.broadcast %lt3A_436 : i1 to vector<64x1xi1>
    %ne3A_438 = vector.broadcast %ne3A_437 : vector<64x1xi1> to vector<64x1xi1>
    %ne3A_439 = arith.xori %lt3A_434, %ne3A_438 : vector<64x1xi1>
    %and3A_440 = arith.andi %ne3A_439, %ne3A_431 : vector<64x1xi1>
    %add3A_441 = vector.broadcast %select_n3A_426 : i32 to vector<64x1xi32>
    %add3A_442 = arith.addi %rem3A_428, %add3A_441 : vector<64x1xi32>
    %select_n3A_443 = arith.select %and3A_440, %add3A_442, %rem3A_428 : vector<64x1xi1>, vector<64x1xi32>
    %mul3A_444 = arith.constant 2 : i32
    %mul3A_445 = vector.broadcast %mul3A_444 : i32 to vector<64x1xi32>
    %mul3A_446 = arith.muli %mul3A_445, %select_n3A_443 : vector<64x1xi32>
    %add3A_447 = arith.addi %mul3A_421, %mul3A_446 : vector<64x1xi32>
    %eq3A_448 = vector.broadcast %iota3A_387 : vector<1x128xi32> to vector<64x128xi32>
    %eq3A_449 = vector.broadcast %add3A_447 : vector<64x1xi32> to vector<64x128xi32>
    %eq3A_450 = arith.cmpi eq, %eq3A_448, %eq3A_449 : vector<64x128xi32>
    %convert_element_type3A_451 = arith.extui %eq3A_450 : vector<64x128xi1> to vector<64x128xi32>
    %convert_element_type3A_452 = arith.sitofp %convert_element_type3A_451 : vector<64x128xi32> to vector<64x128xf32>
    %reshape3A_453 = vector.shape_cast %add3A_385 : vector<512x256xf32> to vector<4x128x256xf32>
    %slice3A_454 = vector.extract_strided_slice %reshape3A_453 {offsets = [0, 0, 0], sizes = [1, 128, 256], strides = [1, 1, 1]} : vector<4x128x256xf32> to vector<1x128x256xf32>
    %squeeze3A_455 = vector.shape_cast %slice3A_454 : vector<1x128x256xf32> to vector<128x256xf32>
    %dot_general3A_456 = arith.constant dense<0.000000e+00> : vector<64x256xf32>
    %dot_general3A_457 = tpu.matmul %convert_element_type3A_452, %squeeze3A_455, %dot_general3A_456 {dimension_numbers = #tpu.dot_dimension_numbers<[1], [0], [0], [1], [0, 0, 1, 1], [], []>, transpose_lhs_hint = false} : vector<64x128xf32>, vector<128x256xf32>, vector<64x256xf32> -> vector<64x256xf32>
    %reshape3A_458 = vector.shape_cast %dot_general3A_457 : vector<64x256xf32> to vector<1x64x256xf32>
    %slice3A_459 = vector.extract_strided_slice %reshape3A_453 {offsets = [1, 0, 0], sizes = [1, 128, 256], strides = [1, 1, 1]} : vector<4x128x256xf32> to vector<1x128x256xf32>
    %squeeze3A_460 = vector.shape_cast %slice3A_459 : vector<1x128x256xf32> to vector<128x256xf32>
    %dot_general3A_461 = arith.constant dense<0.000000e+00> : vector<64x256xf32>
    %dot_general3A_462 = tpu.matmul %convert_element_type3A_452, %squeeze3A_460, %dot_general3A_461 {dimension_numbers = #tpu.dot_dimension_numbers<[1], [0], [0], [1], [0, 0, 1, 1], [], []>, transpose_lhs_hint = false} : vector<64x128xf32>, vector<128x256xf32>, vector<64x256xf32> -> vector<64x256xf32>
    %reshape3A_463 = vector.shape_cast %dot_general3A_462 : vector<64x256xf32> to vector<1x64x256xf32>
    %slice3A_464 = vector.extract_strided_slice %reshape3A_453 {offsets = [2, 0, 0], sizes = [1, 128, 256], strides = [1, 1, 1]} : vector<4x128x256xf32> to vector<1x128x256xf32>
    %squeeze3A_465 = vector.shape_cast %slice3A_464 : vector<1x128x256xf32> to vector<128x256xf32>
    %dot_general3A_466 = arith.constant dense<0.000000e+00> : vector<64x256xf32>
    %dot_general3A_467 = tpu.matmul %convert_element_type3A_452, %squeeze3A_465, %dot_general3A_466 {dimension_numbers = #tpu.dot_dimension_numbers<[1], [0], [0], [1], [0, 0, 1, 1], [], []>, transpose_lhs_hint = false} : vector<64x128xf32>, vector<128x256xf32>, vector<64x256xf32> -> vector<64x256xf32>
    %reshape3A_468 = vector.shape_cast %dot_general3A_467 : vector<64x256xf32> to vector<1x64x256xf32>
    %slice3A_469 = vector.extract_strided_slice %reshape3A_453 {offsets = [3, 0, 0], sizes = [1, 128, 256], strides = [1, 1, 1]} : vector<4x128x256xf32> to vector<1x128x256xf32>
    %squeeze3A_470 = vector.shape_cast %slice3A_469 : vector<1x128x256xf32> to vector<128x256xf32>
    %dot_general3A_471 = arith.constant dense<0.000000e+00> : vector<64x256xf32>
    %dot_general3A_472 = tpu.matmul %convert_element_type3A_452, %squeeze3A_470, %dot_general3A_471 {dimension_numbers = #tpu.dot_dimension_numbers<[1], [0], [0], [1], [0, 0, 1, 1], [], []>, transpose_lhs_hint = false} : vector<64x128xf32>, vector<128x256xf32>, vector<64x256xf32> -> vector<64x256xf32>
    %reshape3A_473 = vector.shape_cast %dot_general3A_472 : vector<64x256xf32> to vector<1x64x256xf32>
    %concatenate3A_474 = tpu.concatenate %reshape3A_458, %reshape3A_463, %reshape3A_468, %reshape3A_473 in 0 : vector<1x64x256xf32>, vector<1x64x256xf32>, vector<1x64x256xf32>, vector<1x64x256xf32> -> vector<4x64x256xf32>
    %reshape3A_475 = vector.shape_cast %concatenate3A_474 : vector<4x64x256xf32> to vector<256x256xf32>
    %slice3A_476 = vector.extract_strided_slice %get3A_266 {offsets = [0, 0], sizes = [1, 256], strides = [1, 1]} : vector<8x256xf32> to vector<1x256xf32>
    %add3A_477 = vector.broadcast %slice3A_476 : vector<1x256xf32> to vector<256x256xf32>
    %add3A_478 = arith.addf %reshape3A_475, %add3A_477 : vector<256x256xf32>
    %reduce_sum3A_479 = arith.constant dense<0.000000e+00> : vector<256xf32>
    %reduce_sum3A_480 = vector.multi_reduction <add>, %add3A_478, %reduce_sum3A_479 [0] : vector<256x256xf32> to vector<256xf32>
    %broadcast_in_dim3A_481 = vector.shape_cast %reduce_sum3A_480 : vector<256xf32> to vector<1x256xf32>
    %div3A_482 = arith.constant 2.560000e+02 : f32
    %div3A_483 = vector.broadcast %div3A_482 : f32 to vector<1x256xf32>
    %div3A_484 = arith.divf %broadcast_in_dim3A_481, %div3A_483 : vector<1x256xf32>
    %sub3A_485 = vector.broadcast %div3A_484 : vector<1x256xf32> to vector<256x256xf32>
    %sub3A_486 = arith.subf %add3A_478, %sub3A_485 : vector<256x256xf32>
    %sub3A_487 = vector.broadcast %div3A_484 : vector<1x256xf32> to vector<256x256xf32>
    %sub3A_488 = arith.subf %add3A_478, %sub3A_487 : vector<256x256xf32>
    %mul3A_489 = arith.mulf %sub3A_486, %sub3A_488 : vector<256x256xf32>
    %reduce_sum3A_490 = arith.constant dense<0.000000e+00> : vector<256xf32>
    %reduce_sum3A_491 = vector.multi_reduction <add>, %mul3A_489, %reduce_sum3A_490 [0] : vector<256x256xf32> to vector<256xf32>
    %broadcast_in_dim3A_492 = vector.shape_cast %reduce_sum3A_491 : vector<256xf32> to vector<1x256xf32>
    %div3A_493 = arith.constant 2.560000e+02 : f32
    %div3A_494 = vector.broadcast %div3A_493 : f32 to vector<1x256xf32>
    %div3A_495 = arith.divf %broadcast_in_dim3A_492, %div3A_494 : vector<1x256xf32>
    %sub3A_496 = vector.broadcast %div3A_484 : vector<1x256xf32> to vector<256x256xf32>
    %sub3A_497 = arith.subf %add3A_478, %sub3A_496 : vector<256x256xf32>
    %add3A_498 = arith.constant 9.99999974E-6 : f32
    %add3A_499 = vector.broadcast %add3A_498 : f32 to vector<1x256xf32>
    %add3A_500 = arith.addf %div3A_495, %add3A_499 : vector<1x256xf32>
    %rsqrt3A_501 = math.rsqrt %add3A_500 : vector<1x256xf32>
    %mul3A_502 = vector.broadcast %rsqrt3A_501 : vector<1x256xf32> to vector<256x256xf32>
    %mul3A_503 = arith.mulf %sub3A_497, %mul3A_502 : vector<256x256xf32>
    %slice3A_504 = vector.extract_strided_slice %get3A_266 {offsets = [1, 0], sizes = [1, 256], strides = [1, 1]} : vector<8x256xf32> to vector<1x256xf32>
    %mul3A_505 = vector.broadcast %slice3A_504 : vector<1x256xf32> to vector<256x256xf32>
    %mul3A_506 = arith.mulf %mul3A_503, %mul3A_505 : vector<256x256xf32>
    %slice3A_507 = vector.extract_strided_slice %get3A_266 {offsets = [2, 0], sizes = [1, 256], strides = [1, 1]} : vector<8x256xf32> to vector<1x256xf32>
    %add3A_508 = vector.broadcast %slice3A_507 : vector<1x256xf32> to vector<256x256xf32>
    %add3A_509 = arith.addf %mul3A_506, %add3A_508 : vector<256x256xf32>
    %max3A_510 = arith.constant 0.000000e+00 : f32
    %max3A_511 = vector.broadcast %max3A_510 : f32 to vector<256x256xf32>
    %max3A_512 = arith.maximumf %add3A_509, %max3A_511 : vector<256x256xf32>
    %reshape3A_513 = vector.shape_cast %max3A_512 : vector<256x256xf32> to vector<4x8x8x256xf32>
    %reshape3A_514 = vector.shape_cast %reshape3A_513 : vector<4x8x8x256xf32> to vector<4x64x256xf32>
    %reduce_sum3A_515 = arith.constant dense<0.000000e+00> : vector<4x256xf32>
    %reduce_sum3A_516 = vector.multi_reduction <add>, %reshape3A_514, %reduce_sum3A_515 [1] : vector<4x64x256xf32> to vector<4x256xf32>
    %div3A_517 = arith.constant 6.400000e+01 : f32
    %div3A_518 = vector.broadcast %div3A_517 : f32 to vector<4x256xf32>
    %div3A_519 = arith.divf %reduce_sum3A_516, %div3A_518 : vector<4x256xf32>
    %get3A_520 = arith.constant 0 : index
    %get3A_521 = arith.constant 0 : index
    %get3A_522 = vector.load %arg5[%get3A_520, %get3A_521] : memref<256x256xf32, #tpu.memory_space<vmem>>, vector<256x256xf32>
    %dot_general3A_523 = arith.constant dense<0.000000e+00> : vector<4x256xf32>
    %dot_general3A_524 = tpu.matmul %div3A_519, %get3A_522, %dot_general3A_523 {dimension_numbers = #tpu.dot_dimension_numbers<[1], [0], [0], [1], [0, 0, 1, 1], [], []>, transpose_lhs_hint = false} : vector<4x256xf32>, vector<256x256xf32>, vector<4x256xf32> -> vector<4x256xf32>
    %get3A_525 = arith.constant 0 : index
    %get3A_526 = arith.constant 0 : index
    %get3A_527 = vector.load %arg6[%get3A_525, %get3A_526] : memref<8x256xf32, #tpu.memory_space<vmem>>, vector<1x256xf32>
    %add3A_528 = vector.broadcast %get3A_527 : vector<1x256xf32> to vector<4x256xf32>
    %add3A_529 = arith.addf %dot_general3A_524, %add3A_528 : vector<4x256xf32>
    %reduce_sum3A_530 = arith.constant dense<0.000000e+00> : vector<4xf32>
    %reduce_sum3A_531 = vector.multi_reduction <add>, %add3A_529, %reduce_sum3A_530 [1] : vector<4x256xf32> to vector<4xf32>
    %broadcast_in_dim3A_532 = vector.shape_cast %reduce_sum3A_531 : vector<4xf32> to vector<4x1xf32>
    %div3A_533 = arith.constant 2.560000e+02 : f32
    %div3A_534 = vector.broadcast %div3A_533 : f32 to vector<4x1xf32>
    %div3A_535 = arith.divf %broadcast_in_dim3A_532, %div3A_534 : vector<4x1xf32>
    %sub3A_536 = vector.broadcast %div3A_535 : vector<4x1xf32> to vector<4x256xf32>
    %sub3A_537 = arith.subf %add3A_529, %sub3A_536 : vector<4x256xf32>
    %sub3A_538 = vector.broadcast %div3A_535 : vector<4x1xf32> to vector<4x256xf32>
    %sub3A_539 = arith.subf %add3A_529, %sub3A_538 : vector<4x256xf32>
    %mul3A_540 = arith.mulf %sub3A_537, %sub3A_539 : vector<4x256xf32>
    %reduce_sum3A_541 = arith.constant dense<0.000000e+00> : vector<4xf32>
    %reduce_sum3A_542 = vector.multi_reduction <add>, %mul3A_540, %reduce_sum3A_541 [1] : vector<4x256xf32> to vector<4xf32>
    %broadcast_in_dim3A_543 = vector.shape_cast %reduce_sum3A_542 : vector<4xf32> to vector<4x1xf32>
    %div3A_544 = arith.constant 2.560000e+02 : f32
    %div3A_545 = vector.broadcast %div3A_544 : f32 to vector<4x1xf32>
    %div3A_546 = arith.divf %broadcast_in_dim3A_543, %div3A_545 : vector<4x1xf32>
    %sub3A_547 = vector.broadcast %div3A_535 : vector<4x1xf32> to vector<4x256xf32>
    %sub3A_548 = arith.subf %add3A_529, %sub3A_547 : vector<4x256xf32>
    %add3A_549 = arith.constant 9.99999974E-6 : f32
    %add3A_550 = vector.broadcast %add3A_549 : f32 to vector<4x1xf32>
    %add3A_551 = arith.addf %div3A_546, %add3A_550 : vector<4x1xf32>
    %rsqrt3A_552 = math.rsqrt %add3A_551 : vector<4x1xf32>
    %mul3A_553 = vector.broadcast %rsqrt3A_552 : vector<4x1xf32> to vector<4x256xf32>
    %mul3A_554 = arith.mulf %sub3A_548, %mul3A_553 : vector<4x256xf32>
    %get3A_555 = arith.constant 1 : index
    %get3A_556 = arith.constant 0 : index
    %get3A_557 = vector.load %arg6[%get3A_555, %get3A_556] : memref<8x256xf32, #tpu.memory_space<vmem>>, vector<1x256xf32>
    %mul3A_558 = vector.broadcast %get3A_557 : vector<1x256xf32> to vector<4x256xf32>
    %mul3A_559 = arith.mulf %mul3A_554, %mul3A_558 : vector<4x256xf32>
    %get3A_560 = arith.constant 2 : index
    %get3A_561 = arith.constant 0 : index
    %get3A_562 = vector.load %arg6[%get3A_560, %get3A_561] : memref<8x256xf32, #tpu.memory_space<vmem>>, vector<1x256xf32>
    %add3A_563 = vector.broadcast %get3A_562 : vector<1x256xf32> to vector<4x256xf32>
    %add3A_564 = arith.addf %mul3A_559, %add3A_563 : vector<4x256xf32>
    %swap3A_565 = arith.constant 0 : index
    %swap3A_566 = arith.constant 0 : index
    %swap3A_567 = vector.load %arg7[%swap3A_565, %swap3A_566] : memref<4x256xf32, #tpu.memory_space<vmem>>, vector<4x256xf32>
    tpu.vector_store %arg7[%swap3A_565, %swap3A_566], %add3A_564 {strides = array<i32>} : memref<4x256xf32, #tpu.memory_space<vmem>>, vector<4x256xf32>,
    return
  }
}

</mosaic_0001>

<sc_bundles>
// kernel: kernel.12.cloned.1.call-start
scs
__scs_entry_jumppad:
0x0: {  	(pc) =	sbr.rel $0x88, $3  }
0x1: {  	(tag) =	ssettag $0x0;
	lr =	simm.s32 $0x1  }
0x2: {  	[smem:$0x3F88] =	sst lr;
	_ =	strace $0xD0000000  }
0x3: {  	_ = 	snop  }
0x4: {  	_ = 	snop  }
0x5: {  	_ = 	snop  }
0x6: {  	_ = 	snop  }
0x7: {  	_ = 	snop  }
__scs_overlays_trampoline_lowered:
0x8: {  	[smem:$0x3F97] =	sst s0  }
0x9: {  	[smem:$0x3F98] =	sst s1  }
0xa: {  	[smem:$0x3F99] =	sst s2  }
0xb: {  	[smem:$0x3F9A] =	sst s3  }
0xc: {  	[smem:$0x3F9B] =	sst s4  }
0xd: {  	[smem:$0x3F9C] =	sst s5  }
0xe: {  	[smem:$0x3F9D] =	sst s6  }
0xf: {  	[smem:$0x3F9E] =	sst s7  }
0x10: {  	[smem:$0x3F9F] =	sst s8  }
0x11: {  	[smem:$0x3FA0] =	sst s9;
	s0 =	simm.s32 @!p0 $0x0  }
0x12: {  	s1 =	sld [smem:$0x3F86];
	s0 =	simm.s32 @p0 $0x1  }
0x13: {  	[smem:$0x3FA1] =	sst s0;
	s0 =	simm.s32 @!p1 $0x0  }
0x14: {  	s2 =	sld [smem:$0x3F85];
	s0 =	simm.s32 @p1 $0x1  }
0x15: {  	[smem:$0x3FA2] =	sst s0;
	s0 =	simm.s32 @!p2 $0x0  }
0x16: {  	s3 =	sld [smem:$0x3FDB];
	s0 =	simm.s32 @p2 $0x1  }
0x17: {  	s4 =	simm.s32 $0x1BF5;
	[smem:$0x3FA4] =	sst s0  }
0x18: {  	s0 =	sld [smem:$0x3F87];
	_ =	swait.ge [sflag:s4], $0x0  }
0x19: {  	s7 =	sld [smem:$0x3F88]  }
0x1a: {  	s8 =	sadd.s32 $0xFFFFE003, lr  }
0x1b: {  	s9 =	sadd.s32 $0xFFFFFEF7, lr;
	s5 =	simm.s32 $0xFFFFFFFF;
	p2 =	slt.u32 s8, $0xFFFFF086  }
0x1c: {  	p1 =	slt.u32 s9, $0xF7A;
	s5 =	simm.s32 @!p2 $0x0  }
0x1d: {  	s5 =	simm.s32 @p1 $0x1;
	p0 =	seq.s32 s7, s2  }
0x1e: {  	s7 =	smul.u32 @!p0 $0xF7A, s2;
	p2 =	seq.s32 @!p0 s5, $0x0  }
0x1f: {  	s9 =	smul.u32 $0xF7A, s1;
	s8 =	simm.s32 @!p0 $0x1BF5;
	p2 =	por !p2, p0  }
0x20: {  	[sflag:s8] =	ssyncset.s32 @!p0 $0xFFFFF086;
	s6 =	sadd.s32 @!p0 s3, s7;
	s7 =	simm.s32 @!p0 $0x108  }
0x21: {  	s3 =	sadd.s32 s3, s9;
	s6 =	sadd.s32 @!p0 $0x88, s6;
	s7 =	simm.s32 @p2 $0x1082  }
0x22: {  	[simem:s7], [sflag:s8] =	dma.local @!p0 [hbm:s6], $0xF7A  }
0x23: {  	s9 =	sor.u32 $0xD0000000, s2;
	s6 =	simm.s32 $0x108;
	_ =	swait.ge @!p0 [sflag:s8], $0x0  }
0x24: {  	s3 =	sadd.s32 $0x88, s3;
	s6 =	simm.s32 @!p1 $0x1082;
	[sflag:s4] =	ssyncset.s32 $0xFFFFF086  }
0x25: {  	[simem:s6], [sflag:s4] =	dma.local [hbm:s3], $0xF7A  }
0x26: {  	[smem:$0x3F88] =	sst s1;
	(tag) =	ssettag s2;
	_ =	strace s9  }
0x27: {  	s1 =	sld [smem:$0x3F98]  }
0x28: {  	s2 =	sld [smem:$0x3F99]  }
0x29: {  	s4 =	sld [smem:$0x3F9B]  }
0x2a: {  	p0 =	seq.s32 s5, $0x0;
	s5 =	sld [smem:$0x3F9C]  }
0x2b: {  	s6 =	sld [smem:$0x3F9D]  }
0x2c: {  	s7 =	sld [smem:$0x3F9E]  }
0x2d: {  	s3 =	simm.s32 $0x108;
	s8 =	sld [smem:$0x3F9F]  }
0x2e: {  	s3 =	simm.s32 @!p0 $0x1082;
	s9 =	sld [smem:$0x3FA0]  }
0x2f: {  	lr =	sadd.s32 s0, s3;
	s0 =	sld [smem:$0x3F97]  }
0x30: {  	s3 =	sld [smem:$0x3F9A]  }
0x31: {  	[smem:$0x3FA3] =	sst s10  }
0x32: {  	s10 =	sld [smem:$0x3FA1];
	_ =	sdelay $0x3  }
0x33: {  	p0 =	seq.s32 s10, $0x1;
	s10 =	sld [smem:$0x3FA3];
	_ =	sdelay $0x3  }
0x34: {  	[smem:$0x3FA3] =	sst s10  }
0x35: {  	s10 =	sld [smem:$0x3FA2];
	_ =	sdelay $0x3  }
0x36: {  	p1 =	seq.s32 s10, $0x1;
	s10 =	sld [smem:$0x3FA3];
	_ =	sdelay $0x3  }
0x37: {  	[smem:$0x3FA3] =	sst s10  }
0x38: {  	s10 =	sld [smem:$0x3FA4]  }
0x39: {  	_ = 	snop;
	(pc) =	sbr.ind lr, $3  }
0x3a: {  	_ = 	snop  }
0x3b: {  	_ = 	snop  }
0x3c: {  	p2 =	seq.s32 s10, $0x1;
	s10 =	sld [smem:$0x3FA3]  }
0x3d: {  	_ =	shalt  }
0x3e: {  	_ =	shalt  }
0x3f: {  	_ =	shalt  }
0x40: {  	_ =	shalt  }
0x41: {  	_ =	shalt  }
0x42: {  	_ =	shalt  }
0x43: {  	_ =	shalt  }
0x44: {  	_ =	shalt  }
0x45: {  	_ =	shalt  }
0x46: {  	_ =	shalt  }
0x47: {  	_ =	shalt  }
0x48: {  	_ =	shalt  }
0x49: {  	_ =	shalt  }
0x4a: {  	_ =	shalt  }
0x4b: {  	_ =	shalt  }
0x4c: {  	_ =	shalt  }
0x4d: {  	_ =	shalt  }
0x4e: {  	_ =	shalt  }
0x4f: {  	_ =	shalt  }
0x50: {  	_ =	shalt  }
0x51: {  	_ =	shalt  }
0x52: {  	_ =	shalt  }
0x53: {  	_ =	shalt  }
0x54: {  	_ =	shalt  }
0x55: {  	_ =	shalt  }
0x56: {  	_ =	shalt  }
0x57: {  	_ =	shalt  }
0x58: {  	_ =	shalt  }
0x59: {  	_ =	shalt  }
0x5a: {  	_ =	shalt  }
0x5b: {  	_ =	shalt  }
0x5c: {  	_ =	shalt  }
0x5d: {  	_ =	shalt  }
0x5e: {  	_ =	shalt  }
0x5f: {  	_ =	shalt  }
0x60: {  	_ =	shalt  }
0x61: {  	_ =	shalt  }
0x62: {  	_ =	shalt  }
0x63: {  	_ =	shalt  }
0x64: {  	_ =	shalt  }
0x65: {  	_ =	shalt  }
0x66: {  	_ =	shalt  }
0x67: {  	_ =	shalt  }
0x68: {  	_ =	shalt  }
0x69: {  	_ =	shalt  }
0x6a: {  	_ =	shalt  }
0x6b: {  	_ =	shalt  }
0x6c: {  	_ =	shalt  }
0x6d: {  	_ =	shalt  }
0x6e: {  	_ =	shalt  }
0x6f: {  	_ =	shalt  }
0x70: {  	_ =	shalt  }
0x71: {  	_ =	shalt  }
0x72: {  	_ =	shalt  }
0x73: {  	_ =	shalt  }
0x74: {  	_ =	shalt  }
0x75: {  	_ =	shalt  }
0x76: {  	_ =	shalt  }
0x77: {  	_ =	shalt  }
0x78: {  	_ =	shalt  }
0x79: {  	_ =	shalt  }
0x7a: {  	_ =	shalt  }
0x7b: {  	_ =	shalt  }
0x7c: {  	_ =	shalt  }
0x7d: {  	_ =	shalt  }
0x7e: {  	_ =	shalt  }
0x7f: {  	_ =	shalt  }
0x80: {  	_ =	shalt  }
0x81: {  	_ =	shalt  }
0x82: {  	_ =	shalt  }
0x83: {  	_ =	shalt  }
0x84: {  	_ =	shalt  }
0x85: {  	_ =	shalt  }
0x86: {  	_ =	shalt  }
0x87: {  	_ =	shalt  }
.Lfunc_end0:
.L_simem_size_0:
called_computation_lowered:
.L_overlay_start_0:
0x88: {  	s2 =	sld [smem:$0x3FD9]  }
0x89: {  	s3 =	sld [smem:$0x3FFE];
	_ =	sdelay $0x1  }
0x8a: {  	s1 =	srdreg.scid  }
0x8b: {  	s0 =	sand.u32 $0x1, s1  }
0x8c: {  	s16 =	sshll.u32 s0, $0xA;
	s2 =	sadd.s32 s3, s2  }
0x8d: {  	s2 =	sadd.s32 s2, s16  }
0x8e: {  	[smem:$0x3FAF] =	sst s2  }
0x8f: {  	_ = 	snop  }
0x90: {  	(tm) =	ssettm $0x1  }
0x91: {  	s17 =	sld [smem:$0x3FFB];
	_ =	sdelay $0x3  }
0x92: {  	_ =	strace s17  }
0x93: {  	s2 =	sld [smem:$0x3FFC];
	_ =	sdelay $0x3  }
0x94: {  	_ =	strace s2  }
0x95: {  	s2 =	sld [smem:$0x3FFD];
	_ =	sdelay $0x3  }
0x96: {  	_ =	strace s2  }
0x97: {  	_ =	strace $0x8FFFFFFF  }
0x98: {  	s18 =	sld [smem:$0x3FDB];
	_ =	sdelay $0x1  }
0x99: {  	s19 =	simm.s32 $_scs_section_size  }
0x9a: {  	s4 =	simm.s32 $_size__tile_overlayer_lowered;
	s5 =	simm.s32 $_tile_overlayer_lowered  }
0x9b: {  	s22 =	simm.s32 $0x1BFF;
	s21 =	sshll.u32 s5, $0x1;
	s2 =	sadd.s32 s19, s18  }
0x9c: {  	s6 =	simm.s32 $0x0;
	s20 =	sshll.u32 s4, $0x1;
	s4 =	sadd.s32 s21, s2  }
0x9d: {  	[timem:s6], [sflag:s22] =	dma.local [hbm:s4], s20  }
0x9e: {  	_ =	swait.ge [sflag:s22], s20  }
0x9f: {  	s3 =	ssub.s32 $0x0, s20;
	[sflag:s22] =	ssyncset.done $0x0  }
0xa0: {  	[sflag:s22] =	ssyncadd.s32 s3;
	_ =	sdelay $0x1  }
0xa1: {  	s23 =	simm.s32 $0x1B8B  }
0xa2: {  	_ =	swait.ge [sflag:s23], $0x1  }
0xa3: {  	[sflag:s23] =	ssyncset.done $0x0  }
0xa4: {  	s25 =	simm.s32 $0x1B8E;
	s24 =	sld [smem:$0x3FFE];
	[sflag:s23] =	ssyncadd.s32 $0xFFFFFFFF  }
0xa5: {  	s26 =	simm.s32 $execute0_lowered;
	[smem:$0x3FD2] =	sst s25  }
0xa6: {  	s4 =	sshll.u32 s26, $0x1;
	_ =	strace $0x80000046;
	[dreg:$0x1] =	wrdreg $0xFFFFFFFF  }
0xa7: {  	s28 =	simm.s32 $_size_execute0_lowered;
	s2 =	sadd.s32 s2, s4;
	[dreg:$0x0] =	wrdreg $0x0  }
0xa8: {  	s4 =	sshll.u32 s28, $0x1;
	[dreg:$0x2] =	wrdreg s2  }
0xa9: {  	[dreg:$0x3] =	wrdreg s4  }
0xaa: {  	[dreg:$0x4] =	wrdreg $0xC0  }
0xab: {  	_ =	task [dreg:s6], $0x5FFFF  }
0xac: {  	[dreg:$0x1] =	wrdreg $0xFFFFFFFF  }
0xad: {  	[dreg:$0x0] =	wrdreg $0x60  }
0xae: {  	[dreg:$0x2] =	wrdreg s24  }
0xaf: {  	[dreg:$0x3] =	wrdreg $0x9  }
0xb0: {  	_ =	task.clear_ibuf [dreg:s6], $0x4FFFF;
	_ =	strace $0x90000046  }
0xb1: {  	s29 =	simm.s32 $0x9;
	_ =	strace $0x80000048  }
0xb2: {  	_ =	swait.ge [sflag:s29], $0x1  }
0xb3: {  	[sflag:s29] =	ssyncadd.s32 $0xFFFFFFFF  }
0xb4: {  	_ =	strace $0x90000048  }
0xb5: {  	_ =	sfence  }
0xb6: {  	s30 =	sld [smem:$0x0];
	_ =	sdelay $0x2  }
0xb7: {  	s31 =	sshll.u32 s1, $0xD;
	s1 =	sshrl.u32 s1, $0x2  }
0xb8: {  	s3 =	sand.u32 $0x4000, s31;
	s1 =	sadd.s32 s1, s30  }
0xb9: {  	s0 =	sor.u32 s3, s0;
	s1 =	sshll.u32 s1, $0x11  }
0xba: {  	s0 =	sor.u32 s1, s0  }
0xbb: {  	s0 =	sadd.s32 $0x8F2B, s0  }
0xbc: {  	[sflag:s0] =	ssyncadd.remote.s32 $0x1  }
0xbd: {  	_ =	sfence.sel $0xFFFF  }
0xbe: {  	[dreg:$0x0] =	wrdreg $0xFFFFFFFF;
	(pc) =	sbr.abs _section_cstart, $3  }
0xbf: {  	[dreg:$0x1] =	wrdreg $0xFFFFFFFF  }
0xc0: {  	_ =	task.clear_ibuf [dreg:s6], $0x2FFFF;
	_ =	strace $0x9FFFFFFF  }
0xc1: {  	(tm) =	ssettm $0x7FFFFFFF  }
tec
execute0_lowered:
.L_overlay_start_1:
0x0: {  	(tag) =	ssettag $0x1  }
0x1: {  	s5 =	rddreg [dreg:$0x0]  }
0x2: {  	s0 =	rddreg [dreg:$0x1]  }
0x3: {  	s3 =	srdreg.scid;
	s1 =	stileid.u32;
	s2 =	simm.s32 $0x0  }
0x4: {  	s10 =	simm.s32 $0x708;
	s6 =	sand.u32 $0x1, s3;
	s28 =	sshll.u32 s1, $0x1  }
0x5: {  	[smem:$0x7FF] =	sst s2;
	s4 =	sadd.s32 $0x913E00, s5;
	s30 =	sshll.u32 s1, $0x11  }
0x6: {  	s9 =	sshll.u32 s1, $0xD;
	s3 =	sor.u32 s6, s28;
	_ =	strace $0x80000047  }
0x7: {  	s8 =	ssub.s32 $0x2, s6;
	p0 =	seq.s32 s6, $0x1;
	s31 =	sor.u32 s9, s30  }
0x8: {  	s9 =	simm.s32 $0x1CC00;
	s7 =	smul.u32 $0x3880, s3;
	s29 =	sshrl.u32 s8, $0x1  }
0x9: {  	s3 =	sadd.s32 $0x3E00, s5;
	s10 =	simm.s32 @!p0 $0x0;
	s8 =	ssub.s32 s8, s29  }
0xa: {  	v1 =	vmov s10;
	s10 =	simm.s32 $0x0;
	s7 =	sadd.s32 s7, s5;
	s5 =	sand.u32 $0x78000, s31  }
0xb: {  	v0 =	vimm.f32 $0.0e+00;
	s6 =	sadd.s32 $0x13E00, s7;
	s7 =	smax.u32 s8, $0x1;
	s8 =	simm.s32 $0x1  }
.LBB2_1:
0xc: {  	s11 =	simm.s32 $0x40;
	s12 =	simm.s32 $0x0  }
.LBB2_2:
0xd: {  	p0 =	sne.s32 s11, $0x70FC0;
	[tilespmem:s12+$0x0] =	vst v0;
	s12 =	smov.u32 s11;
	s11 =	sadd.s32 $0x40, s11  }
.Ltmp0:
0xe: {  	(pc) =	sbr.rel @p0 .LBB2_2-.Ltmp0, $2  }
0xf: {  	_ =	sdelay $0x2  }
0x10: {  	s12 =	sshra.s32 s12, $0x2  }
0x11: {  	[tilespmem:s12+$0x0] =	vst v0;
	s11 =	simm.s32 $0x0;
	s12 =	simm.s32 $0x0  }
.LBB2_4:
0x12: {  	s13 =	sshll.u32 s12, $0xB  }
0x13: {  	s13 =	sadd.s32 s5, s13  }
0x14: {  	s14 =	sshrl.u32 s13, $0x3  }
0x15: {  	s15 =	sadd.s32 s3, s14;
	s14 =	simm.s32 $0x1C400  }
0x16: {  	[tilespmem:s14], [sflag:$0x1] =	stream.linear.gather [hbm4b:s15+s11], $0x800, $0x38;
	[tilespmem:$0x1EC00] =	vst v63  }
0x17: {  	_ =	swait.ge [sflag:s8], $0x800  }
0x18: {  	[sflag:s8] =	ssyncset.done $0x0  }
0x19: {  	s15 =	simm.s32 $0x0;
	[sflag:s8] =	ssyncadd.s32 $0xFFFFF800  }
.LBB2_5:
0x1a: {  	s16 =	sshll.u32 s15, $0x7  }
0x1b: {  	s16 =	sadd.s32 s13, s16  }
0x1c: {  	s16 =	sshll.u32 s16, $0x3  }
0x1d: {  	s17 =	sadd.s32 s4, s16;
	s16 =	simm.s32 $0x0  }
0x1e: {  	v2 =	vmov s14;
	[tilespmem:s9], [sflag:$0x1] =	stream.linear.gather [hbm4b:s17+s16], $0x2000, $0x38;
	[tilespmem:$0x1EC00] =	vst v63  }
0x1f: {  	_ =	swait.ge [sflag:s8], $0x2000  }
0x20: {  	[sflag:s8] =	ssyncset.done $0x0  }
0x21: {  	s17 =	simm.s32 $0x1CE00;
	[sflag:s8] =	ssyncadd.s32 $0xFFFFE000  }
.LBB2_6:
0x22: {  	s18 =	sshra.s32 s16, $0x2  }
0x23: {  	v3 =	vld.idx.msk [tilespmem:v2+s18+$0x0 ss:$0x1], $0xffff;
	_ =	sdelay $0x4  }
0x24: {  	v3 =	vsub.s32 v3, v1  }
0x25: {  	(v2sf) =	vpush v3, $0x0;
	_ =	sdelay $0xe  }
0x26: {  	s24 =	spop (v2sf)  }
0x27: {  	s18 =	smin.u32 s24, $0x708  }
0x28: {  	v4 =	vld [tilespmem:s17+$0xFFFFFE00];
	s18 =	sshll.u32 s18, $0x6  }
0x29: {  	v5 =	vld [tilespmem:s18+$0x0];
	_ =	sdelay $0x4  }
0x2a: {  	v4 =	vmax.f32 v5, v4  }
0x2b: {  	v57 =	vld [tilespmem:s18+$0x10];
	[tilespmem:s18+$0x0] =	vst v4  }
0x2c: {  	v4 =	vld [tilespmem:s17+$0xFFFFFE10];
	_ =	sdelay $0x3  }
0x2d: {  	(v2sf) =	vpush v3, $0x1  }
0x2e: {  	v4 =	vmax.f32 v57, v4  }
0x2f: {  	v58 =	vld [tilespmem:s18+$0x20];
	[tilespmem:s18+$0x10] =	vst v4  }
0x30: {  	v4 =	vld [tilespmem:s17+$0xFFFFFE20];
	_ =	sdelay $0x4  }
0x31: {  	v4 =	vmax.f32 v58, v4  }
0x32: {  	v59 =	vld [tilespmem:s18+$0x30];
	[tilespmem:s18+$0x20] =	vst v4  }
0x33: {  	v4 =	vld [tilespmem:s17+$0xFFFFFE30];
	_ =	sdelay $0x4  }
0x34: {  	s19 =	spop (v2sf);
	v4 =	vmax.f32 v59, v4  }
0x35: {  	s25 =	smin.u32 s19, $0x708;
	[tilespmem:s18+$0x30] =	vst v4  }
0x36: {  	s18 =	sshll.u32 s25, $0x6;
	v4 =	vld [tilespmem:s17+$0xFFFFFE40]  }
0x37: {  	v60 =	vld [tilespmem:s18+$0x0];
	_ =	sdelay $0x4  }
0x38: {  	v4 =	vmax.f32 v60, v4  }
0x39: {  	v61 =	vld [tilespmem:s18+$0x10];
	[tilespmem:s18+$0x0] =	vst v4  }
0x3a: {  	v4 =	vld [tilespmem:s17+$0xFFFFFE50];
	_ =	sdelay $0x3  }
0x3b: {  	(v2sf) =	vpush v3, $0x2  }
0x3c: {  	v4 =	vmax.f32 v61, v4  }
0x3d: {  	v62 =	vld [tilespmem:s18+$0x20];
	[tilespmem:s18+$0x10] =	vst v4  }
0x3e: {  	v4 =	vld [tilespmem:s17+$0xFFFFFE60];
	_ =	sdelay $0x4  }
0x3f: {  	v4 =	vmax.f32 v62, v4  }
0x40: {  	v63 =	vld [tilespmem:s18+$0x30];
	[tilespmem:s18+$0x20] =	vst v4  }
0x41: {  	v4 =	vld [tilespmem:s17+$0xFFFFFE70];
	_ =	sdelay $0x4  }
0x42: {  	s26 =	spop (v2sf);
	v4 =	vmax.f32 v63, v4  }
0x43: {  	s28 =	smin.u32 s26, $0x708;
	[tilespmem:s18+$0x30] =	vst v4  }
0x44: {  	s18 =	sshll.u32 s28, $0x6;
	v4 =	vld [tilespmem:s17+$0xFFFFFE80]  }
0x45: {  	v8 =	vld [tilespmem:s18+$0x0];
	_ =	sdelay $0x4  }
0x46: {  	v4 =	vmax.f32 v8, v4  }
0x47: {  	v9 =	vld [tilespmem:s18+$0x10];
	[tilespmem:s18+$0x0] =	vst v4  }
0x48: {  	v4 =	vld [tilespmem:s17+$0xFFFFFE90];
	_ =	sdelay $0x3  }
0x49: {  	(v2sf) =	vpush v3, $0x3  }
0x4a: {  	v4 =	vmax.f32 v9, v4  }
0x4b: {  	v10 =	vld [tilespmem:s18+$0x20];
	[tilespmem:s18+$0x10] =	vst v4  }
0x4c: {  	v4 =	vld [tilespmem:s17+$0xFFFFFEA0];
	_ =	sdelay $0x4  }
0x4d: {  	v4 =	vmax.f32 v10, v4  }
0x4e: {  	v11 =	vld [tilespmem:s18+$0x30];
	[tilespmem:s18+$0x20] =	vst v4  }
0x4f: {  	v4 =	vld [tilespmem:s17+$0xFFFFFEB0];
	_ =	sdelay $0x4  }
0x50: {  	s29 =	spop (v2sf);
	v4 =	vmax.f32 v11, v4  }
0x51: {  	s30 =	smin.u32 s29, $0x708;
	[tilespmem:s18+$0x30] =	vst v4  }
0x52: {  	s18 =	sshll.u32 s30, $0x6;
	v4 =	vld [tilespmem:s17+$0xFFFFFEC0]  }
0x53: {  	v12 =	vld [tilespmem:s18+$0x0];
	_ =	sdelay $0x4  }
0x54: {  	v4 =	vmax.f32 v12, v4  }
0x55: {  	v13 =	vld [tilespmem:s18+$0x10];
	[tilespmem:s18+$0x0] =	vst v4  }
0x56: {  	v4 =	vld [tilespmem:s17+$0xFFFFFED0];
	_ =	sdelay $0x3  }
0x57: {  	(v2sf) =	vpush v3, $0x4  }
0x58: {  	v4 =	vmax.f32 v13, v4  }
0x59: {  	v14 =	vld [tilespmem:s18+$0x20];
	[tilespmem:s18+$0x10] =	vst v4  }
0x5a: {  	v4 =	vld [tilespmem:s17+$0xFFFFFEE0];
	_ =	sdelay $0x4  }
0x5b: {  	v4 =	vmax.f32 v14, v4  }
0x5c: {  	v15 =	vld [tilespmem:s18+$0x30];
	[tilespmem:s18+$0x20] =	vst v4  }
0x5d: {  	v4 =	vld [tilespmem:s17+$0xFFFFFEF0];
	_ =	sdelay $0x4  }
0x5e: {  	s31 =	spop (v2sf);
	v4 =	vmax.f32 v15, v4  }
0x5f: {  	s19 =	smin.u32 s31, $0x708;
	[tilespmem:s18+$0x30] =	vst v4  }
0x60: {  	s18 =	sshll.u32 s19, $0x6;
	v4 =	vld [tilespmem:s17+$0xFFFFFF00]  }
0x61: {  	v16 =	vld [tilespmem:s18+$0x0];
	_ =	sdelay $0x4  }
0x62: {  	v4 =	vmax.f32 v16, v4  }
0x63: {  	v17 =	vld [tilespmem:s18+$0x10];
	[tilespmem:s18+$0x0] =	vst v4  }
0x64: {  	v4 =	vld [tilespmem:s17+$0xFFFFFF10];
	_ =	sdelay $0x3  }
0x65: {  	(v2sf) =	vpush v3, $0x5  }
0x66: {  	v4 =	vmax.f32 v17, v4  }
0x67: {  	v18 =	vld [tilespmem:s18+$0x20];
	[tilespmem:s18+$0x10] =	vst v4  }
0x68: {  	v4 =	vld [tilespmem:s17+$0xFFFFFF20];
	_ =	sdelay $0x4  }
0x69: {  	v4 =	vmax.f32 v18, v4  }
0x6a: {  	v19 =	vld [tilespmem:s18+$0x30];
	[tilespmem:s18+$0x20] =	vst v4  }
0x6b: {  	v4 =	vld [tilespmem:s17+$0xFFFFFF30];
	_ =	sdelay $0x4  }
0x6c: {  	s20 =	spop (v2sf);
	v4 =	vmax.f32 v19, v4  }
0x6d: {  	s21 =	smin.u32 s20, $0x708;
	[tilespmem:s18+$0x30] =	vst v4  }
0x6e: {  	s18 =	sshll.u32 s21, $0x6;
	v4 =	vld [tilespmem:s17+$0xFFFFFF40]  }
0x6f: {  	v20 =	vld [tilespmem:s18+$0x0];
	_ =	sdelay $0x4  }
0x70: {  	v4 =	vmax.f32 v20, v4  }
0x71: {  	v21 =	vld [tilespmem:s18+$0x10];
	[tilespmem:s18+$0x0] =	vst v4  }
0x72: {  	v4 =	vld [tilespmem:s17+$0xFFFFFF50];
	_ =	sdelay $0x3  }
0x73: {  	(v2sf) =	vpush v3, $0x6  }
0x74: {  	v4 =	vmax.f32 v21, v4  }
0x75: {  	v22 =	vld [tilespmem:s18+$0x20];
	[tilespmem:s18+$0x10] =	vst v4  }
0x76: {  	v4 =	vld [tilespmem:s17+$0xFFFFFF60];
	_ =	sdelay $0x4  }
0x77: {  	v4 =	vmax.f32 v22, v4  }
0x78: {  	v23 =	vld [tilespmem:s18+$0x30];
	[tilespmem:s18+$0x20] =	vst v4  }
0x79: {  	v4 =	vld [tilespmem:s17+$0xFFFFFF70];
	_ =	sdelay $0x4  }
0x7a: {  	s22 =	spop (v2sf);
	v4 =	vmax.f32 v23, v4  }
0x7b: {  	s23 =	smin.u32 s22, $0x708;
	[tilespmem:s18+$0x30] =	vst v4  }
0x7c: {  	s18 =	sshll.u32 s23, $0x6;
	v4 =	vld [tilespmem:s17+$0xFFFFFF80]  }
0x7d: {  	v24 =	vld [tilespmem:s18+$0x0];
	_ =	sdelay $0x4  }
0x7e: {  	v4 =	vmax.f32 v24, v4  }
0x7f: {  	v25 =	vld [tilespmem:s18+$0x10];
	[tilespmem:s18+$0x0] =	vst v4  }
0x80: {  	v4 =	vld [tilespmem:s17+$0xFFFFFF90];
	_ =	sdelay $0x3  }
0x81: {  	(v2sf) =	vpush v3, $0x7  }
0x82: {  	v4 =	vmax.f32 v25, v4  }
0x83: {  	v26 =	vld [tilespmem:s18+$0x20];
	[tilespmem:s18+$0x10] =	vst v4  }
0x84: {  	v4 =	vld [tilespmem:s17+$0xFFFFFFA0];
	_ =	sdelay $0x4  }
0x85: {  	v4 =	vmax.f32 v26, v4  }
0x86: {  	v27 =	vld [tilespmem:s18+$0x30];
	[tilespmem:s18+$0x20] =	vst v4  }
0x87: {  	v4 =	vld [tilespmem:s17+$0xFFFFFFB0];
	_ =	sdelay $0x4  }
0x88: {  	s24 =	spop (v2sf);
	v4 =	vmax.f32 v27, v4  }
0x89: {  	s25 =	smin.u32 s24, $0x708;
	[tilespmem:s18+$0x30] =	vst v4  }
0x8a: {  	s18 =	sshll.u32 s25, $0x6;
	v4 =	vld [tilespmem:s17+$0xFFFFFFC0]  }
0x8b: {  	v28 =	vld [tilespmem:s18+$0x0];
	_ =	sdelay $0x4  }
0x8c: {  	v4 =	vmax.f32 v28, v4  }
0x8d: {  	v29 =	vld [tilespmem:s18+$0x10];
	[tilespmem:s18+$0x0] =	vst v4  }
0x8e: {  	v4 =	vld [tilespmem:s17+$0xFFFFFFD0];
	_ =	sdelay $0x3  }
0x8f: {  	(v2sf) =	vpush v3, $0x8  }
0x90: {  	v4 =	vmax.f32 v29, v4  }
0x91: {  	v30 =	vld [tilespmem:s18+$0x20];
	[tilespmem:s18+$0x10] =	vst v4  }
0x92: {  	v4 =	vld [tilespmem:s17+$0xFFFFFFE0];
	_ =	sdelay $0x4  }
0x93: {  	v4 =	vmax.f32 v30, v4  }
0x94: {  	v31 =	vld [tilespmem:s18+$0x30];
	[tilespmem:s18+$0x20] =	vst v4  }
0x95: {  	v4 =	vld [tilespmem:s17+$0xFFFFFFF0];
	_ =	sdelay $0x4  }
0x96: {  	s26 =	spop (v2sf);
	v4 =	vmax.f32 v31, v4  }
0x97: {  	s28 =	smin.u32 s26, $0x708;
	[tilespmem:s18+$0x30] =	vst v4  }
0x98: {  	s18 =	sshll.u32 s28, $0x6;
	v4 =	vld [tilespmem:s17+$0x0]  }
0x99: {  	v32 =	vld [tilespmem:s18+$0x0];
	_ =	sdelay $0x4  }
0x9a: {  	v4 =	vmax.f32 v32, v4  }
0x9b: {  	v33 =	vld [tilespmem:s18+$0x10];
	[tilespmem:s18+$0x0] =	vst v4  }
0x9c: {  	v4 =	vld [tilespmem:s17+$0x10];
	_ =	sdelay $0x3  }
0x9d: {  	(v2sf) =	vpush v3, $0x9  }
0x9e: {  	v4 =	vmax.f32 v33, v4  }
0x9f: {  	v34 =	vld [tilespmem:s18+$0x20];
	[tilespmem:s18+$0x10] =	vst v4  }
0xa0: {  	v4 =	vld [tilespmem:s17+$0x20];
	_ =	sdelay $0x4  }
0xa1: {  	v4 =	vmax.f32 v34, v4  }
0xa2: {  	v35 =	vld [tilespmem:s18+$0x30];
	[tilespmem:s18+$0x20] =	vst v4  }
0xa3: {  	v4 =	vld [tilespmem:s17+$0x30];
	_ =	sdelay $0x4  }
0xa4: {  	s29 =	spop (v2sf);
	v4 =	vmax.f32 v35, v4  }
0xa5: {  	s30 =	smin.u32 s29, $0x708;
	[tilespmem:s18+$0x30] =	vst v4  }
0xa6: {  	s18 =	sshll.u32 s30, $0x6;
	v4 =	vld [tilespmem:s17+$0x40]  }
0xa7: {  	v36 =	vld [tilespmem:s18+$0x0];
	_ =	sdelay $0x4  }
0xa8: {  	v4 =	vmax.f32 v36, v4  }
0xa9: {  	v37 =	vld [tilespmem:s18+$0x10];
	[tilespmem:s18+$0x0] =	vst v4  }
0xaa: {  	v4 =	vld [tilespmem:s17+$0x50];
	_ =	sdelay $0x3  }
0xab: {  	(v2sf) =	vpush v3, $0xA  }
0xac: {  	v4 =	vmax.f32 v37, v4  }
0xad: {  	v38 =	vld [tilespmem:s18+$0x20];
	[tilespmem:s18+$0x10] =	vst v4  }
0xae: {  	v4 =	vld [tilespmem:s17+$0x60];
	_ =	sdelay $0x4  }
0xaf: {  	v4 =	vmax.f32 v38, v4  }
0xb0: {  	v39 =	vld [tilespmem:s18+$0x30];
	[tilespmem:s18+$0x20] =	vst v4  }
0xb1: {  	v4 =	vld [tilespmem:s17+$0x70];
	_ =	sdelay $0x4  }
0xb2: {  	s31 =	spop (v2sf);
	v4 =	vmax.f32 v39, v4  }
0xb3: {  	s20 =	smin.u32 s31, $0x708;
	[tilespmem:s18+$0x30] =	vst v4  }
0xb4: {  	s18 =	sshll.u32 s20, $0x6;
	v4 =	vld [tilespmem:s17+$0x80]  }
0xb5: {  	v40 =	vld [tilespmem:s18+$0x0];
	_ =	sdelay $0x4  }
0xb6: {  	v4 =	vmax.f32 v40, v4  }
0xb7: {  	v41 =	vld [tilespmem:s18+$0x10];
	[tilespmem:s18+$0x0] =	vst v4  }
0xb8: {  	v4 =	vld [tilespmem:s17+$0x90];
	_ =	sdelay $0x3  }
0xb9: {  	(v2sf) =	vpush v3, $0xB  }
0xba: {  	v4 =	vmax.f32 v41, v4  }
0xbb: {  	v42 =	vld [tilespmem:s18+$0x20];
	[tilespmem:s18+$0x10] =	vst v4  }
0xbc: {  	v4 =	vld [tilespmem:s17+$0xA0];
	_ =	sdelay $0x4  }
0xbd: {  	v4 =	vmax.f32 v42, v4  }
0xbe: {  	v43 =	vld [tilespmem:s18+$0x30];
	[tilespmem:s18+$0x20] =	vst v4  }
0xbf: {  	v4 =	vld [tilespmem:s17+$0xB0];
	_ =	sdelay $0x4  }
0xc0: {  	s21 =	spop (v2sf);
	v4 =	vmax.f32 v43, v4  }
0xc1: {  	s22 =	smin.u32 s21, $0x708;
	[tilespmem:s18+$0x30] =	vst v4  }
0xc2: {  	s18 =	sshll.u32 s22, $0x6;
	v4 =	vld [tilespmem:s17+$0xC0]  }
0xc3: {  	v44 =	vld [tilespmem:s18+$0x0];
	_ =	sdelay $0x4  }
0xc4: {  	v4 =	vmax.f32 v44, v4  }
0xc5: {  	v45 =	vld [tilespmem:s18+$0x10];
	[tilespmem:s18+$0x0] =	vst v4  }
0xc6: {  	v4 =	vld [tilespmem:s17+$0xD0];
	_ =	sdelay $0x3  }
0xc7: {  	(v2sf) =	vpush v3, $0xC  }
0xc8: {  	v4 =	vmax.f32 v45, v4  }
0xc9: {  	v46 =	vld [tilespmem:s18+$0x20];
	[tilespmem:s18+$0x10] =	vst v4  }
0xca: {  	v4 =	vld [tilespmem:s17+$0xE0];
	_ =	sdelay $0x4  }
0xcb: {  	v4 =	vmax.f32 v46, v4  }
0xcc: {  	v47 =	vld [tilespmem:s18+$0x30];
	[tilespmem:s18+$0x20] =	vst v4  }
0xcd: {  	v4 =	vld [tilespmem:s17+$0xF0];
	_ =	sdelay $0x4  }
0xce: {  	s23 =	spop (v2sf);
	v4 =	vmax.f32 v47, v4  }
0xcf: {  	s24 =	smin.u32 s23, $0x708;
	[tilespmem:s18+$0x30] =	vst v4  }
0xd0: {  	s18 =	sshll.u32 s24, $0x6;
	v4 =	vld [tilespmem:s17+$0x100]  }
0xd1: {  	v48 =	vld [tilespmem:s18+$0x0];
	_ =	sdelay $0x4  }
0xd2: {  	v4 =	vmax.f32 v48, v4  }
0xd3: {  	v49 =	vld [tilespmem:s18+$0x10];
	[tilespmem:s18+$0x0] =	vst v4  }
0xd4: {  	v4 =	vld [tilespmem:s17+$0x110];
	_ =	sdelay $0x3  }
0xd5: {  	(v2sf) =	vpush v3, $0xD  }
0xd6: {  	v4 =	vmax.f32 v49, v4  }
0xd7: {  	v50 =	vld [tilespmem:s18+$0x20];
	[tilespmem:s18+$0x10] =	vst v4  }
0xd8: {  	v4 =	vld [tilespmem:s17+$0x120];
	_ =	sdelay $0x4  }
0xd9: {  	v4 =	vmax.f32 v50, v4  }
0xda: {  	v51 =	vld [tilespmem:s18+$0x30];
	[tilespmem:s18+$0x20] =	vst v4  }
0xdb: {  	v4 =	vld [tilespmem:s17+$0x130];
	_ =	sdelay $0x4  }
0xdc: {  	s25 =	spop (v2sf);
	v4 =	vmax.f32 v51, v4  }
0xdd: {  	s26 =	smin.u32 s25, $0x708;
	[tilespmem:s18+$0x30] =	vst v4  }
0xde: {  	s18 =	sshll.u32 s26, $0x6;
	v4 =	vld [tilespmem:s17+$0x140]  }
0xdf: {  	v52 =	vld [tilespmem:s18+$0x0];
	_ =	sdelay $0x4  }
0xe0: {  	v4 =	vmax.f32 v52, v4  }
0xe1: {  	v53 =	vld [tilespmem:s18+$0x10];
	[tilespmem:s18+$0x0] =	vst v4  }
0xe2: {  	v4 =	vld [tilespmem:s17+$0x150];
	_ =	sdelay $0x3  }
0xe3: {  	(v2sf) =	vpush v3, $0xE  }
0xe4: {  	v4 =	vmax.f32 v53, v4  }
0xe5: {  	v54 =	vld [tilespmem:s18+$0x20];
	[tilespmem:s18+$0x10] =	vst v4  }
0xe6: {  	v4 =	vld [tilespmem:s17+$0x160];
	_ =	sdelay $0x4  }
0xe7: {  	v4 =	vmax.f32 v54, v4  }
0xe8: {  	v55 =	vld [tilespmem:s18+$0x30];
	[tilespmem:s18+$0x20] =	vst v4  }
0xe9: {  	v4 =	vld [tilespmem:s17+$0x170];
	_ =	sdelay $0x4  }
0xea: {  	s28 =	spop (v2sf);
	v4 =	vmax.f32 v55, v4  }
0xeb: {  	s29 =	smin.u32 s28, $0x708;
	[tilespmem:s18+$0x30] =	vst v4  }
0xec: {  	s18 =	sshll.u32 s29, $0x6;
	v4 =	vld [tilespmem:s17+$0x180]  }
0xed: {  	v56 =	vld [tilespmem:s18+$0x0];
	_ =	sdelay $0x4  }
0xee: {  	v4 =	vmax.f32 v56, v4  }
0xef: {  	v57 =	vld [tilespmem:s18+$0x10];
	[tilespmem:s18+$0x0] =	vst v4  }
0xf0: {  	v4 =	vld [tilespmem:s17+$0x190];
	_ =	sdelay $0x3  }
0xf1: {  	(v2sf) =	vpush v3, $0xF  }
0xf2: {  	v4 =	vmax.f32 v57, v4  }
0xf3: {  	v58 =	vld [tilespmem:s18+$0x20];
	[tilespmem:s18+$0x10] =	vst v4  }
0xf4: {  	v3 =	vld [tilespmem:s17+$0x1A0];
	_ =	sdelay $0x4  }
0xf5: {  	v3 =	vmax.f32 v58, v3  }
0xf6: {  	v59 =	vld [tilespmem:s18+$0x30];
	[tilespmem:s18+$0x20] =	vst v3  }
0xf7: {  	v3 =	vld [tilespmem:s17+$0x1B0];
	_ =	sdelay $0x4  }
0xf8: {  	s30 =	spop (v2sf);
	v3 =	vmax.f32 v59, v3  }
0xf9: {  	s31 =	smin.u32 s30, $0x708;
	[tilespmem:s18+$0x30] =	vst v3  }
0xfa: {  	s18 =	sshll.u32 s31, $0x6;
	v3 =	vld [tilespmem:s17+$0x1C0]  }
0xfb: {  	v60 =	vld [tilespmem:s18+$0x0];
	_ =	sdelay $0x4  }
0xfc: {  	v3 =	vmax.f32 v60, v3  }
0xfd: {  	v61 =	vld [tilespmem:s18+$0x10];
	[tilespmem:s18+$0x0] =	vst v3  }
0xfe: {  	v3 =	vld [tilespmem:s17+$0x1D0];
	_ =	sdelay $0x4  }
0xff: {  	v3 =	vmax.f32 v61, v3  }
0x100: {  	v62 =	vld [tilespmem:s18+$0x20];
	[tilespmem:s18+$0x10] =	vst v3  }
0x101: {  	v3 =	vld [tilespmem:s17+$0x1E0];
	_ =	sdelay $0x4  }
0x102: {  	v3 =	vmax.f32 v62, v3  }
0x103: {  	v63 =	vld [tilespmem:s18+$0x30];
	[tilespmem:s18+$0x20] =	vst v3  }
0x104: {  	v3 =	vld [tilespmem:s17+$0x1F0]  }
0x105: {  	p0 =	sne.s32 s16, $0x1C0  }
.Ltmp1:
0x106: {  	_ = 	snop;
	(pc) =	sbr.rel @p0 .LBB2_6-.Ltmp1, $3  }
0x107: {  	_ =	sdelay $0x1  }
0x108: {  	v3 =	vmax.f32 v63, v3  }
0x109: {  	s16 =	sadd.s32 $0x40, s16;
	s17 =	sadd.s32 $0x400, s17;
	[tilespmem:s18+$0x30] =	vst v3  }
0x10a: {  	s15 =	sadd.s32 $0x1, s15  }
0x10b: {  	p0 =	sne.s32 s15, $0x10  }
.Ltmp2:
0x10c: {  	_ = 	snop;
	(pc) =	sbr.rel @p0 .LBB2_5-.Ltmp2, $2  }
0x10d: {  	_ =	sdelay $0x2  }
0x10e: {  	s14 =	sadd.s32 $0x80, s14  }
0x10f: {  	s12 =	sadd.s32 $0x1, s12  }
0x110: {  	p0 =	sne.s32 s12, $0x10  }
.Ltmp3:
0x111: {  	_ = 	snop;
	(pc) =	sbr.rel @p0 .LBB2_4-.Ltmp3, $1  }
0x112: {  	_ =	sdelay $0x3  }
0x113: {  	s10 =	sadd.s32 $0x1, s10  }
0x114: {  	p0 =	sne.s32 s10, s7  }
.Ltmp4:
0x115: {  	_ = 	snop;
	(pc) =	sbr.rel @p0 .LBB2_1-.Ltmp4, $4  }
0x116: {  	[hbm4b:s6+s2] =	stream.linear.scatter [tilespmem:s2], [sflag:$0x1], $0x1C400, $0x38;
	[tilespmem:$0x1EC00] =	vst v63  }
0x117: {  	_ =	swait.ge [sflag:s8], $0x1C400  }
0x118: {  	[sflag:s8] =	ssyncset.done $0x0  }
0x119: {  	[sflag:s8] =	ssyncadd.s32 $0xFFFE3C00  }
0x11a: {  	_ =	sfence.sel $0x180000  }
0x11b: {  	[bflag:$0x0] =	sbarrier.arrive $0xFFFF  }
0x11c: {  	p0 =	sne.s32 s1, $0x0;
	_ =	strace $0x90000047  }
0x11d: {  	s0 =	sadd.s32 @!p0 $0x100000, s0;
	[bflag:$0x2] =	sbarrier.arrive $0xFFFF  }
0x11e: {  	[sflag:s0] =	ssyncadd.tile.s32 @!p0 $0x1;
	_ =	shalt  }
.Lfunc_end2:
_tile_overlayer_lowered:
.L_overlay_start_2:
0x11f: {  	(tag) =	ssettag $0x2  }
0x120: {  	s0 =	rddreg [dreg:$0x0];
	s2 =	stileid.u32  }
0x121: {  	s1 =	rddreg [dreg:$0x1];
	p0 =	sne.s32 s2, $0x0  }
0x122: {  	s3 =	rddreg [dreg:$0x2];
	[bflag:$0x3] =	sbarrier.arrive $0xFFFF;
	s2 =	simm.s32 @!p0 $0x1C01  }
0x123: {  	[timem:s3], [sflag:s2] =	dma.local @!p0 [hbm:s0], s1  }
0x124: {  	s0 =	simm.s32 @!p0 $0x1  }
0x125: {  	_ =	swait.ge @!p0 [sflag:s0], s1  }
0x126: {  	s1 =	ssub.s32 @!p0 $0x0, s1;
	[sflag:s0] =	ssyncset.done @!p0 $0x0  }
0x127: {  	[sflag:s0] =	ssyncadd.s32 @!p0 s1  }
0x128: {  	[bflag:$0x3] =	sbarrier.arrive $0xFFFF  }
0x129: {  	_ =	shalt  }

</sc_bundles>
